<compile_context>
chip_gen: v7x
topology: tpu7x:2x2x1
jax: 0.10.2.dev20260603
libtpu: 0.0.44.dev20260713+nightly
codegen_flags: <defaults>
</compile_context>

<pallas_src>
import functools

import jax
import jax.numpy as jnp
from jax import lax
from jax.experimental import pallas as pl
from jax.experimental.pallas import tpu as pltpu
from jax.experimental.pallas import tpu_sc as plsc

N_NODES = 10000
N_EDGES = 320000
D = 128

NC = 2
NS = 16
CHUNK = 32
TAIL = 32
EPT = N_EDGES // NS
MAIN = EPT - TAIL
ITERS = MAIN // CHUNK
NBUF = 8
LEAD = NBUF // 2
BLK_CH = 48
NBLK = ITERS // BLK_CH
OUTER = BLK_CH // NBUF
NPAD = 10240
ROWS_PT = NPAD // NS
CNT_PAD = 10240
CPT = CNT_PAD // NS


def _sc_body(src_h, dst_h, tsrc_h, tdst_h, nfeat_h, efeat_h,
             agg_o, esum_o, cnt_o,
             sidx, didx, tsidx, tdidx,
             r0, r1, r2, r3, r4, r5, r6, r7, ones, zb,
             acc_sh, cnt_sh,
             g0, g1, g2, g3, g4, g5, g6, g7,
             s0, s1, s2, s3, s4, s5, s6, s7, csem):
    cid = lax.axis_index("c")
    sid = lax.axis_index("s")
    rows = (r0, r1, r2, r3, r4, r5, r6, r7)
    gsem = (g0, g1, g2, g3, g4, g5, g6, g7)
    ssem = (s0, s1, s2, s3, s4, s5, s6, s7)

    def _fill(j, _):
        ones[pl.ds(j * 16, 16)] = jnp.ones((16,), jnp.float32)
        return 0
    lax.fori_loop(0, CHUNK // 16, _fill, 0)

    def _zfill(j, _):
        zb[pl.ds(j * 16, 16)] = jnp.zeros((16,), jnp.float32)
        return 0
    lax.fori_loop(0, CPT // 16, _zfill, 0)

    def _rzfill(j, _):
        def _rz(l, _2):
            r0[j, pl.ds(l * 16, 16)] = jnp.zeros((16,), jnp.float32)
            return 0
        lax.fori_loop(0, D // 16, _rz, 0)
        return 0
    lax.fori_loop(0, CHUNK, _rzfill, 0)

    def _zacc(j, _):
        pltpu.sync_copy(r0,
                        acc_sh.at[pl.ds(sid * ROWS_PT + j * CHUNK, CHUNK)])
        return 0
    lax.fori_loop(0, ROWS_PT // CHUNK, _zacc, 0)
    pltpu.sync_copy(zb, cnt_sh.at[pl.ds(sid * CPT, CPT)])
    plsc.subcore_barrier()

    @pl.when(cid == 0)
    def _agg_loop():
        def blk(b, carry):
            pltpu.sync_copy(src_h.at[sid * NBLK + b], sidx)
            pltpu.sync_copy(dst_h.at[sid * NBLK + b], didx)
            for j in range(LEAD):
                pltpu.async_copy(nfeat_h.at[sidx.at[j]], rows[j], gsem[j])

            def outer(i, c2):
                for j in range(NBUF):
                    k = i * NBUF + j
                    j2 = (j + LEAD) % NBUF
                    pltpu.make_async_copy(nfeat_h.at[sidx.at[k]],
                                          rows[j], gsem[j]).wait()
                    pltpu.async_copy(rows[j], acc_sh.at[didx.at[k]],
                                     ssem[j], add=True)

                    @pl.when(k + LEAD < BLK_CH)
                    def _refill():
                        @pl.when(k >= LEAD)
                        def _():
                            pltpu.make_async_copy(rows[j2],
                                                  acc_sh.at[didx.at[0]],
                                                  ssem[j2]).wait()
                        pltpu.async_copy(nfeat_h.at[sidx.at[k + LEAD]],
                                         rows[j2], gsem[j2])
                return c2
            lax.fori_loop(0, OUTER, outer, 0)

            for j in range(NBUF):
                pltpu.make_async_copy(rows[j], acc_sh.at[didx.at[0]],
                                      ssem[j]).wait()
            return carry
        lax.fori_loop(0, NBLK, blk, 0)

        pltpu.sync_copy(tsrc_h.at[sid], tsidx)
        pltpu.sync_copy(tdst_h.at[sid], tdidx)
        pltpu.sync_copy(nfeat_h.at[tsidx.at[0]], r0)
        pltpu.sync_copy(r0, acc_sh.at[tdidx.at[0]], add=True)

    @pl.when(cid == 1)
    def _esum_loop():
        def blk(b, carry):
            pltpu.sync_copy(dst_h.at[sid * NBLK + b], didx)
            base = sid * EPT + b * BLK_CH * CHUNK
            for j in range(LEAD):
                pltpu.async_copy(efeat_h.at[pl.ds(base + j * CHUNK, CHUNK)],
                                 rows[j], gsem[j])

            def outer(i, c2):
                for j in range(NBUF):
                    k = i * NBUF + j
                    j2 = (j + LEAD) % NBUF
                    pltpu.make_async_copy(
                        efeat_h.at[pl.ds(base + k * CHUNK, CHUNK)],
                        rows[j], gsem[j]).wait()
                    pltpu.async_copy(rows[j], acc_sh.at[didx.at[k]],
                                     ssem[j], add=True)
                    pltpu.async_copy(ones, cnt_sh.at[didx.at[k]], csem,
                                     add=True)

                    @pl.when(k + LEAD < BLK_CH)
                    def _refill():
                        @pl.when(k >= LEAD)
                        def _():
                            pltpu.make_async_copy(rows[j2],
                                                  acc_sh.at[didx.at[0]],
                                                  ssem[j2]).wait()
                        pltpu.async_copy(
                            efeat_h.at[pl.ds(base + (k + LEAD) * CHUNK,
                                             CHUNK)],
                            rows[j2], gsem[j2])
                return c2
            lax.fori_loop(0, OUTER, outer, 0)

            for j in range(NBUF):
                pltpu.make_async_copy(rows[j], acc_sh.at[didx.at[0]],
                                      ssem[j]).wait()

            def _cdrain(k, c2):
                pltpu.make_async_copy(ones, cnt_sh.at[didx.at[0]],
                                      csem).wait()
                return c2
            lax.fori_loop(0, BLK_CH, _cdrain, 0)
            return carry
        lax.fori_loop(0, NBLK, blk, 0)

        pltpu.sync_copy(tdst_h.at[sid], tdidx)
        pltpu.sync_copy(efeat_h.at[pl.ds(sid * EPT + MAIN, TAIL)], r0)
        pltpu.sync_copy(r0, acc_sh.at[tdidx.at[0]], add=True)
        pltpu.sync_copy(ones, cnt_sh.at[tdidx.at[0]], add=True)

    plsc.subcore_barrier()

    @pl.when(cid == 0)
    def _out0():
        pltpu.sync_copy(acc_sh.at[pl.ds(sid * ROWS_PT, ROWS_PT)],
                        agg_o.at[pl.ds(sid * ROWS_PT, ROWS_PT)])

    @pl.when(cid == 1)
    def _out1():
        pltpu.sync_copy(acc_sh.at[pl.ds(sid * ROWS_PT, ROWS_PT)],
                        esum_o.at[pl.ds(sid * ROWS_PT, ROWS_PT)])
        pltpu.sync_copy(cnt_sh.at[pl.ds(sid * CPT, CPT)],
                        cnt_o.at[pl.ds(sid * CPT, CPT)])


_sc_segsum = functools.partial(
    pl.kernel,
    out_type=(
        jax.ShapeDtypeStruct((NPAD, D), jnp.float32),
        jax.ShapeDtypeStruct((NPAD, D), jnp.float32),
        jax.ShapeDtypeStruct((CNT_PAD,), jnp.float32),
    ),
    mesh=plsc.VectorSubcoreMesh(core_axis_name="c", subcore_axis_name="s"),
    scratch_types=[
        pltpu.VMEM((BLK_CH, CHUNK), jnp.int32),
        pltpu.VMEM((BLK_CH, CHUNK), jnp.int32),
        pltpu.VMEM((1, CHUNK), jnp.int32),
        pltpu.VMEM((1, CHUNK), jnp.int32),
        pltpu.VMEM((CHUNK, D), jnp.float32),
        pltpu.VMEM((CHUNK, D), jnp.float32),
        pltpu.VMEM((CHUNK, D), jnp.float32),
        pltpu.VMEM((CHUNK, D), jnp.float32),
        pltpu.VMEM((CHUNK, D), jnp.float32),
        pltpu.VMEM((CHUNK, D), jnp.float32),
        pltpu.VMEM((CHUNK, D), jnp.float32),
        pltpu.VMEM((CHUNK, D), jnp.float32),
        pltpu.VMEM((CHUNK,), jnp.float32),
        pltpu.VMEM((CPT,), jnp.float32),
        pltpu.VMEM_SHARED((NPAD, D), jnp.float32),
        pltpu.VMEM_SHARED((CNT_PAD,), jnp.float32),
        pltpu.SemaphoreType.DMA,
        pltpu.SemaphoreType.DMA,
        pltpu.SemaphoreType.DMA,
        pltpu.SemaphoreType.DMA,
        pltpu.SemaphoreType.DMA,
        pltpu.SemaphoreType.DMA,
        pltpu.SemaphoreType.DMA,
        pltpu.SemaphoreType.DMA,
        pltpu.SemaphoreType.DMA,
        pltpu.SemaphoreType.DMA,
        pltpu.SemaphoreType.DMA,
        pltpu.SemaphoreType.DMA,
        pltpu.SemaphoreType.DMA,
        pltpu.SemaphoreType.DMA,
        pltpu.SemaphoreType.DMA,
        pltpu.SemaphoreType.DMA,
        pltpu.SemaphoreType.DMA,
    ],
)(_sc_body)


ROWS_BLK = 1000


def _tc_body(x_ref, a_ref, s_ref, c_ref, w_ref, b_ref, we_ref, be_ref, o_ref):
    c = c_ref[...]
    inv_d = 1.0 / (c + 1.0)
    inv_m = 1.0 / jnp.maximum(c, 1.0)
    x = a_ref[...] + x_ref[...] * inv_d
    y = s_ref[...] * inv_m
    out = jnp.dot(x, w_ref[...], preferred_element_type=jnp.float32)
    out += jnp.dot(y, we_ref[...], preferred_element_type=jnp.float32)
    out += b_ref[...] * (1.0 + inv_d)
    out += be_ref[...] * (c * inv_m)
    o_ref[...] = out


def _tc_combine(nfeat, agg_p, esum_p, cnt, W, b, We, be):
    grid = N_NODES // ROWS_BLK
    return pl.pallas_call(
        _tc_body,
        grid=(grid,),
        in_specs=[
            pl.BlockSpec((ROWS_BLK, D), lambda i: (i, 0)),
            pl.BlockSpec((ROWS_BLK, D), lambda i: (i, 0)),
            pl.BlockSpec((ROWS_BLK, D), lambda i: (i, 0)),
            pl.BlockSpec((ROWS_BLK, 1), lambda i: (i, 0)),
            pl.BlockSpec((D, D), lambda i: (0, 0)),
            pl.BlockSpec((1, D), lambda i: (0, 0)),
            pl.BlockSpec((D, D), lambda i: (0, 0)),
            pl.BlockSpec((1, D), lambda i: (0, 0)),
        ],
        out_specs=pl.BlockSpec((ROWS_BLK, D), lambda i: (i, 0)),
        out_shape=jax.ShapeDtypeStruct((N_NODES, D), jnp.float32),
    )(nfeat, agg_p, esum_p, cnt, W, b, We, be)


def kernel(nfeat, edge_index, efeat, W, b, We, be):
    src = edge_index[0].astype(jnp.int32).reshape(NS, EPT)
    dst = edge_index[1].astype(jnp.int32).reshape(NS, EPT)
    src_m = src[:, :MAIN].reshape(NS * NBLK, BLK_CH, CHUNK)
    dst_m = dst[:, :MAIN].reshape(NS * NBLK, BLK_CH, CHUNK)
    src_t = src[:, MAIN:].reshape(NS, 1, TAIL)
    dst_t = dst[:, MAIN:].reshape(NS, 1, TAIL)
    agg_p, esum_p, cnt_pad = _sc_segsum(src_m, dst_m, src_t, dst_t,
                                        nfeat, efeat)
    cnt = cnt_pad[:N_NODES].reshape(N_NODES, 1)
    return _tc_combine(nfeat, agg_p, esum_p, cnt,
                       W, b.reshape(1, D), We, be.reshape(1, D))

# --- scband reference (transcript-rebuilt; emitter-appended) ---
"""Pipeline reference for scband-gcnlink-conv-6605659701695 (READ-ONLY COPY).

The authoritative reference and input builder live on the scoring server;
editing this copy changes nothing except your own understanding.
"""

import jax, jax.numpy as jnp
import numpy as np

N_NODES = 10000
N_EDGES = 320000
D_IN = 128
D_OUT = 128


def setup_inputs(seed: int = 0) -> dict:
    key = jax.random.key(seed)
    k1, k2, k3, k4, k5, k6, k7 = jax.random.split(key, 7)
    nfeat = jax.random.normal(k1, (N_NODES, D_IN), dtype=jnp.float32)
    edge_index = jax.random.randint(k2, (2, N_EDGES), 0, N_NODES, dtype=jnp.int64)
    efeat = jax.random.normal(k3, (N_EDGES, D_IN), dtype=jnp.float32)
    # GraphConv weight [in, out] and bias [out] (DGL layout: rst = agg @ W + b)
    W = jax.random.normal(k4, (D_IN, D_OUT), dtype=jnp.float32) * (1.0 / np.sqrt(D_IN))
    b = jnp.zeros((D_OUT,), dtype=jnp.float32)
    # edge_apply_func nn.Linear(input_dim, output_dim), stored as [in, out]
    We = jax.random.normal(k5, (D_IN, D_OUT), dtype=jnp.float32) * (1.0 / np.sqrt(D_IN))
    be = jax.random.normal(k6, (D_OUT,), dtype=jnp.float32) * (1.0 / np.sqrt(D_IN))
    return {"nfeat": nfeat, "edge_index": edge_index, "efeat": efeat, "W": W, "b": b, "We": We, "be": be}


def reference(nfeat, edge_index, efeat, W, b, We, be):
    src = edge_index[0]
    dst = edge_index[1]
    n = nfeat.shape[0]
    # in-degrees of destination nodes
    in_deg = jax.ops.segment_sum(jnp.ones((src.shape[0],), dtype=jnp.float32), dst, num_segments=n)
    degs = in_deg + 1.0
    # sfeat = (nfeat @ W + b) / degs
    sfeat = (jnp.matmul(nfeat, W) + b) / degs[:, None]
    # GraphConv(norm='none'): aggregate src feats by sum over in-edges, then linear
    agg = jax.ops.segment_sum(jnp.take(nfeat, src, axis=0), dst, num_segments=n)
    conv = jnp.matmul(agg, W) + b
    nfeat_out = conv + sfeat
    # econv branch: edge linear -> mean over in-edges per dst node
    ef = jnp.matmul(efeat, We) + be
    he_sum = jax.ops.segment_sum(ef, dst, num_segments=n)
    he = he_sum / jnp.maximum(in_deg, 1.0)[:, None]
    rst = nfeat_out + he
    return rst

if __name__ == "__main__":
    import jax
    _d = setup_inputs()
    print(jax.jit(kernel)(*tuple(_d.values())))

</pallas_src>

<mosaic_0001>
#map = affine_map<(d0, d1) -> (0, 0, 0)>
#map1 = affine_map<(d0, d1) -> (0, 0)>
#map2 = affine_map<(d0, d1) -> (0)>
module attributes {stable_mosaic.version = 14 : i64} {
  func.func @_sc_body(%arg0: i32, %arg1: i32, %arg2: memref<208x48x32xi32, #tpu.memory_space<hbm>>, %arg3: memref<208x48x32xi32, #tpu.memory_space<hbm>>, %arg4: memref<16x1x32xi32, #tpu.memory_space<hbm>>, %arg5: memref<16x1x32xi32, #tpu.memory_space<hbm>>, %arg6: memref<10000x128xf32, #tpu.memory_space<hbm>>, %arg7: memref<320000x128xf32, #tpu.memory_space<hbm>>, %arg8: memref<10240x128xf32, #tpu.memory_space<hbm>>, %arg9: memref<10240x128xf32, #tpu.memory_space<hbm>>, %arg10: memref<10240xf32, #tpu.memory_space<hbm>>, %arg11: memref<48x32xi32, #tpu.memory_space<vmem>>, %arg12: memref<48x32xi32, #tpu.memory_space<vmem>>, %arg13: memref<1x32xi32, #tpu.memory_space<vmem>>, %arg14: memref<1x32xi32, #tpu.memory_space<vmem>>, %arg15: memref<32x128xf32, #tpu.memory_space<vmem>>, %arg16: memref<32x128xf32, #tpu.memory_space<vmem>>, %arg17: memref<32x128xf32, #tpu.memory_space<vmem>>, %arg18: memref<32x128xf32, #tpu.memory_space<vmem>>, %arg19: memref<32x128xf32, #tpu.memory_space<vmem>>, %arg20: memref<32x128xf32, #tpu.memory_space<vmem>>, %arg21: memref<32x128xf32, #tpu.memory_space<vmem>>, %arg22: memref<32x128xf32, #tpu.memory_space<vmem>>, %arg23: memref<32xf32, #tpu.memory_space<vmem>>, %arg24: memref<640xf32, #tpu.memory_space<vmem>>, %arg25: memref<10240x128xf32, #tpu.memory_space<vmem_shared>>, %arg26: memref<10240xf32, #tpu.memory_space<vmem_shared>>, %arg27: memref<!tpu.dma_semaphore, #tpu.memory_space<semaphore_mem>>, %arg28: memref<!tpu.dma_semaphore, #tpu.memory_space<semaphore_mem>>, %arg29: memref<!tpu.dma_semaphore, #tpu.memory_space<semaphore_mem>>, %arg30: memref<!tpu.dma_semaphore, #tpu.memory_space<semaphore_mem>>, %arg31: memref<!tpu.dma_semaphore, #tpu.memory_space<semaphore_mem>>, %arg32: memref<!tpu.dma_semaphore, #tpu.memory_space<semaphore_mem>>, %arg33: memref<!tpu.dma_semaphore, #tpu.memory_space<semaphore_mem>>, %arg34: memref<!tpu.dma_semaphore, #tpu.memory_space<semaphore_mem>>, %arg35: memref<!tpu.dma_semaphore, #tpu.memory_space<semaphore_mem>>, %arg36: memref<!tpu.dma_semaphore, #tpu.memory_space<semaphore_mem>>, %arg37: memref<!tpu.dma_semaphore, #tpu.memory_space<semaphore_mem>>, %arg38: memref<!tpu.dma_semaphore, #tpu.memory_space<semaphore_mem>>, %arg39: memref<!tpu.dma_semaphore, #tpu.memory_space<semaphore_mem>>, %arg40: memref<!tpu.dma_semaphore, #tpu.memory_space<semaphore_mem>>, %arg41: memref<!tpu.dma_semaphore, #tpu.memory_space<semaphore_mem>>, %arg42: memref<!tpu.dma_semaphore, #tpu.memory_space<semaphore_mem>>, %arg43: memref<!tpu.dma_semaphore, #tpu.memory_space<semaphore_mem>>) attributes {dimension_semantics = [#tpu.dimension_semantics<core_parallel>, #tpu.dimension_semantics<subcore_parallel>], iteration_bounds = array<i64: 2, 16>, scalar_prefetch = 0 : i64, scratch_operands = 33 : i64, tpu.core_type = #tpu.core_type<sc_vector_subcore>, window_params = [{transform_indices = #map}, {transform_indices = #map}, {transform_indices = #map}, {transform_indices = #map}, {transform_indices = #map1}, {transform_indices = #map1}, {transform_indices = #map1}, {transform_indices = #map1}, {transform_indices = #map2}]} {
    %scan3A = arith.constant 0 : i32
    %scan3A_0 = arith.constant 0 : i32
    %scan3A_1 = arith.constant 2 : i32
    %scan3A_2 = arith.addi %scan3A_0, %scan3A_1 : i32
    %scan3A_3 = arith.constant 1 : i32
    %scan3A_4 = scf.for %scan3A_46 = %scan3A_0 to %scan3A_2 step %scan3A_3 iter_args(%scan3A_47 = %scan3A) -> (i32)  : i32 {
      %broadcast_in_dim3A = arith.constant 1.000000e+00 : f32
      %broadcast_in_dim3A_48 = vector.broadcast %broadcast_in_dim3A : f32 to vector<16xf32>
      %mul3A_49 = arith.constant 16 : i32
      %mul3A_50 = arith.muli %scan3A_46, %mul3A_49 : i32
      %swap3A = arith.index_cast %mul3A_50 : i32 to index
      %swap3A_51 = tpu.vector_load %arg23[%swap3A] {strides = array<i32>} : memref<32xf32, #tpu.memory_space<vmem>>, vector<16xf32>,
      %swap3A_52 = vector.shape_cast %swap3A_51 : vector<16xf32> to vector<16xf32>
      %swap3A_53 = vector.shape_cast %broadcast_in_dim3A_48 : vector<16xf32> to vector<16xf32>
      tpu.vector_store %arg23[%swap3A], %swap3A_53 {strides = array<i32>} : memref<32xf32, #tpu.memory_space<vmem>>, vector<16xf32>,
      %scan3A_54 = arith.constant 0 : i32
      scf.yield %scan3A_54 : i32
    }
    %scan3A_5 = arith.constant 2 : i32
    %scan3A_6 = arith.constant 0 : i32
    %scan3A_7 = arith.constant 0 : i32
    %scan3A_8 = arith.constant 40 : i32
    %scan3A_9 = arith.addi %scan3A_7, %scan3A_8 : i32
    %scan3A_10 = arith.constant 1 : i32
    %scan3A_11 = scf.for %scan3A_46 = %scan3A_7 to %scan3A_9 step %scan3A_10 iter_args(%scan3A_47 = %scan3A_6) -> (i32)  : i32 {
      %broadcast_in_dim3A = arith.constant 0.000000e+00 : f32
      %broadcast_in_dim3A_48 = vector.broadcast %broadcast_in_dim3A : f32 to vector<16xf32>
      %mul3A_49 = arith.constant 16 : i32
      %mul3A_50 = arith.muli %scan3A_46, %mul3A_49 : i32
      %swap3A = arith.index_cast %mul3A_50 : i32 to index
      %swap3A_51 = tpu.vector_load %arg24[%swap3A] {strides = array<i32>} : memref<640xf32, #tpu.memory_space<vmem>>, vector<16xf32>,
      %swap3A_52 = vector.shape_cast %swap3A_51 : vector<16xf32> to vector<16xf32>
      %swap3A_53 = vector.shape_cast %broadcast_in_dim3A_48 : vector<16xf32> to vector<16xf32>
      tpu.vector_store %arg24[%swap3A], %swap3A_53 {strides = array<i32>} : memref<640xf32, #tpu.memory_space<vmem>>, vector<16xf32>,
      %scan3A_54 = arith.constant 0 : i32
      scf.yield %scan3A_54 : i32
    }
    %scan3A_12 = arith.constant 40 : i32
    %scan3A_13 = arith.constant 0 : i32
    %scan3A_14 = arith.constant 0 : i32
    %scan3A_15 = arith.constant 32 : i32
    %scan3A_16 = arith.addi %scan3A_14, %scan3A_15 : i32
    %scan3A_17 = arith.constant 1 : i32
    %scan3A_18 = scf.for %scan3A_46 = %scan3A_14 to %scan3A_16 step %scan3A_17 iter_args(%scan3A_47 = %scan3A_13) -> (i32)  : i32 {
      %scan3A_48 = arith.constant 0 : i32
      %scan3A_49 = arith.constant 0 : i32
      %scan3A_50 = arith.constant 8 : i32
      %scan3A_51 = arith.addi %scan3A_49, %scan3A_50 : i32
      %scan3A_52 = arith.constant 1 : i32
      %scan3A_53 = scf.for %scan3A_56 = %scan3A_49 to %scan3A_51 step %scan3A_52 iter_args(%scan3A_57 = %scan3A_48) -> (i32)  : i32 {
        %broadcast_in_dim3A = arith.constant 0.000000e+00 : f32
        %broadcast_in_dim3A_58 = vector.broadcast %broadcast_in_dim3A : f32 to vector<16xf32>
        %mul3A_59 = arith.constant 16 : i32
        %mul3A_60 = arith.muli %scan3A_56, %mul3A_59 : i32
        %swap3A = arith.index_cast %scan3A_46 : i32 to index
        %swap3A_61 = arith.index_cast %mul3A_60 : i32 to index
        %swap3A_62 = tpu.vector_load %arg15[%swap3A, %swap3A_61] {strides = array<i32>} : memref<32x128xf32, #tpu.memory_space<vmem>>, vector<1x16xf32>,
        %swap3A_63 = vector.shape_cast %swap3A_62 : vector<1x16xf32> to vector<16xf32>
        %swap3A_64 = vector.shape_cast %broadcast_in_dim3A_58 : vector<16xf32> to vector<1x16xf32>
        tpu.vector_store %arg15[%swap3A, %swap3A_61], %swap3A_64 {strides = array<i32>} : memref<32x128xf32, #tpu.memory_space<vmem>>, vector<1x16xf32>,
        %scan3A_65 = arith.constant 0 : i32
        scf.yield %scan3A_65 : i32
      }
      %scan3A_54 = arith.constant 8 : i32
      %scan3A_55 = arith.constant 0 : i32
      scf.yield %scan3A_55 : i32
    }
    %scan3A_19 = arith.constant 32 : i32
    %scan3A_20 = arith.constant 0 : i32
    %scan3A_21 = arith.constant 0 : i32
    %scan3A_22 = arith.constant 20 : i32
    %scan3A_23 = arith.addi %scan3A_21, %scan3A_22 : i32
    %scan3A_24 = arith.constant 1 : i32
    %scan3A_25 = scf.for %scan3A_46 = %scan3A_21 to %scan3A_23 step %scan3A_24 iter_args(%scan3A_47 = %scan3A_20) -> (i32)  : i32 {
      %mul3A_48 = arith.constant 640 : i32
      %mul3A_49 = arith.muli %arg1, %mul3A_48 : i32
      %mul3A_50 = arith.constant 32 : i32
      %mul3A_51 = arith.muli %scan3A_46, %mul3A_50 : i32
      %add3A = arith.addi %mul3A_49, %mul3A_51 : i32
      "tpu.region"() ({
        %run_scoped3A = tpu.sem_alloc : memref<!tpu.dma_semaphore, #tpu.memory_space<semaphore_mem>>
        %dma_start3A = arith.constant 0 : i32
        %dma_start3A_53 = tpu.memref_slice %arg25[%add3A, %dma_start3A] : memref<10240x128xf32, #tpu.memory_space<vmem_shared>> -> memref<32x128xf32, #tpu.memory_space<vmem_shared>>
        %dma_start3A_54 = arith.constant 0 : i32
        %dma_start3A_55 = tpu.memref_slice %arg25[%add3A, %dma_start3A_54] : memref<10240x128xf32, #tpu.memory_space<vmem_shared>> -> memref<32x128xf32, #tpu.memory_space<vmem_shared>>
        tpu.enqueue_dma source(%arg15 : memref<32x128xf32, #tpu.memory_space<vmem>>) target(%dma_start3A_55 : memref<32x128xf32, #tpu.memory_space<vmem_shared>>) target_semaphore(%run_scoped3A : memref<!tpu.dma_semaphore, #tpu.memory_space<semaphore_mem>>)
        %dma_wait3A = arith.constant 0 : i32
        %dma_wait3A_56 = tpu.memref_slice %arg25[%add3A, %dma_wait3A] : memref<10240x128xf32, #tpu.memory_space<vmem_shared>> -> memref<32x128xf32, #tpu.memory_space<vmem_shared>>
        %dma_wait3A_57 = arith.constant 0 : i32
        %dma_wait3A_58 = tpu.memref_slice %arg25[%add3A, %dma_wait3A_57] : memref<10240x128xf32, #tpu.memory_space<vmem_shared>> -> memref<32x128xf32, #tpu.memory_space<vmem_shared>>
        tpu.wait_dma2 semaphore(%run_scoped3A : memref<!tpu.dma_semaphore, #tpu.memory_space<semaphore_mem>>) src(%arg15 : memref<32x128xf32, #tpu.memory_space<vmem>>) dst(%dma_wait3A_58 : memref<32x128xf32, #tpu.memory_space<vmem_shared>>)
        tpu.yield
      }) : () -> ()
      %scan3A_52 = arith.constant 0 : i32
      scf.yield %scan3A_52 : i32
    }
    %scan3A_26 = arith.constant 20 : i32
    %mul3A = arith.constant 640 : i32
    %mul3A_27 = arith.muli %arg1, %mul3A : i32
    "tpu.region"() ({
      %run_scoped3A = tpu.sem_alloc : memref<!tpu.dma_semaphore, #tpu.memory_space<semaphore_mem>>
      %dma_start3A = tpu.memref_slice %arg26[%mul3A_27] : memref<10240xf32, #tpu.memory_space<vmem_shared>> -> memref<640xf32, #tpu.memory_space<vmem_shared>>
      %dma_start3A_46 = tpu.memref_slice %arg26[%mul3A_27] : memref<10240xf32, #tpu.memory_space<vmem_shared>> -> memref<640xf32, #tpu.memory_space<vmem_shared>>
      tpu.enqueue_dma source(%arg24 : memref<640xf32, #tpu.memory_space<vmem>>) target(%dma_start3A_46 : memref<640xf32, #tpu.memory_space<vmem_shared>>) target_semaphore(%run_scoped3A : memref<!tpu.dma_semaphore, #tpu.memory_space<semaphore_mem>>)
      %dma_wait3A = tpu.memref_slice %arg26[%mul3A_27] : memref<10240xf32, #tpu.memory_space<vmem_shared>> -> memref<640xf32, #tpu.memory_space<vmem_shared>>
      %dma_wait3A_47 = tpu.memref_slice %arg26[%mul3A_27] : memref<10240xf32, #tpu.memory_space<vmem_shared>> -> memref<640xf32, #tpu.memory_space<vmem_shared>>
      tpu.wait_dma2 semaphore(%run_scoped3A : memref<!tpu.dma_semaphore, #tpu.memory_space<semaphore_mem>>) src(%arg24 : memref<640xf32, #tpu.memory_space<vmem>>) dst(%dma_wait3A_47 : memref<640xf32, #tpu.memory_space<vmem_shared>>)
      tpu.yield
    }) : () -> ()
    %barrier3A = arith.constant 0 : index
    tpu.barrier barrier_id(%barrier3A)
    %eq3A = arith.constant 0 : i32
    %eq3A_28 = arith.cmpi eq, %arg0, %eq3A : i32
    %convert_element_type3A = arith.extui %eq3A_28 : i1 to i32
    %cond3A = arith.constant 0 : i32
    %cond3A_29 = arith.cmpi ne, %convert_element_type3A, %cond3A : i32
    scf.if %cond3A_29 {
      %scan3A_46 = arith.constant 0 : i32
      %scan3A_47 = arith.constant 0 : i32
      %scan3A_48 = arith.constant 13 : i32
      %scan3A_49 = arith.addi %scan3A_47, %scan3A_48 : i32
      %scan3A_50 = arith.constant 1 : i32
      scf.for %scan3A_53 = %scan3A_47 to %scan3A_49 step %scan3A_50  : i32 {
        %mul3A_54 = arith.constant 13 : i32
        %mul3A_55 = arith.muli %arg1, %mul3A_54 : i32
        %add3A = arith.addi %mul3A_55, %scan3A_53 : i32
        "tpu.region"() ({
          %run_scoped3A_147 = tpu.sem_alloc : memref<!tpu.dma_semaphore, #tpu.memory_space<semaphore_mem>>
          %dma_start3A_148 = arith.constant 0 : i32
          %dma_start3A_149 = arith.constant 0 : i32
          %dma_start3A_150 = tpu.memref_slice %arg2[%add3A, %dma_start3A_148, %dma_start3A_149] : memref<208x48x32xi32, #tpu.memory_space<hbm>> -> memref<1x48x32xi32, #tpu.memory_space<hbm>>
          %dma_start3A_151 = tpu.memref_squeeze %dma_start3A_150 : memref<1x48x32xi32, #tpu.memory_space<hbm>> -> memref<48x32xi32, #tpu.memory_space<hbm>>
          %dma_start3A_152 = arith.constant 0 : i32
          %dma_start3A_153 = arith.constant 0 : i32
          %dma_start3A_154 = tpu.memref_slice %arg2[%add3A, %dma_start3A_152, %dma_start3A_153] : memref<208x48x32xi32, #tpu.memory_space<hbm>> -> memref<1x48x32xi32, #tpu.memory_space<hbm>>
          %dma_start3A_155 = tpu.memref_squeeze %dma_start3A_154 : memref<1x48x32xi32, #tpu.memory_space<hbm>> -> memref<48x32xi32, #tpu.memory_space<hbm>>
          tpu.enqueue_dma source(%dma_start3A_155 : memref<48x32xi32, #tpu.memory_space<hbm>>) target(%arg11 : memref<48x32xi32, #tpu.memory_space<vmem>>) target_semaphore(%run_scoped3A_147 : memref<!tpu.dma_semaphore, #tpu.memory_space<semaphore_mem>>)
          %dma_wait3A_156 = arith.constant 0 : i32
          %dma_wait3A_157 = arith.constant 0 : i32
          %dma_wait3A_158 = tpu.memref_slice %arg2[%add3A, %dma_wait3A_156, %dma_wait3A_157] : memref<208x48x32xi32, #tpu.memory_space<hbm>> -> memref<1x48x32xi32, #tpu.memory_space<hbm>>
          %dma_wait3A_159 = tpu.memref_squeeze %dma_wait3A_158 : memref<1x48x32xi32, #tpu.memory_space<hbm>> -> memref<48x32xi32, #tpu.memory_space<hbm>>
          %dma_wait3A_160 = arith.constant 0 : i32
          %dma_wait3A_161 = arith.constant 0 : i32
          %dma_wait3A_162 = tpu.memref_slice %arg2[%add3A, %dma_wait3A_160, %dma_wait3A_161] : memref<208x48x32xi32, #tpu.memory_space<hbm>> -> memref<1x48x32xi32, #tpu.memory_space<hbm>>
          %dma_wait3A_163 = tpu.memref_squeeze %dma_wait3A_162 : memref<1x48x32xi32, #tpu.memory_space<hbm>> -> memref<48x32xi32, #tpu.memory_space<hbm>>
          tpu.wait_dma2 semaphore(%run_scoped3A_147 : memref<!tpu.dma_semaphore, #tpu.memory_space<semaphore_mem>>) src(%dma_wait3A_163 : memref<48x32xi32, #tpu.memory_space<hbm>>) dst(%arg11 : memref<48x32xi32, #tpu.memory_space<vmem>>)
          tpu.yield
        }) : () -> ()
        %mul3A_56 = arith.constant 13 : i32
        %mul3A_57 = arith.muli %arg1, %mul3A_56 : i32
        %add3A_58 = arith.addi %mul3A_57, %scan3A_53 : i32
        "tpu.region"() ({
          %run_scoped3A_147 = tpu.sem_alloc : memref<!tpu.dma_semaphore, #tpu.memory_space<semaphore_mem>>
          %dma_start3A_148 = arith.constant 0 : i32
          %dma_start3A_149 = arith.constant 0 : i32
          %dma_start3A_150 = tpu.memref_slice %arg3[%add3A_58, %dma_start3A_148, %dma_start3A_149] : memref<208x48x32xi32, #tpu.memory_space<hbm>> -> memref<1x48x32xi32, #tpu.memory_space<hbm>>
          %dma_start3A_151 = tpu.memref_squeeze %dma_start3A_150 : memref<1x48x32xi32, #tpu.memory_space<hbm>> -> memref<48x32xi32, #tpu.memory_space<hbm>>
          %dma_start3A_152 = arith.constant 0 : i32
          %dma_start3A_153 = arith.constant 0 : i32
          %dma_start3A_154 = tpu.memref_slice %arg3[%add3A_58, %dma_start3A_152, %dma_start3A_153] : memref<208x48x32xi32, #tpu.memory_space<hbm>> -> memref<1x48x32xi32, #tpu.memory_space<hbm>>
          %dma_start3A_155 = tpu.memref_squeeze %dma_start3A_154 : memref<1x48x32xi32, #tpu.memory_space<hbm>> -> memref<48x32xi32, #tpu.memory_space<hbm>>
          tpu.enqueue_dma source(%dma_start3A_155 : memref<48x32xi32, #tpu.memory_space<hbm>>) target(%arg12 : memref<48x32xi32, #tpu.memory_space<vmem>>) target_semaphore(%run_scoped3A_147 : memref<!tpu.dma_semaphore, #tpu.memory_space<semaphore_mem>>)
          %dma_wait3A_156 = arith.constant 0 : i32
          %dma_wait3A_157 = arith.constant 0 : i32
          %dma_wait3A_158 = tpu.memref_slice %arg3[%add3A_58, %dma_wait3A_156, %dma_wait3A_157] : memref<208x48x32xi32, #tpu.memory_space<hbm>> -> memref<1x48x32xi32, #tpu.memory_space<hbm>>
          %dma_wait3A_159 = tpu.memref_squeeze %dma_wait3A_158 : memref<1x48x32xi32, #tpu.memory_space<hbm>> -> memref<48x32xi32, #tpu.memory_space<hbm>>
          %dma_wait3A_160 = arith.constant 0 : i32
          %dma_wait3A_161 = arith.constant 0 : i32
          %dma_wait3A_162 = tpu.memref_slice %arg3[%add3A_58, %dma_wait3A_160, %dma_wait3A_161] : memref<208x48x32xi32, #tpu.memory_space<hbm>> -> memref<1x48x32xi32, #tpu.memory_space<hbm>>
          %dma_wait3A_163 = tpu.memref_squeeze %dma_wait3A_162 : memref<1x48x32xi32, #tpu.memory_space<hbm>> -> memref<48x32xi32, #tpu.memory_space<hbm>>
          tpu.wait_dma2 semaphore(%run_scoped3A_147 : memref<!tpu.dma_semaphore, #tpu.memory_space<semaphore_mem>>) src(%dma_wait3A_163 : memref<48x32xi32, #tpu.memory_space<hbm>>) dst(%arg12 : memref<48x32xi32, #tpu.memory_space<vmem>>)
          tpu.yield
        }) : () -> ()
        %dma_start3A = arith.constant 0 : i32
        %dma_start3A_59 = arith.constant 0 : i32
        %dma_start3A_60 = tpu.memref_slice %arg11[%dma_start3A, %dma_start3A_59] : memref<48x32xi32, #tpu.memory_space<vmem>> -> memref<1x32xi32, #tpu.memory_space<vmem>>
        %dma_start3A_61 = tpu.memref_squeeze %dma_start3A_60 : memref<1x32xi32, #tpu.memory_space<vmem>> -> memref<32xi32, #tpu.memory_space<vmem>>
        %dma_start3A_62 = arith.constant 0 : i32
        %dma_start3A_63 = arith.constant 0 : i32
        %dma_start3A_64 = tpu.memref_slice %arg6[%dma_start3A_62, %dma_start3A_63] : memref<10000x128xf32, #tpu.memory_space<hbm>> -> memref<10000x128xf32, #tpu.memory_space<hbm>>
        tpu.enqueue_indirect_dma source(%dma_start3A_64 : memref<10000x128xf32, #tpu.memory_space<hbm>>) target(%arg15 : memref<32x128xf32, #tpu.memory_space<vmem>>) offsets(%dma_start3A_61 : memref<32xi32, #tpu.memory_space<vmem>>) semaphore(%arg27 : memref<!tpu.dma_semaphore, #tpu.memory_space<semaphore_mem>>)
        %dma_start3A_65 = arith.constant 1 : i32
        %dma_start3A_66 = arith.constant 0 : i32
        %dma_start3A_67 = tpu.memref_slice %arg11[%dma_start3A_65, %dma_start3A_66] : memref<48x32xi32, #tpu.memory_space<vmem>> -> memref<1x32xi32, #tpu.memory_space<vmem>>
        %dma_start3A_68 = tpu.memref_squeeze %dma_start3A_67 : memref<1x32xi32, #tpu.memory_space<vmem>> -> memref<32xi32, #tpu.memory_space<vmem>>
        %dma_start3A_69 = arith.constant 0 : i32
        %dma_start3A_70 = arith.constant 0 : i32
        %dma_start3A_71 = tpu.memref_slice %arg6[%dma_start3A_69, %dma_start3A_70] : memref<10000x128xf32, #tpu.memory_space<hbm>> -> memref<10000x128xf32, #tpu.memory_space<hbm>>
        tpu.enqueue_indirect_dma source(%dma_start3A_71 : memref<10000x128xf32, #tpu.memory_space<hbm>>) target(%arg16 : memref<32x128xf32, #tpu.memory_space<vmem>>) offsets(%dma_start3A_68 : memref<32xi32, #tpu.memory_space<vmem>>) semaphore(%arg28 : memref<!tpu.dma_semaphore, #tpu.memory_space<semaphore_mem>>)
        %dma_start3A_72 = arith.constant 2 : i32
        %dma_start3A_73 = arith.constant 0 : i32
        %dma_start3A_74 = tpu.memref_slice %arg11[%dma_start3A_72, %dma_start3A_73] : memref<48x32xi32, #tpu.memory_space<vmem>> -> memref<1x32xi32, #tpu.memory_space<vmem>>
        %dma_start3A_75 = tpu.memref_squeeze %dma_start3A_74 : memref<1x32xi32, #tpu.memory_space<vmem>> -> memref<32xi32, #tpu.memory_space<vmem>>
        %dma_start3A_76 = arith.constant 0 : i32
        %dma_start3A_77 = arith.constant 0 : i32
        %dma_start3A_78 = tpu.memref_slice %arg6[%dma_start3A_76, %dma_start3A_77] : memref<10000x128xf32, #tpu.memory_space<hbm>> -> memref<10000x128xf32, #tpu.memory_space<hbm>>
        tpu.enqueue_indirect_dma source(%dma_start3A_78 : memref<10000x128xf32, #tpu.memory_space<hbm>>) target(%arg17 : memref<32x128xf32, #tpu.memory_space<vmem>>) offsets(%dma_start3A_75 : memref<32xi32, #tpu.memory_space<vmem>>) semaphore(%arg29 : memref<!tpu.dma_semaphore, #tpu.memory_space<semaphore_mem>>)
        %dma_start3A_79 = arith.constant 3 : i32
        %dma_start3A_80 = arith.constant 0 : i32
        %dma_start3A_81 = tpu.memref_slice %arg11[%dma_start3A_79, %dma_start3A_80] : memref<48x32xi32, #tpu.memory_space<vmem>> -> memref<1x32xi32, #tpu.memory_space<vmem>>
        %dma_start3A_82 = tpu.memref_squeeze %dma_start3A_81 : memref<1x32xi32, #tpu.memory_space<vmem>> -> memref<32xi32, #tpu.memory_space<vmem>>
        %dma_start3A_83 = arith.constant 0 : i32
        %dma_start3A_84 = arith.constant 0 : i32
        %dma_start3A_85 = tpu.memref_slice %arg6[%dma_start3A_83, %dma_start3A_84] : memref<10000x128xf32, #tpu.memory_space<hbm>> -> memref<10000x128xf32, #tpu.memory_space<hbm>>
        tpu.enqueue_indirect_dma source(%dma_start3A_85 : memref<10000x128xf32, #tpu.memory_space<hbm>>) target(%arg18 : memref<32x128xf32, #tpu.memory_space<vmem>>) offsets(%dma_start3A_82 : memref<32xi32, #tpu.memory_space<vmem>>) semaphore(%arg30 : memref<!tpu.dma_semaphore, #tpu.memory_space<semaphore_mem>>)
        %scan3A_86 = arith.constant 0 : i32
        %scan3A_87 = arith.constant 0 : i32
        %scan3A_88 = arith.constant 6 : i32
        %scan3A_89 = arith.addi %scan3A_87, %scan3A_88 : i32
        %scan3A_90 = arith.constant 1 : i32
        scf.for %scan3A_147 = %scan3A_87 to %scan3A_89 step %scan3A_90  : i32 {
          %mul3A_148 = arith.constant 8 : i32
          %mul3A_149 = arith.muli %scan3A_147, %mul3A_148 : i32
          %add3A_150 = arith.constant 0 : i32
          %add3A_151 = arith.addi %mul3A_149, %add3A_150 : i32
          %dma_wait3A_152 = arith.constant 0 : i32
          %dma_wait3A_153 = tpu.memref_slice %arg11[%add3A_151, %dma_wait3A_152] : memref<48x32xi32, #tpu.memory_space<vmem>> -> memref<1x32xi32, #tpu.memory_space<vmem>>
          %dma_wait3A_154 = tpu.memref_squeeze %dma_wait3A_153 : memref<1x32xi32, #tpu.memory_space<vmem>> -> memref<32xi32, #tpu.memory_space<vmem>>
          %dma_wait3A_155 = arith.constant 0 : i32
          %dma_wait3A_156 = arith.constant 0 : i32
          %dma_wait3A_157 = tpu.memref_slice %arg6[%dma_wait3A_155, %dma_wait3A_156] : memref<10000x128xf32, #tpu.memory_space<hbm>> -> memref<10000x128xf32, #tpu.memory_space<hbm>>
          tpu.wait_indirect_dma semaphore(%arg27 : memref<!tpu.dma_semaphore, #tpu.memory_space<semaphore_mem>>) src(%dma_wait3A_157 : memref<10000x128xf32, #tpu.memory_space<hbm>>) dst(%arg15 : memref<32x128xf32, #tpu.memory_space<vmem>>)
          %dma_start3A_158 = arith.constant 0 : i32
          %dma_start3A_159 = tpu.memref_slice %arg12[%add3A_151, %dma_start3A_158] : memref<48x32xi32, #tpu.memory_space<vmem>> -> memref<1x32xi32, #tpu.memory_space<vmem>>
          %dma_start3A_160 = tpu.memref_squeeze %dma_start3A_159 : memref<1x32xi32, #tpu.memory_space<vmem>> -> memref<32xi32, #tpu.memory_space<vmem>>
          %dma_start3A_161 = arith.constant 0 : i32
          %dma_start3A_162 = arith.constant 0 : i32
          %dma_start3A_163 = tpu.memref_slice %arg25[%dma_start3A_161, %dma_start3A_162] : memref<10240x128xf32, #tpu.memory_space<vmem_shared>> -> memref<10240x128xf32, #tpu.memory_space<vmem_shared>>
          tpu.enqueue_indirect_dma source(%arg15 : memref<32x128xf32, #tpu.memory_space<vmem>>) target(%dma_start3A_163 : memref<10240x128xf32, #tpu.memory_space<vmem_shared>>) offsets(%dma_start3A_160 : memref<32xi32, #tpu.memory_space<vmem>>) semaphore(%arg35 : memref<!tpu.dma_semaphore, #tpu.memory_space<semaphore_mem>>) {add = true}
          %add3A_164 = arith.constant 4 : i32
          %add3A_165 = arith.addi %add3A_151, %add3A_164 : i32
          %lt3A = arith.constant 48 : i32
          %lt3A_166 = arith.cmpi slt, %add3A_165, %lt3A : i32
          %convert_element_type3A_167 = arith.extui %lt3A_166 : i1 to i32
          %cond3A_168 = arith.constant 0 : i32
          %cond3A_169 = arith.cmpi ne, %convert_element_type3A_167, %cond3A_168 : i32
          scf.if %cond3A_169 {
            %ge3A = arith.constant 4 : i32
            %ge3A_331 = arith.cmpi sge, %add3A_151, %ge3A : i32
            %convert_element_type3A_332 = arith.extui %ge3A_331 : i1 to i32
            %cond3A_333 = arith.constant 0 : i32
            %cond3A_334 = arith.cmpi ne, %convert_element_type3A_332, %cond3A_333 : i32
            scf.if %cond3A_334 {
              %dma_wait3A_343 = arith.constant 0 : i32
              %dma_wait3A_344 = arith.constant 0 : i32
              %dma_wait3A_345 = tpu.memref_slice %arg12[%dma_wait3A_343, %dma_wait3A_344] : memref<48x32xi32, #tpu.memory_space<vmem>> -> memref<1x32xi32, #tpu.memory_space<vmem>>
              %dma_wait3A_346 = tpu.memref_squeeze %dma_wait3A_345 : memref<1x32xi32, #tpu.memory_space<vmem>> -> memref<32xi32, #tpu.memory_space<vmem>>
              %dma_wait3A_347 = arith.constant 0 : i32
              %dma_wait3A_348 = arith.constant 0 : i32
              %dma_wait3A_349 = tpu.memref_slice %arg25[%dma_wait3A_347, %dma_wait3A_348] : memref<10240x128xf32, #tpu.memory_space<vmem_shared>> -> memref<10240x128xf32, #tpu.memory_space<vmem_shared>>
              tpu.wait_indirect_dma semaphore(%arg39 : memref<!tpu.dma_semaphore, #tpu.memory_space<semaphore_mem>>) src(%arg19 : memref<32x128xf32, #tpu.memory_space<vmem>>) dst(%dma_wait3A_349 : memref<10240x128xf32, #tpu.memory_space<vmem_shared>>)
            } else {
            }
            %add3A_335 = arith.constant 4 : i32
            %add3A_336 = arith.addi %add3A_151, %add3A_335 : i32
            %dma_start3A_337 = arith.constant 0 : i32
            %dma_start3A_338 = tpu.memref_slice %arg11[%add3A_336, %dma_start3A_337] : memref<48x32xi32, #tpu.memory_space<vmem>> -> memref<1x32xi32, #tpu.memory_space<vmem>>
            %dma_start3A_339 = tpu.memref_squeeze %dma_start3A_338 : memref<1x32xi32, #tpu.memory_space<vmem>> -> memref<32xi32, #tpu.memory_space<vmem>>
            %dma_start3A_340 = arith.constant 0 : i32
            %dma_start3A_341 = arith.constant 0 : i32
            %dma_start3A_342 = tpu.memref_slice %arg6[%dma_start3A_340, %dma_start3A_341] : memref<10000x128xf32, #tpu.memory_space<hbm>> -> memref<10000x128xf32, #tpu.memory_space<hbm>>
            tpu.enqueue_indirect_dma source(%dma_start3A_342 : memref<10000x128xf32, #tpu.memory_space<hbm>>) target(%arg19 : memref<32x128xf32, #tpu.memory_space<vmem>>) offsets(%dma_start3A_339 : memref<32xi32, #tpu.memory_space<vmem>>) semaphore(%arg31 : memref<!tpu.dma_semaphore, #tpu.memory_space<semaphore_mem>>)
          } else {
          }
          %mul3A_170 = arith.constant 8 : i32
          %mul3A_171 = arith.muli %scan3A_147, %mul3A_170 : i32
          %add3A_172 = arith.constant 1 : i32
          %add3A_173 = arith.addi %mul3A_171, %add3A_172 : i32
          %dma_wait3A_174 = arith.constant 0 : i32
          %dma_wait3A_175 = tpu.memref_slice %arg11[%add3A_173, %dma_wait3A_174] : memref<48x32xi32, #tpu.memory_space<vmem>> -> memref<1x32xi32, #tpu.memory_space<vmem>>
          %dma_wait3A_176 = tpu.memref_squeeze %dma_wait3A_175 : memref<1x32xi32, #tpu.memory_space<vmem>> -> memref<32xi32, #tpu.memory_space<vmem>>
          %dma_wait3A_177 = arith.constant 0 : i32
          %dma_wait3A_178 = arith.constant 0 : i32
          %dma_wait3A_179 = tpu.memref_slice %arg6[%dma_wait3A_177, %dma_wait3A_178] : memref<10000x128xf32, #tpu.memory_space<hbm>> -> memref<10000x128xf32, #tpu.memory_space<hbm>>
          tpu.wait_indirect_dma semaphore(%arg28 : memref<!tpu.dma_semaphore, #tpu.memory_space<semaphore_mem>>) src(%dma_wait3A_179 : memref<10000x128xf32, #tpu.memory_space<hbm>>) dst(%arg16 : memref<32x128xf32, #tpu.memory_space<vmem>>)
          %dma_start3A_180 = arith.constant 0 : i32
          %dma_start3A_181 = tpu.memref_slice %arg12[%add3A_173, %dma_start3A_180] : memref<48x32xi32, #tpu.memory_space<vmem>> -> memref<1x32xi32, #tpu.memory_space<vmem>>
          %dma_start3A_182 = tpu.memref_squeeze %dma_start3A_181 : memref<1x32xi32, #tpu.memory_space<vmem>> -> memref<32xi32, #tpu.memory_space<vmem>>
          %dma_start3A_183 = arith.constant 0 : i32
          %dma_start3A_184 = arith.constant 0 : i32
          %dma_start3A_185 = tpu.memref_slice %arg25[%dma_start3A_183, %dma_start3A_184] : memref<10240x128xf32, #tpu.memory_space<vmem_shared>> -> memref<10240x128xf32, #tpu.memory_space<vmem_shared>>
          tpu.enqueue_indirect_dma source(%arg16 : memref<32x128xf32, #tpu.memory_space<vmem>>) target(%dma_start3A_185 : memref<10240x128xf32, #tpu.memory_space<vmem_shared>>) offsets(%dma_start3A_182 : memref<32xi32, #tpu.memory_space<vmem>>) semaphore(%arg36 : memref<!tpu.dma_semaphore, #tpu.memory_space<semaphore_mem>>) {add = true}
          %add3A_186 = arith.constant 4 : i32
          %add3A_187 = arith.addi %add3A_173, %add3A_186 : i32
          %lt3A_188 = arith.constant 48 : i32
          %lt3A_189 = arith.cmpi slt, %add3A_187, %lt3A_188 : i32
          %convert_element_type3A_190 = arith.extui %lt3A_189 : i1 to i32
          %cond3A_191 = arith.constant 0 : i32
          %cond3A_192 = arith.cmpi ne, %convert_element_type3A_190, %cond3A_191 : i32
          scf.if %cond3A_192 {
            %ge3A = arith.constant 4 : i32
            %ge3A_331 = arith.cmpi sge, %add3A_173, %ge3A : i32
            %convert_element_type3A_332 = arith.extui %ge3A_331 : i1 to i32
            %cond3A_333 = arith.constant 0 : i32
            %cond3A_334 = arith.cmpi ne, %convert_element_type3A_332, %cond3A_333 : i32
            scf.if %cond3A_334 {
              %dma_wait3A_343 = arith.constant 0 : i32
              %dma_wait3A_344 = arith.constant 0 : i32
              %dma_wait3A_345 = tpu.memref_slice %arg12[%dma_wait3A_343, %dma_wait3A_344] : memref<48x32xi32, #tpu.memory_space<vmem>> -> memref<1x32xi32, #tpu.memory_space<vmem>>
              %dma_wait3A_346 = tpu.memref_squeeze %dma_wait3A_345 : memref<1x32xi32, #tpu.memory_space<vmem>> -> memref<32xi32, #tpu.memory_space<vmem>>
              %dma_wait3A_347 = arith.constant 0 : i32
              %dma_wait3A_348 = arith.constant 0 : i32
              %dma_wait3A_349 = tpu.memref_slice %arg25[%dma_wait3A_347, %dma_wait3A_348] : memref<10240x128xf32, #tpu.memory_space<vmem_shared>> -> memref<10240x128xf32, #tpu.memory_space<vmem_shared>>
              tpu.wait_indirect_dma semaphore(%arg40 : memref<!tpu.dma_semaphore, #tpu.memory_space<semaphore_mem>>) src(%arg20 : memref<32x128xf32, #tpu.memory_space<vmem>>) dst(%dma_wait3A_349 : memref<10240x128xf32, #tpu.memory_space<vmem_shared>>)
            } else {
            }
            %add3A_335 = arith.constant 4 : i32
            %add3A_336 = arith.addi %add3A_173, %add3A_335 : i32
            %dma_start3A_337 = arith.constant 0 : i32
            %dma_start3A_338 = tpu.memref_slice %arg11[%add3A_336, %dma_start3A_337] : memref<48x32xi32, #tpu.memory_space<vmem>> -> memref<1x32xi32, #tpu.memory_space<vmem>>
            %dma_start3A_339 = tpu.memref_squeeze %dma_start3A_338 : memref<1x32xi32, #tpu.memory_space<vmem>> -> memref<32xi32, #tpu.memory_space<vmem>>
            %dma_start3A_340 = arith.constant 0 : i32
            %dma_start3A_341 = arith.constant 0 : i32
            %dma_start3A_342 = tpu.memref_slice %arg6[%dma_start3A_340, %dma_start3A_341] : memref<10000x128xf32, #tpu.memory_space<hbm>> -> memref<10000x128xf32, #tpu.memory_space<hbm>>
            tpu.enqueue_indirect_dma source(%dma_start3A_342 : memref<10000x128xf32, #tpu.memory_space<hbm>>) target(%arg20 : memref<32x128xf32, #tpu.memory_space<vmem>>) offsets(%dma_start3A_339 : memref<32xi32, #tpu.memory_space<vmem>>) semaphore(%arg32 : memref<!tpu.dma_semaphore, #tpu.memory_space<semaphore_mem>>)
          } else {
          }
          %mul3A_193 = arith.constant 8 : i32
          %mul3A_194 = arith.muli %scan3A_147, %mul3A_193 : i32
          %add3A_195 = arith.constant 2 : i32
          %add3A_196 = arith.addi %mul3A_194, %add3A_195 : i32
          %dma_wait3A_197 = arith.constant 0 : i32
          %dma_wait3A_198 = tpu.memref_slice %arg11[%add3A_196, %dma_wait3A_197] : memref<48x32xi32, #tpu.memory_space<vmem>> -> memref<1x32xi32, #tpu.memory_space<vmem>>
          %dma_wait3A_199 = tpu.memref_squeeze %dma_wait3A_198 : memref<1x32xi32, #tpu.memory_space<vmem>> -> memref<32xi32, #tpu.memory_space<vmem>>
          %dma_wait3A_200 = arith.constant 0 : i32
          %dma_wait3A_201 = arith.constant 0 : i32
          %dma_wait3A_202 = tpu.memref_slice %arg6[%dma_wait3A_200, %dma_wait3A_201] : memref<10000x128xf32, #tpu.memory_space<hbm>> -> memref<10000x128xf32, #tpu.memory_space<hbm>>
          tpu.wait_indirect_dma semaphore(%arg29 : memref<!tpu.dma_semaphore, #tpu.memory_space<semaphore_mem>>) src(%dma_wait3A_202 : memref<10000x128xf32, #tpu.memory_space<hbm>>) dst(%arg17 : memref<32x128xf32, #tpu.memory_space<vmem>>)
          %dma_start3A_203 = arith.constant 0 : i32
          %dma_start3A_204 = tpu.memref_slice %arg12[%add3A_196, %dma_start3A_203] : memref<48x32xi32, #tpu.memory_space<vmem>> -> memref<1x32xi32, #tpu.memory_space<vmem>>
          %dma_start3A_205 = tpu.memref_squeeze %dma_start3A_204 : memref<1x32xi32, #tpu.memory_space<vmem>> -> memref<32xi32, #tpu.memory_space<vmem>>
          %dma_start3A_206 = arith.constant 0 : i32
          %dma_start3A_207 = arith.constant 0 : i32
          %dma_start3A_208 = tpu.memref_slice %arg25[%dma_start3A_206, %dma_start3A_207] : memref<10240x128xf32, #tpu.memory_space<vmem_shared>> -> memref<10240x128xf32, #tpu.memory_space<vmem_shared>>
          tpu.enqueue_indirect_dma source(%arg17 : memref<32x128xf32, #tpu.memory_space<vmem>>) target(%dma_start3A_208 : memref<10240x128xf32, #tpu.memory_space<vmem_shared>>) offsets(%dma_start3A_205 : memref<32xi32, #tpu.memory_space<vmem>>) semaphore(%arg37 : memref<!tpu.dma_semaphore, #tpu.memory_space<semaphore_mem>>) {add = true}
          %add3A_209 = arith.constant 4 : i32
          %add3A_210 = arith.addi %add3A_196, %add3A_209 : i32
          %lt3A_211 = arith.constant 48 : i32
          %lt3A_212 = arith.cmpi slt, %add3A_210, %lt3A_211 : i32
          %convert_element_type3A_213 = arith.extui %lt3A_212 : i1 to i32
          %cond3A_214 = arith.constant 0 : i32
          %cond3A_215 = arith.cmpi ne, %convert_element_type3A_213, %cond3A_214 : i32
          scf.if %cond3A_215 {
            %ge3A = arith.constant 4 : i32
            %ge3A_331 = arith.cmpi sge, %add3A_196, %ge3A : i32
            %convert_element_type3A_332 = arith.extui %ge3A_331 : i1 to i32
            %cond3A_333 = arith.constant 0 : i32
            %cond3A_334 = arith.cmpi ne, %convert_element_type3A_332, %cond3A_333 : i32
            scf.if %cond3A_334 {
              %dma_wait3A_343 = arith.constant 0 : i32
              %dma_wait3A_344 = arith.constant 0 : i32
              %dma_wait3A_345 = tpu.memref_slice %arg12[%dma_wait3A_343, %dma_wait3A_344] : memref<48x32xi32, #tpu.memory_space<vmem>> -> memref<1x32xi32, #tpu.memory_space<vmem>>
              %dma_wait3A_346 = tpu.memref_squeeze %dma_wait3A_345 : memref<1x32xi32, #tpu.memory_space<vmem>> -> memref<32xi32, #tpu.memory_space<vmem>>
              %dma_wait3A_347 = arith.constant 0 : i32
              %dma_wait3A_348 = arith.constant 0 : i32
              %dma_wait3A_349 = tpu.memref_slice %arg25[%dma_wait3A_347, %dma_wait3A_348] : memref<10240x128xf32, #tpu.memory_space<vmem_shared>> -> memref<10240x128xf32, #tpu.memory_space<vmem_shared>>
              tpu.wait_indirect_dma semaphore(%arg41 : memref<!tpu.dma_semaphore, #tpu.memory_space<semaphore_mem>>) src(%arg21 : memref<32x128xf32, #tpu.memory_space<vmem>>) dst(%dma_wait3A_349 : memref<10240x128xf32, #tpu.memory_space<vmem_shared>>)
            } else {
            }
            %add3A_335 = arith.constant 4 : i32
            %add3A_336 = arith.addi %add3A_196, %add3A_335 : i32
            %dma_start3A_337 = arith.constant 0 : i32
            %dma_start3A_338 = tpu.memref_slice %arg11[%add3A_336, %dma_start3A_337] : memref<48x32xi32, #tpu.memory_space<vmem>> -> memref<1x32xi32, #tpu.memory_space<vmem>>
            %dma_start3A_339 = tpu.memref_squeeze %dma_start3A_338 : memref<1x32xi32, #tpu.memory_space<vmem>> -> memref<32xi32, #tpu.memory_space<vmem>>
            %dma_start3A_340 = arith.constant 0 : i32
            %dma_start3A_341 = arith.constant 0 : i32
            %dma_start3A_342 = tpu.memref_slice %arg6[%dma_start3A_340, %dma_start3A_341] : memref<10000x128xf32, #tpu.memory_space<hbm>> -> memref<10000x128xf32, #tpu.memory_space<hbm>>
            tpu.enqueue_indirect_dma source(%dma_start3A_342 : memref<10000x128xf32, #tpu.memory_space<hbm>>) target(%arg21 : memref<32x128xf32, #tpu.memory_space<vmem>>) offsets(%dma_start3A_339 : memref<32xi32, #tpu.memory_space<vmem>>) semaphore(%arg33 : memref<!tpu.dma_semaphore, #tpu.memory_space<semaphore_mem>>)
          } else {
          }
          %mul3A_216 = arith.constant 8 : i32
          %mul3A_217 = arith.muli %scan3A_147, %mul3A_216 : i32
          %add3A_218 = arith.constant 3 : i32
          %add3A_219 = arith.addi %mul3A_217, %add3A_218 : i32
          %dma_wait3A_220 = arith.constant 0 : i32
          %dma_wait3A_221 = tpu.memref_slice %arg11[%add3A_219, %dma_wait3A_220] : memref<48x32xi32, #tpu.memory_space<vmem>> -> memref<1x32xi32, #tpu.memory_space<vmem>>
          %dma_wait3A_222 = tpu.memref_squeeze %dma_wait3A_221 : memref<1x32xi32, #tpu.memory_space<vmem>> -> memref<32xi32, #tpu.memory_space<vmem>>
          %dma_wait3A_223 = arith.constant 0 : i32
          %dma_wait3A_224 = arith.constant 0 : i32
          %dma_wait3A_225 = tpu.memref_slice %arg6[%dma_wait3A_223, %dma_wait3A_224] : memref<10000x128xf32, #tpu.memory_space<hbm>> -> memref<10000x128xf32, #tpu.memory_space<hbm>>
          tpu.wait_indirect_dma semaphore(%arg30 : memref<!tpu.dma_semaphore, #tpu.memory_space<semaphore_mem>>) src(%dma_wait3A_225 : memref<10000x128xf32, #tpu.memory_space<hbm>>) dst(%arg18 : memref<32x128xf32, #tpu.memory_space<vmem>>)
          %dma_start3A_226 = arith.constant 0 : i32
          %dma_start3A_227 = tpu.memref_slice %arg12[%add3A_219, %dma_start3A_226] : memref<48x32xi32, #tpu.memory_space<vmem>> -> memref<1x32xi32, #tpu.memory_space<vmem>>
          %dma_start3A_228 = tpu.memref_squeeze %dma_start3A_227 : memref<1x32xi32, #tpu.memory_space<vmem>> -> memref<32xi32, #tpu.memory_space<vmem>>
          %dma_start3A_229 = arith.constant 0 : i32
          %dma_start3A_230 = arith.constant 0 : i32
          %dma_start3A_231 = tpu.memref_slice %arg25[%dma_start3A_229, %dma_start3A_230] : memref<10240x128xf32, #tpu.memory_space<vmem_shared>> -> memref<10240x128xf32, #tpu.memory_space<vmem_shared>>
          tpu.enqueue_indirect_dma source(%arg18 : memref<32x128xf32, #tpu.memory_space<vmem>>) target(%dma_start3A_231 : memref<10240x128xf32, #tpu.memory_space<vmem_shared>>) offsets(%dma_start3A_228 : memref<32xi32, #tpu.memory_space<vmem>>) semaphore(%arg38 : memref<!tpu.dma_semaphore, #tpu.memory_space<semaphore_mem>>) {add = true}
          %add3A_232 = arith.constant 4 : i32
          %add3A_233 = arith.addi %add3A_219, %add3A_232 : i32
          %lt3A_234 = arith.constant 48 : i32
          %lt3A_235 = arith.cmpi slt, %add3A_233, %lt3A_234 : i32
          %convert_element_type3A_236 = arith.extui %lt3A_235 : i1 to i32
          %cond3A_237 = arith.constant 0 : i32
          %cond3A_238 = arith.cmpi ne, %convert_element_type3A_236, %cond3A_237 : i32
          scf.if %cond3A_238 {
            %ge3A = arith.constant 4 : i32
            %ge3A_331 = arith.cmpi sge, %add3A_219, %ge3A : i32
            %convert_element_type3A_332 = arith.extui %ge3A_331 : i1 to i32
            %cond3A_333 = arith.constant 0 : i32
            %cond3A_334 = arith.cmpi ne, %convert_element_type3A_332, %cond3A_333 : i32
            scf.if %cond3A_334 {
              %dma_wait3A_343 = arith.constant 0 : i32
              %dma_wait3A_344 = arith.constant 0 : i32
              %dma_wait3A_345 = tpu.memref_slice %arg12[%dma_wait3A_343, %dma_wait3A_344] : memref<48x32xi32, #tpu.memory_space<vmem>> -> memref<1x32xi32, #tpu.memory_space<vmem>>
              %dma_wait3A_346 = tpu.memref_squeeze %dma_wait3A_345 : memref<1x32xi32, #tpu.memory_space<vmem>> -> memref<32xi32, #tpu.memory_space<vmem>>
              %dma_wait3A_347 = arith.constant 0 : i32
              %dma_wait3A_348 = arith.constant 0 : i32
              %dma_wait3A_349 = tpu.memref_slice %arg25[%dma_wait3A_347, %dma_wait3A_348] : memref<10240x128xf32, #tpu.memory_space<vmem_shared>> -> memref<10240x128xf32, #tpu.memory_space<vmem_shared>>
              tpu.wait_indirect_dma semaphore(%arg42 : memref<!tpu.dma_semaphore, #tpu.memory_space<semaphore_mem>>) src(%arg22 : memref<32x128xf32, #tpu.memory_space<vmem>>) dst(%dma_wait3A_349 : memref<10240x128xf32, #tpu.memory_space<vmem_shared>>)
            } else {
            }
            %add3A_335 = arith.constant 4 : i32
            %add3A_336 = arith.addi %add3A_219, %add3A_335 : i32
            %dma_start3A_337 = arith.constant 0 : i32
            %dma_start3A_338 = tpu.memref_slice %arg11[%add3A_336, %dma_start3A_337] : memref<48x32xi32, #tpu.memory_space<vmem>> -> memref<1x32xi32, #tpu.memory_space<vmem>>
            %dma_start3A_339 = tpu.memref_squeeze %dma_start3A_338 : memref<1x32xi32, #tpu.memory_space<vmem>> -> memref<32xi32, #tpu.memory_space<vmem>>
            %dma_start3A_340 = arith.constant 0 : i32
            %dma_start3A_341 = arith.constant 0 : i32
            %dma_start3A_342 = tpu.memref_slice %arg6[%dma_start3A_340, %dma_start3A_341] : memref<10000x128xf32, #tpu.memory_space<hbm>> -> memref<10000x128xf32, #tpu.memory_space<hbm>>
            tpu.enqueue_indirect_dma source(%dma_start3A_342 : memref<10000x128xf32, #tpu.memory_space<hbm>>) target(%arg22 : memref<32x128xf32, #tpu.memory_space<vmem>>) offsets(%dma_start3A_339 : memref<32xi32, #tpu.memory_space<vmem>>) semaphore(%arg34 : memref<!tpu.dma_semaphore, #tpu.memory_space<semaphore_mem>>)
          } else {
          }
          %mul3A_239 = arith.constant 8 : i32
          %mul3A_240 = arith.muli %scan3A_147, %mul3A_239 : i32
          %add3A_241 = arith.constant 4 : i32
          %add3A_242 = arith.addi %mul3A_240, %add3A_241 : i32
          %dma_wait3A_243 = arith.constant 0 : i32
          %dma_wait3A_244 = tpu.memref_slice %arg11[%add3A_242, %dma_wait3A_243] : memref<48x32xi32, #tpu.memory_space<vmem>> -> memref<1x32xi32, #tpu.memory_space<vmem>>
          %dma_wait3A_245 = tpu.memref_squeeze %dma_wait3A_244 : memref<1x32xi32, #tpu.memory_space<vmem>> -> memref<32xi32, #tpu.memory_space<vmem>>
          %dma_wait3A_246 = arith.constant 0 : i32
          %dma_wait3A_247 = arith.constant 0 : i32
          %dma_wait3A_248 = tpu.memref_slice %arg6[%dma_wait3A_246, %dma_wait3A_247] : memref<10000x128xf32, #tpu.memory_space<hbm>> -> memref<10000x128xf32, #tpu.memory_space<hbm>>
          tpu.wait_indirect_dma semaphore(%arg31 : memref<!tpu.dma_semaphore, #tpu.memory_space<semaphore_mem>>) src(%dma_wait3A_248 : memref<10000x128xf32, #tpu.memory_space<hbm>>) dst(%arg19 : memref<32x128xf32, #tpu.memory_space<vmem>>)
          %dma_start3A_249 = arith.constant 0 : i32
          %dma_start3A_250 = tpu.memref_slice %arg12[%add3A_242, %dma_start3A_249] : memref<48x32xi32, #tpu.memory_space<vmem>> -> memref<1x32xi32, #tpu.memory_space<vmem>>
          %dma_start3A_251 = tpu.memref_squeeze %dma_start3A_250 : memref<1x32xi32, #tpu.memory_space<vmem>> -> memref<32xi32, #tpu.memory_space<vmem>>
          %dma_start3A_252 = arith.constant 0 : i32
          %dma_start3A_253 = arith.constant 0 : i32
          %dma_start3A_254 = tpu.memref_slice %arg25[%dma_start3A_252, %dma_start3A_253] : memref<10240x128xf32, #tpu.memory_space<vmem_shared>> -> memref<10240x128xf32, #tpu.memory_space<vmem_shared>>
          tpu.enqueue_indirect_dma source(%arg19 : memref<32x128xf32, #tpu.memory_space<vmem>>) target(%dma_start3A_254 : memref<10240x128xf32, #tpu.memory_space<vmem_shared>>) offsets(%dma_start3A_251 : memref<32xi32, #tpu.memory_space<vmem>>) semaphore(%arg39 : memref<!tpu.dma_semaphore, #tpu.memory_space<semaphore_mem>>) {add = true}
          %add3A_255 = arith.constant 4 : i32
          %add3A_256 = arith.addi %add3A_242, %add3A_255 : i32
          %lt3A_257 = arith.constant 48 : i32
          %lt3A_258 = arith.cmpi slt, %add3A_256, %lt3A_257 : i32
          %convert_element_type3A_259 = arith.extui %lt3A_258 : i1 to i32
          %cond3A_260 = arith.constant 0 : i32
          %cond3A_261 = arith.cmpi ne, %convert_element_type3A_259, %cond3A_260 : i32
          scf.if %cond3A_261 {
            %ge3A = arith.constant 4 : i32
            %ge3A_331 = arith.cmpi sge, %add3A_242, %ge3A : i32
            %convert_element_type3A_332 = arith.extui %ge3A_331 : i1 to i32
            %cond3A_333 = arith.constant 0 : i32
            %cond3A_334 = arith.cmpi ne, %convert_element_type3A_332, %cond3A_333 : i32
            scf.if %cond3A_334 {
              %dma_wait3A_343 = arith.constant 0 : i32
              %dma_wait3A_344 = arith.constant 0 : i32
              %dma_wait3A_345 = tpu.memref_slice %arg12[%dma_wait3A_343, %dma_wait3A_344] : memref<48x32xi32, #tpu.memory_space<vmem>> -> memref<1x32xi32, #tpu.memory_space<vmem>>
              %dma_wait3A_346 = tpu.memref_squeeze %dma_wait3A_345 : memref<1x32xi32, #tpu.memory_space<vmem>> -> memref<32xi32, #tpu.memory_space<vmem>>
              %dma_wait3A_347 = arith.constant 0 : i32
              %dma_wait3A_348 = arith.constant 0 : i32
              %dma_wait3A_349 = tpu.memref_slice %arg25[%dma_wait3A_347, %dma_wait3A_348] : memref<10240x128xf32, #tpu.memory_space<vmem_shared>> -> memref<10240x128xf32, #tpu.memory_space<vmem_shared>>
              tpu.wait_indirect_dma semaphore(%arg35 : memref<!tpu.dma_semaphore, #tpu.memory_space<semaphore_mem>>) src(%arg15 : memref<32x128xf32, #tpu.memory_space<vmem>>) dst(%dma_wait3A_349 : memref<10240x128xf32, #tpu.memory_space<vmem_shared>>)
            } else {
            }
            %add3A_335 = arith.constant 4 : i32
            %add3A_336 = arith.addi %add3A_242, %add3A_335 : i32
            %dma_start3A_337 = arith.constant 0 : i32
            %dma_start3A_338 = tpu.memref_slice %arg11[%add3A_336, %dma_start3A_337] : memref<48x32xi32, #tpu.memory_space<vmem>> -> memref<1x32xi32, #tpu.memory_space<vmem>>
            %dma_start3A_339 = tpu.memref_squeeze %dma_start3A_338 : memref<1x32xi32, #tpu.memory_space<vmem>> -> memref<32xi32, #tpu.memory_space<vmem>>
            %dma_start3A_340 = arith.constant 0 : i32
            %dma_start3A_341 = arith.constant 0 : i32
            %dma_start3A_342 = tpu.memref_slice %arg6[%dma_start3A_340, %dma_start3A_341] : memref<10000x128xf32, #tpu.memory_space<hbm>> -> memref<10000x128xf32, #tpu.memory_space<hbm>>
            tpu.enqueue_indirect_dma source(%dma_start3A_342 : memref<10000x128xf32, #tpu.memory_space<hbm>>) target(%arg15 : memref<32x128xf32, #tpu.memory_space<vmem>>) offsets(%dma_start3A_339 : memref<32xi32, #tpu.memory_space<vmem>>) semaphore(%arg27 : memref<!tpu.dma_semaphore, #tpu.memory_space<semaphore_mem>>)
          } else {
          }
          %mul3A_262 = arith.constant 8 : i32
          %mul3A_263 = arith.muli %scan3A_147, %mul3A_262 : i32
          %add3A_264 = arith.constant 5 : i32
          %add3A_265 = arith.addi %mul3A_263, %add3A_264 : i32
          %dma_wait3A_266 = arith.constant 0 : i32
          %dma_wait3A_267 = tpu.memref_slice %arg11[%add3A_265, %dma_wait3A_266] : memref<48x32xi32, #tpu.memory_space<vmem>> -> memref<1x32xi32, #tpu.memory_space<vmem>>
          %dma_wait3A_268 = tpu.memref_squeeze %dma_wait3A_267 : memref<1x32xi32, #tpu.memory_space<vmem>> -> memref<32xi32, #tpu.memory_space<vmem>>
          %dma_wait3A_269 = arith.constant 0 : i32
          %dma_wait3A_270 = arith.constant 0 : i32
          %dma_wait3A_271 = tpu.memref_slice %arg6[%dma_wait3A_269, %dma_wait3A_270] : memref<10000x128xf32, #tpu.memory_space<hbm>> -> memref<10000x128xf32, #tpu.memory_space<hbm>>
          tpu.wait_indirect_dma semaphore(%arg32 : memref<!tpu.dma_semaphore, #tpu.memory_space<semaphore_mem>>) src(%dma_wait3A_271 : memref<10000x128xf32, #tpu.memory_space<hbm>>) dst(%arg20 : memref<32x128xf32, #tpu.memory_space<vmem>>)
          %dma_start3A_272 = arith.constant 0 : i32
          %dma_start3A_273 = tpu.memref_slice %arg12[%add3A_265, %dma_start3A_272] : memref<48x32xi32, #tpu.memory_space<vmem>> -> memref<1x32xi32, #tpu.memory_space<vmem>>
          %dma_start3A_274 = tpu.memref_squeeze %dma_start3A_273 : memref<1x32xi32, #tpu.memory_space<vmem>> -> memref<32xi32, #tpu.memory_space<vmem>>
          %dma_start3A_275 = arith.constant 0 : i32
          %dma_start3A_276 = arith.constant 0 : i32
          %dma_start3A_277 = tpu.memref_slice %arg25[%dma_start3A_275, %dma_start3A_276] : memref<10240x128xf32, #tpu.memory_space<vmem_shared>> -> memref<10240x128xf32, #tpu.memory_space<vmem_shared>>
          tpu.enqueue_indirect_dma source(%arg20 : memref<32x128xf32, #tpu.memory_space<vmem>>) target(%dma_start3A_277 : memref<10240x128xf32, #tpu.memory_space<vmem_shared>>) offsets(%dma_start3A_274 : memref<32xi32, #tpu.memory_space<vmem>>) semaphore(%arg40 : memref<!tpu.dma_semaphore, #tpu.memory_space<semaphore_mem>>) {add = true}
          %add3A_278 = arith.constant 4 : i32
          %add3A_279 = arith.addi %add3A_265, %add3A_278 : i32
          %lt3A_280 = arith.constant 48 : i32
          %lt3A_281 = arith.cmpi slt, %add3A_279, %lt3A_280 : i32
          %convert_element_type3A_282 = arith.extui %lt3A_281 : i1 to i32
          %cond3A_283 = arith.constant 0 : i32
          %cond3A_284 = arith.cmpi ne, %convert_element_type3A_282, %cond3A_283 : i32
          scf.if %cond3A_284 {
            %ge3A = arith.constant 4 : i32
            %ge3A_331 = arith.cmpi sge, %add3A_265, %ge3A : i32
            %convert_element_type3A_332 = arith.extui %ge3A_331 : i1 to i32
            %cond3A_333 = arith.constant 0 : i32
            %cond3A_334 = arith.cmpi ne, %convert_element_type3A_332, %cond3A_333 : i32
            scf.if %cond3A_334 {
              %dma_wait3A_343 = arith.constant 0 : i32
              %dma_wait3A_344 = arith.constant 0 : i32
              %dma_wait3A_345 = tpu.memref_slice %arg12[%dma_wait3A_343, %dma_wait3A_344] : memref<48x32xi32, #tpu.memory_space<vmem>> -> memref<1x32xi32, #tpu.memory_space<vmem>>
              %dma_wait3A_346 = tpu.memref_squeeze %dma_wait3A_345 : memref<1x32xi32, #tpu.memory_space<vmem>> -> memref<32xi32, #tpu.memory_space<vmem>>
              %dma_wait3A_347 = arith.constant 0 : i32
              %dma_wait3A_348 = arith.constant 0 : i32
              %dma_wait3A_349 = tpu.memref_slice %arg25[%dma_wait3A_347, %dma_wait3A_348] : memref<10240x128xf32, #tpu.memory_space<vmem_shared>> -> memref<10240x128xf32, #tpu.memory_space<vmem_shared>>
              tpu.wait_indirect_dma semaphore(%arg36 : memref<!tpu.dma_semaphore, #tpu.memory_space<semaphore_mem>>) src(%arg16 : memref<32x128xf32, #tpu.memory_space<vmem>>) dst(%dma_wait3A_349 : memref<10240x128xf32, #tpu.memory_space<vmem_shared>>)
            } else {
            }
            %add3A_335 = arith.constant 4 : i32
            %add3A_336 = arith.addi %add3A_265, %add3A_335 : i32
            %dma_start3A_337 = arith.constant 0 : i32
            %dma_start3A_338 = tpu.memref_slice %arg11[%add3A_336, %dma_start3A_337] : memref<48x32xi32, #tpu.memory_space<vmem>> -> memref<1x32xi32, #tpu.memory_space<vmem>>
            %dma_start3A_339 = tpu.memref_squeeze %dma_start3A_338 : memref<1x32xi32, #tpu.memory_space<vmem>> -> memref<32xi32, #tpu.memory_space<vmem>>
            %dma_start3A_340 = arith.constant 0 : i32
            %dma_start3A_341 = arith.constant 0 : i32
            %dma_start3A_342 = tpu.memref_slice %arg6[%dma_start3A_340, %dma_start3A_341] : memref<10000x128xf32, #tpu.memory_space<hbm>> -> memref<10000x128xf32, #tpu.memory_space<hbm>>
            tpu.enqueue_indirect_dma source(%dma_start3A_342 : memref<10000x128xf32, #tpu.memory_space<hbm>>) target(%arg16 : memref<32x128xf32, #tpu.memory_space<vmem>>) offsets(%dma_start3A_339 : memref<32xi32, #tpu.memory_space<vmem>>) semaphore(%arg28 : memref<!tpu.dma_semaphore, #tpu.memory_space<semaphore_mem>>)
          } else {
          }
          %mul3A_285 = arith.constant 8 : i32
          %mul3A_286 = arith.muli %scan3A_147, %mul3A_285 : i32
          %add3A_287 = arith.constant 6 : i32
          %add3A_288 = arith.addi %mul3A_286, %add3A_287 : i32
          %dma_wait3A_289 = arith.constant 0 : i32
          %dma_wait3A_290 = tpu.memref_slice %arg11[%add3A_288, %dma_wait3A_289] : memref<48x32xi32, #tpu.memory_space<vmem>> -> memref<1x32xi32, #tpu.memory_space<vmem>>
          %dma_wait3A_291 = tpu.memref_squeeze %dma_wait3A_290 : memref<1x32xi32, #tpu.memory_space<vmem>> -> memref<32xi32, #tpu.memory_space<vmem>>
          %dma_wait3A_292 = arith.constant 0 : i32
          %dma_wait3A_293 = arith.constant 0 : i32
          %dma_wait3A_294 = tpu.memref_slice %arg6[%dma_wait3A_292, %dma_wait3A_293] : memref<10000x128xf32, #tpu.memory_space<hbm>> -> memref<10000x128xf32, #tpu.memory_space<hbm>>
          tpu.wait_indirect_dma semaphore(%arg33 : memref<!tpu.dma_semaphore, #tpu.memory_space<semaphore_mem>>) src(%dma_wait3A_294 : memref<10000x128xf32, #tpu.memory_space<hbm>>) dst(%arg21 : memref<32x128xf32, #tpu.memory_space<vmem>>)
          %dma_start3A_295 = arith.constant 0 : i32
          %dma_start3A_296 = tpu.memref_slice %arg12[%add3A_288, %dma_start3A_295] : memref<48x32xi32, #tpu.memory_space<vmem>> -> memref<1x32xi32, #tpu.memory_space<vmem>>
          %dma_start3A_297 = tpu.memref_squeeze %dma_start3A_296 : memref<1x32xi32, #tpu.memory_space<vmem>> -> memref<32xi32, #tpu.memory_space<vmem>>
          %dma_start3A_298 = arith.constant 0 : i32
          %dma_start3A_299 = arith.constant 0 : i32
          %dma_start3A_300 = tpu.memref_slice %arg25[%dma_start3A_298, %dma_start3A_299] : memref<10240x128xf32, #tpu.memory_space<vmem_shared>> -> memref<10240x128xf32, #tpu.memory_space<vmem_shared>>
          tpu.enqueue_indirect_dma source(%arg21 : memref<32x128xf32, #tpu.memory_space<vmem>>) target(%dma_start3A_300 : memref<10240x128xf32, #tpu.memory_space<vmem_shared>>) offsets(%dma_start3A_297 : memref<32xi32, #tpu.memory_space<vmem>>) semaphore(%arg41 : memref<!tpu.dma_semaphore, #tpu.memory_space<semaphore_mem>>) {add = true}
          %add3A_301 = arith.constant 4 : i32
          %add3A_302 = arith.addi %add3A_288, %add3A_301 : i32
          %lt3A_303 = arith.constant 48 : i32
          %lt3A_304 = arith.cmpi slt, %add3A_302, %lt3A_303 : i32
          %convert_element_type3A_305 = arith.extui %lt3A_304 : i1 to i32
          %cond3A_306 = arith.constant 0 : i32
          %cond3A_307 = arith.cmpi ne, %convert_element_type3A_305, %cond3A_306 : i32
          scf.if %cond3A_307 {
            %ge3A = arith.constant 4 : i32
            %ge3A_331 = arith.cmpi sge, %add3A_288, %ge3A : i32
            %convert_element_type3A_332 = arith.extui %ge3A_331 : i1 to i32
            %cond3A_333 = arith.constant 0 : i32
            %cond3A_334 = arith.cmpi ne, %convert_element_type3A_332, %cond3A_333 : i32
            scf.if %cond3A_334 {
              %dma_wait3A_343 = arith.constant 0 : i32
              %dma_wait3A_344 = arith.constant 0 : i32
              %dma_wait3A_345 = tpu.memref_slice %arg12[%dma_wait3A_343, %dma_wait3A_344] : memref<48x32xi32, #tpu.memory_space<vmem>> -> memref<1x32xi32, #tpu.memory_space<vmem>>
              %dma_wait3A_346 = tpu.memref_squeeze %dma_wait3A_345 : memref<1x32xi32, #tpu.memory_space<vmem>> -> memref<32xi32, #tpu.memory_space<vmem>>
              %dma_wait3A_347 = arith.constant 0 : i32
              %dma_wait3A_348 = arith.constant 0 : i32
              %dma_wait3A_349 = tpu.memref_slice %arg25[%dma_wait3A_347, %dma_wait3A_348] : memref<10240x128xf32, #tpu.memory_space<vmem_shared>> -> memref<10240x128xf32, #tpu.memory_space<vmem_shared>>
              tpu.wait_indirect_dma semaphore(%arg37 : memref<!tpu.dma_semaphore, #tpu.memory_space<semaphore_mem>>) src(%arg17 : memref<32x128xf32, #tpu.memory_space<vmem>>) dst(%dma_wait3A_349 : memref<10240x128xf32, #tpu.memory_space<vmem_shared>>)
            } else {
            }
            %add3A_335 = arith.constant 4 : i32
            %add3A_336 = arith.addi %add3A_288, %add3A_335 : i32
            %dma_start3A_337 = arith.constant 0 : i32
            %dma_start3A_338 = tpu.memref_slice %arg11[%add3A_336, %dma_start3A_337] : memref<48x32xi32, #tpu.memory_space<vmem>> -> memref<1x32xi32, #tpu.memory_space<vmem>>
            %dma_start3A_339 = tpu.memref_squeeze %dma_start3A_338 : memref<1x32xi32, #tpu.memory_space<vmem>> -> memref<32xi32, #tpu.memory_space<vmem>>
            %dma_start3A_340 = arith.constant 0 : i32
            %dma_start3A_341 = arith.constant 0 : i32
            %dma_start3A_342 = tpu.memref_slice %arg6[%dma_start3A_340, %dma_start3A_341] : memref<10000x128xf32, #tpu.memory_space<hbm>> -> memref<10000x128xf32, #tpu.memory_space<hbm>>
            tpu.enqueue_indirect_dma source(%dma_start3A_342 : memref<10000x128xf32, #tpu.memory_space<hbm>>) target(%arg17 : memref<32x128xf32, #tpu.memory_space<vmem>>) offsets(%dma_start3A_339 : memref<32xi32, #tpu.memory_space<vmem>>) semaphore(%arg29 : memref<!tpu.dma_semaphore, #tpu.memory_space<semaphore_mem>>)
          } else {
          }
          %mul3A_308 = arith.constant 8 : i32
          %mul3A_309 = arith.muli %scan3A_147, %mul3A_308 : i32
          %add3A_310 = arith.constant 7 : i32
          %add3A_311 = arith.addi %mul3A_309, %add3A_310 : i32
          %dma_wait3A_312 = arith.constant 0 : i32
          %dma_wait3A_313 = tpu.memref_slice %arg11[%add3A_311, %dma_wait3A_312] : memref<48x32xi32, #tpu.memory_space<vmem>> -> memref<1x32xi32, #tpu.memory_space<vmem>>
          %dma_wait3A_314 = tpu.memref_squeeze %dma_wait3A_313 : memref<1x32xi32, #tpu.memory_space<vmem>> -> memref<32xi32, #tpu.memory_space<vmem>>
          %dma_wait3A_315 = arith.constant 0 : i32
          %dma_wait3A_316 = arith.constant 0 : i32
          %dma_wait3A_317 = tpu.memref_slice %arg6[%dma_wait3A_315, %dma_wait3A_316] : memref<10000x128xf32, #tpu.memory_space<hbm>> -> memref<10000x128xf32, #tpu.memory_space<hbm>>
          tpu.wait_indirect_dma semaphore(%arg34 : memref<!tpu.dma_semaphore, #tpu.memory_space<semaphore_mem>>) src(%dma_wait3A_317 : memref<10000x128xf32, #tpu.memory_space<hbm>>) dst(%arg22 : memref<32x128xf32, #tpu.memory_space<vmem>>)
          %dma_start3A_318 = arith.constant 0 : i32
          %dma_start3A_319 = tpu.memref_slice %arg12[%add3A_311, %dma_start3A_318] : memref<48x32xi32, #tpu.memory_space<vmem>> -> memref<1x32xi32, #tpu.memory_space<vmem>>
          %dma_start3A_320 = tpu.memref_squeeze %dma_start3A_319 : memref<1x32xi32, #tpu.memory_space<vmem>> -> memref<32xi32, #tpu.memory_space<vmem>>
          %dma_start3A_321 = arith.constant 0 : i32
          %dma_start3A_322 = arith.constant 0 : i32
          %dma_start3A_323 = tpu.memref_slice %arg25[%dma_start3A_321, %dma_start3A_322] : memref<10240x128xf32, #tpu.memory_space<vmem_shared>> -> memref<10240x128xf32, #tpu.memory_space<vmem_shared>>
          tpu.enqueue_indirect_dma source(%arg22 : memref<32x128xf32, #tpu.memory_space<vmem>>) target(%dma_start3A_323 : memref<10240x128xf32, #tpu.memory_space<vmem_shared>>) offsets(%dma_start3A_320 : memref<32xi32, #tpu.memory_space<vmem>>) semaphore(%arg42 : memref<!tpu.dma_semaphore, #tpu.memory_space<semaphore_mem>>) {add = true}
          %add3A_324 = arith.constant 4 : i32
          %add3A_325 = arith.addi %add3A_311, %add3A_324 : i32
          %lt3A_326 = arith.constant 48 : i32
          %lt3A_327 = arith.cmpi slt, %add3A_325, %lt3A_326 : i32
          %convert_element_type3A_328 = arith.extui %lt3A_327 : i1 to i32
          %cond3A_329 = arith.constant 0 : i32
          %cond3A_330 = arith.cmpi ne, %convert_element_type3A_328, %cond3A_329 : i32
          scf.if %cond3A_330 {
            %ge3A = arith.constant 4 : i32
            %ge3A_331 = arith.cmpi sge, %add3A_311, %ge3A : i32
            %convert_element_type3A_332 = arith.extui %ge3A_331 : i1 to i32
            %cond3A_333 = arith.constant 0 : i32
            %cond3A_334 = arith.cmpi ne, %convert_element_type3A_332, %cond3A_333 : i32
            scf.if %cond3A_334 {
              %dma_wait3A_343 = arith.constant 0 : i32
              %dma_wait3A_344 = arith.constant 0 : i32
              %dma_wait3A_345 = tpu.memref_slice %arg12[%dma_wait3A_343, %dma_wait3A_344] : memref<48x32xi32, #tpu.memory_space<vmem>> -> memref<1x32xi32, #tpu.memory_space<vmem>>
              %dma_wait3A_346 = tpu.memref_squeeze %dma_wait3A_345 : memref<1x32xi32, #tpu.memory_space<vmem>> -> memref<32xi32, #tpu.memory_space<vmem>>
              %dma_wait3A_347 = arith.constant 0 : i32
              %dma_wait3A_348 = arith.constant 0 : i32
              %dma_wait3A_349 = tpu.memref_slice %arg25[%dma_wait3A_347, %dma_wait3A_348] : memref<10240x128xf32, #tpu.memory_space<vmem_shared>> -> memref<10240x128xf32, #tpu.memory_space<vmem_shared>>
              tpu.wait_indirect_dma semaphore(%arg38 : memref<!tpu.dma_semaphore, #tpu.memory_space<semaphore_mem>>) src(%arg18 : memref<32x128xf32, #tpu.memory_space<vmem>>) dst(%dma_wait3A_349 : memref<10240x128xf32, #tpu.memory_space<vmem_shared>>)
            } else {
            }
            %add3A_335 = arith.constant 4 : i32
            %add3A_336 = arith.addi %add3A_311, %add3A_335 : i32
            %dma_start3A_337 = arith.constant 0 : i32
            %dma_start3A_338 = tpu.memref_slice %arg11[%add3A_336, %dma_start3A_337] : memref<48x32xi32, #tpu.memory_space<vmem>> -> memref<1x32xi32, #tpu.memory_space<vmem>>
            %dma_start3A_339 = tpu.memref_squeeze %dma_start3A_338 : memref<1x32xi32, #tpu.memory_space<vmem>> -> memref<32xi32, #tpu.memory_space<vmem>>
            %dma_start3A_340 = arith.constant 0 : i32
            %dma_start3A_341 = arith.constant 0 : i32
            %dma_start3A_342 = tpu.memref_slice %arg6[%dma_start3A_340, %dma_start3A_341] : memref<10000x128xf32, #tpu.memory_space<hbm>> -> memref<10000x128xf32, #tpu.memory_space<hbm>>
            tpu.enqueue_indirect_dma source(%dma_start3A_342 : memref<10000x128xf32, #tpu.memory_space<hbm>>) target(%arg18 : memref<32x128xf32, #tpu.memory_space<vmem>>) offsets(%dma_start3A_339 : memref<32xi32, #tpu.memory_space<vmem>>) semaphore(%arg30 : memref<!tpu.dma_semaphore, #tpu.memory_space<semaphore_mem>>)
          } else {
          }
        }
        %scan3A_91 = arith.constant 6 : i32
        %dma_wait3A = arith.constant 0 : i32
        %dma_wait3A_92 = arith.constant 0 : i32
        %dma_wait3A_93 = tpu.memref_slice %arg12[%dma_wait3A, %dma_wait3A_92] : memref<48x32xi32, #tpu.memory_space<vmem>> -> memref<1x32xi32, #tpu.memory_space<vmem>>
        %dma_wait3A_94 = tpu.memref_squeeze %dma_wait3A_93 : memref<1x32xi32, #tpu.memory_space<vmem>> -> memref<32xi32, #tpu.memory_space<vmem>>
        %dma_wait3A_95 = arith.constant 0 : i32
        %dma_wait3A_96 = arith.constant 0 : i32
        %dma_wait3A_97 = tpu.memref_slice %arg25[%dma_wait3A_95, %dma_wait3A_96] : memref<10240x128xf32, #tpu.memory_space<vmem_shared>> -> memref<10240x128xf32, #tpu.memory_space<vmem_shared>>
        tpu.wait_indirect_dma semaphore(%arg35 : memref<!tpu.dma_semaphore, #tpu.memory_space<semaphore_mem>>) src(%arg15 : memref<32x128xf32, #tpu.memory_space<vmem>>) dst(%dma_wait3A_97 : memref<10240x128xf32, #tpu.memory_space<vmem_shared>>)
        %dma_wait3A_98 = arith.constant 0 : i32
        %dma_wait3A_99 = arith.constant 0 : i32
        %dma_wait3A_100 = tpu.memref_slice %arg12[%dma_wait3A_98, %dma_wait3A_99] : memref<48x32xi32, #tpu.memory_space<vmem>> -> memref<1x32xi32, #tpu.memory_space<vmem>>
        %dma_wait3A_101 = tpu.memref_squeeze %dma_wait3A_100 : memref<1x32xi32, #tpu.memory_space<vmem>> -> memref<32xi32, #tpu.memory_space<vmem>>
        %dma_wait3A_102 = arith.constant 0 : i32
        %dma_wait3A_103 = arith.constant 0 : i32
        %dma_wait3A_104 = tpu.memref_slice %arg25[%dma_wait3A_102, %dma_wait3A_103] : memref<10240x128xf32, #tpu.memory_space<vmem_shared>> -> memref<10240x128xf32, #tpu.memory_space<vmem_shared>>
        tpu.wait_indirect_dma semaphore(%arg36 : memref<!tpu.dma_semaphore, #tpu.memory_space<semaphore_mem>>) src(%arg16 : memref<32x128xf32, #tpu.memory_space<vmem>>) dst(%dma_wait3A_104 : memref<10240x128xf32, #tpu.memory_space<vmem_shared>>)
        %dma_wait3A_105 = arith.constant 0 : i32
        %dma_wait3A_106 = arith.constant 0 : i32
        %dma_wait3A_107 = tpu.memref_slice %arg12[%dma_wait3A_105, %dma_wait3A_106] : memref<48x32xi32, #tpu.memory_space<vmem>> -> memref<1x32xi32, #tpu.memory_space<vmem>>
        %dma_wait3A_108 = tpu.memref_squeeze %dma_wait3A_107 : memref<1x32xi32, #tpu.memory_space<vmem>> -> memref<32xi32, #tpu.memory_space<vmem>>
        %dma_wait3A_109 = arith.constant 0 : i32
        %dma_wait3A_110 = arith.constant 0 : i32
        %dma_wait3A_111 = tpu.memref_slice %arg25[%dma_wait3A_109, %dma_wait3A_110] : memref<10240x128xf32, #tpu.memory_space<vmem_shared>> -> memref<10240x128xf32, #tpu.memory_space<vmem_shared>>
        tpu.wait_indirect_dma semaphore(%arg37 : memref<!tpu.dma_semaphore, #tpu.memory_space<semaphore_mem>>) src(%arg17 : memref<32x128xf32, #tpu.memory_space<vmem>>) dst(%dma_wait3A_111 : memref<10240x128xf32, #tpu.memory_space<vmem_shared>>)
        %dma_wait3A_112 = arith.constant 0 : i32
        %dma_wait3A_113 = arith.constant 0 : i32
        %dma_wait3A_114 = tpu.memref_slice %arg12[%dma_wait3A_112, %dma_wait3A_113] : memref<48x32xi32, #tpu.memory_space<vmem>> -> memref<1x32xi32, #tpu.memory_space<vmem>>
        %dma_wait3A_115 = tpu.memref_squeeze %dma_wait3A_114 : memref<1x32xi32, #tpu.memory_space<vmem>> -> memref<32xi32, #tpu.memory_space<vmem>>
        %dma_wait3A_116 = arith.constant 0 : i32
        %dma_wait3A_117 = arith.constant 0 : i32
        %dma_wait3A_118 = tpu.memref_slice %arg25[%dma_wait3A_116, %dma_wait3A_117] : memref<10240x128xf32, #tpu.memory_space<vmem_shared>> -> memref<10240x128xf32, #tpu.memory_space<vmem_shared>>
        tpu.wait_indirect_dma semaphore(%arg38 : memref<!tpu.dma_semaphore, #tpu.memory_space<semaphore_mem>>) src(%arg18 : memref<32x128xf32, #tpu.memory_space<vmem>>) dst(%dma_wait3A_118 : memref<10240x128xf32, #tpu.memory_space<vmem_shared>>)
        %dma_wait3A_119 = arith.constant 0 : i32
        %dma_wait3A_120 = arith.constant 0 : i32
        %dma_wait3A_121 = tpu.memref_slice %arg12[%dma_wait3A_119, %dma_wait3A_120] : memref<48x32xi32, #tpu.memory_space<vmem>> -> memref<1x32xi32, #tpu.memory_space<vmem>>
        %dma_wait3A_122 = tpu.memref_squeeze %dma_wait3A_121 : memref<1x32xi32, #tpu.memory_space<vmem>> -> memref<32xi32, #tpu.memory_space<vmem>>
        %dma_wait3A_123 = arith.constant 0 : i32
        %dma_wait3A_124 = arith.constant 0 : i32
        %dma_wait3A_125 = tpu.memref_slice %arg25[%dma_wait3A_123, %dma_wait3A_124] : memref<10240x128xf32, #tpu.memory_space<vmem_shared>> -> memref<10240x128xf32, #tpu.memory_space<vmem_shared>>
        tpu.wait_indirect_dma semaphore(%arg39 : memref<!tpu.dma_semaphore, #tpu.memory_space<semaphore_mem>>) src(%arg19 : memref<32x128xf32, #tpu.memory_space<vmem>>) dst(%dma_wait3A_125 : memref<10240x128xf32, #tpu.memory_space<vmem_shared>>)
        %dma_wait3A_126 = arith.constant 0 : i32
        %dma_wait3A_127 = arith.constant 0 : i32
        %dma_wait3A_128 = tpu.memref_slice %arg12[%dma_wait3A_126, %dma_wait3A_127] : memref<48x32xi32, #tpu.memory_space<vmem>> -> memref<1x32xi32, #tpu.memory_space<vmem>>
        %dma_wait3A_129 = tpu.memref_squeeze %dma_wait3A_128 : memref<1x32xi32, #tpu.memory_space<vmem>> -> memref<32xi32, #tpu.memory_space<vmem>>
        %dma_wait3A_130 = arith.constant 0 : i32
        %dma_wait3A_131 = arith.constant 0 : i32
        %dma_wait3A_132 = tpu.memref_slice %arg25[%dma_wait3A_130, %dma_wait3A_131] : memref<10240x128xf32, #tpu.memory_space<vmem_shared>> -> memref<10240x128xf32, #tpu.memory_space<vmem_shared>>
        tpu.wait_indirect_dma semaphore(%arg40 : memref<!tpu.dma_semaphore, #tpu.memory_space<semaphore_mem>>) src(%arg20 : memref<32x128xf32, #tpu.memory_space<vmem>>) dst(%dma_wait3A_132 : memref<10240x128xf32, #tpu.memory_space<vmem_shared>>)
        %dma_wait3A_133 = arith.constant 0 : i32
        %dma_wait3A_134 = arith.constant 0 : i32
        %dma_wait3A_135 = tpu.memref_slice %arg12[%dma_wait3A_133, %dma_wait3A_134] : memref<48x32xi32, #tpu.memory_space<vmem>> -> memref<1x32xi32, #tpu.memory_space<vmem>>
        %dma_wait3A_136 = tpu.memref_squeeze %dma_wait3A_135 : memref<1x32xi32, #tpu.memory_space<vmem>> -> memref<32xi32, #tpu.memory_space<vmem>>
        %dma_wait3A_137 = arith.constant 0 : i32
        %dma_wait3A_138 = arith.constant 0 : i32
        %dma_wait3A_139 = tpu.memref_slice %arg25[%dma_wait3A_137, %dma_wait3A_138] : memref<10240x128xf32, #tpu.memory_space<vmem_shared>> -> memref<10240x128xf32, #tpu.memory_space<vmem_shared>>
        tpu.wait_indirect_dma semaphore(%arg41 : memref<!tpu.dma_semaphore, #tpu.memory_space<semaphore_mem>>) src(%arg21 : memref<32x128xf32, #tpu.memory_space<vmem>>) dst(%dma_wait3A_139 : memref<10240x128xf32, #tpu.memory_space<vmem_shared>>)
        %dma_wait3A_140 = arith.constant 0 : i32
        %dma_wait3A_141 = arith.constant 0 : i32
        %dma_wait3A_142 = tpu.memref_slice %arg12[%dma_wait3A_140, %dma_wait3A_141] : memref<48x32xi32, #tpu.memory_space<vmem>> -> memref<1x32xi32, #tpu.memory_space<vmem>>
        %dma_wait3A_143 = tpu.memref_squeeze %dma_wait3A_142 : memref<1x32xi32, #tpu.memory_space<vmem>> -> memref<32xi32, #tpu.memory_space<vmem>>
        %dma_wait3A_144 = arith.constant 0 : i32
        %dma_wait3A_145 = arith.constant 0 : i32
        %dma_wait3A_146 = tpu.memref_slice %arg25[%dma_wait3A_144, %dma_wait3A_145] : memref<10240x128xf32, #tpu.memory_space<vmem_shared>> -> memref<10240x128xf32, #tpu.memory_space<vmem_shared>>
        tpu.wait_indirect_dma semaphore(%arg42 : memref<!tpu.dma_semaphore, #tpu.memory_space<semaphore_mem>>) src(%arg22 : memref<32x128xf32, #tpu.memory_space<vmem>>) dst(%dma_wait3A_146 : memref<10240x128xf32, #tpu.memory_space<vmem_shared>>)
      }
      %scan3A_51 = arith.constant 13 : i32
      "tpu.region"() ({
        %run_scoped3A_53 = tpu.sem_alloc : memref<!tpu.dma_semaphore, #tpu.memory_space<semaphore_mem>>
        %dma_start3A = arith.constant 0 : i32
        %dma_start3A_54 = arith.constant 0 : i32
        %dma_start3A_55 = tpu.memref_slice %arg4[%arg1, %dma_start3A, %dma_start3A_54] : memref<16x1x32xi32, #tpu.memory_space<hbm>> -> memref<1x1x32xi32, #tpu.memory_space<hbm>>
        %dma_start3A_56 = tpu.memref_squeeze %dma_start3A_55 : memref<1x1x32xi32, #tpu.memory_space<hbm>> -> memref<1x32xi32, #tpu.memory_space<hbm>>
        %dma_start3A_57 = arith.constant 0 : i32
        %dma_start3A_58 = arith.constant 0 : i32
        %dma_start3A_59 = tpu.memref_slice %arg4[%arg1, %dma_start3A_57, %dma_start3A_58] : memref<16x1x32xi32, #tpu.memory_space<hbm>> -> memref<1x1x32xi32, #tpu.memory_space<hbm>>
        %dma_start3A_60 = tpu.memref_squeeze %dma_start3A_59 : memref<1x1x32xi32, #tpu.memory_space<hbm>> -> memref<1x32xi32, #tpu.memory_space<hbm>>
        tpu.enqueue_dma source(%dma_start3A_60 : memref<1x32xi32, #tpu.memory_space<hbm>>) target(%arg13 : memref<1x32xi32, #tpu.memory_space<vmem>>) target_semaphore(%run_scoped3A_53 : memref<!tpu.dma_semaphore, #tpu.memory_space<semaphore_mem>>)
        %dma_wait3A = arith.constant 0 : i32
        %dma_wait3A_61 = arith.constant 0 : i32
        %dma_wait3A_62 = tpu.memref_slice %arg4[%arg1, %dma_wait3A, %dma_wait3A_61] : memref<16x1x32xi32, #tpu.memory_space<hbm>> -> memref<1x1x32xi32, #tpu.memory_space<hbm>>
        %dma_wait3A_63 = tpu.memref_squeeze %dma_wait3A_62 : memref<1x1x32xi32, #tpu.memory_space<hbm>> -> memref<1x32xi32, #tpu.memory_space<hbm>>
        %dma_wait3A_64 = arith.constant 0 : i32
        %dma_wait3A_65 = arith.constant 0 : i32
        %dma_wait3A_66 = tpu.memref_slice %arg4[%arg1, %dma_wait3A_64, %dma_wait3A_65] : memref<16x1x32xi32, #tpu.memory_space<hbm>> -> memref<1x1x32xi32, #tpu.memory_space<hbm>>
        %dma_wait3A_67 = tpu.memref_squeeze %dma_wait3A_66 : memref<1x1x32xi32, #tpu.memory_space<hbm>> -> memref<1x32xi32, #tpu.memory_space<hbm>>
        tpu.wait_dma2 semaphore(%run_scoped3A_53 : memref<!tpu.dma_semaphore, #tpu.memory_space<semaphore_mem>>) src(%dma_wait3A_67 : memref<1x32xi32, #tpu.memory_space<hbm>>) dst(%arg13 : memref<1x32xi32, #tpu.memory_space<vmem>>)
        tpu.yield
      }) : () -> ()
      "tpu.region"() ({
        %run_scoped3A_53 = tpu.sem_alloc : memref<!tpu.dma_semaphore, #tpu.memory_space<semaphore_mem>>
        %dma_start3A = arith.constant 0 : i32
        %dma_start3A_54 = arith.constant 0 : i32
        %dma_start3A_55 = tpu.memref_slice %arg5[%arg1, %dma_start3A, %dma_start3A_54] : memref<16x1x32xi32, #tpu.memory_space<hbm>> -> memref<1x1x32xi32, #tpu.memory_space<hbm>>
        %dma_start3A_56 = tpu.memref_squeeze %dma_start3A_55 : memref<1x1x32xi32, #tpu.memory_space<hbm>> -> memref<1x32xi32, #tpu.memory_space<hbm>>
        %dma_start3A_57 = arith.constant 0 : i32
        %dma_start3A_58 = arith.constant 0 : i32
        %dma_start3A_59 = tpu.memref_slice %arg5[%arg1, %dma_start3A_57, %dma_start3A_58] : memref<16x1x32xi32, #tpu.memory_space<hbm>> -> memref<1x1x32xi32, #tpu.memory_space<hbm>>
        %dma_start3A_60 = tpu.memref_squeeze %dma_start3A_59 : memref<1x1x32xi32, #tpu.memory_space<hbm>> -> memref<1x32xi32, #tpu.memory_space<hbm>>
        tpu.enqueue_dma source(%dma_start3A_60 : memref<1x32xi32, #tpu.memory_space<hbm>>) target(%arg14 : memref<1x32xi32, #tpu.memory_space<vmem>>) target_semaphore(%run_scoped3A_53 : memref<!tpu.dma_semaphore, #tpu.memory_space<semaphore_mem>>)
        %dma_wait3A = arith.constant 0 : i32
        %dma_wait3A_61 = arith.constant 0 : i32
        %dma_wait3A_62 = tpu.memref_slice %arg5[%arg1, %dma_wait3A, %dma_wait3A_61] : memref<16x1x32xi32, #tpu.memory_space<hbm>> -> memref<1x1x32xi32, #tpu.memory_space<hbm>>
        %dma_wait3A_63 = tpu.memref_squeeze %dma_wait3A_62 : memref<1x1x32xi32, #tpu.memory_space<hbm>> -> memref<1x32xi32, #tpu.memory_space<hbm>>
        %dma_wait3A_64 = arith.constant 0 : i32
        %dma_wait3A_65 = arith.constant 0 : i32
        %dma_wait3A_66 = tpu.memref_slice %arg5[%arg1, %dma_wait3A_64, %dma_wait3A_65] : memref<16x1x32xi32, #tpu.memory_space<hbm>> -> memref<1x1x32xi32, #tpu.memory_space<hbm>>
        %dma_wait3A_67 = tpu.memref_squeeze %dma_wait3A_66 : memref<1x1x32xi32, #tpu.memory_space<hbm>> -> memref<1x32xi32, #tpu.memory_space<hbm>>
        tpu.wait_dma2 semaphore(%run_scoped3A_53 : memref<!tpu.dma_semaphore, #tpu.memory_space<semaphore_mem>>) src(%dma_wait3A_67 : memref<1x32xi32, #tpu.memory_space<hbm>>) dst(%arg14 : memref<1x32xi32, #tpu.memory_space<vmem>>)
        tpu.yield
      }) : () -> ()
      %run_scoped3A = arith.constant 0 : i32
      "tpu.region"() ({
        %run_scoped3A_53 = tpu.sem_alloc : memref<!tpu.dma_semaphore, #tpu.memory_space<semaphore_mem>>
        %dma_start3A = arith.constant 0 : i32
        %dma_start3A_54 = tpu.memref_slice %arg13[%run_scoped3A, %dma_start3A] : memref<1x32xi32, #tpu.memory_space<vmem>> -> memref<1x32xi32, #tpu.memory_space<vmem>>
        %dma_start3A_55 = tpu.memref_squeeze %dma_start3A_54 : memref<1x32xi32, #tpu.memory_space<vmem>> -> memref<32xi32, #tpu.memory_space<vmem>>
        %dma_start3A_56 = arith.constant 0 : i32
        %dma_start3A_57 = arith.constant 0 : i32
        %dma_start3A_58 = tpu.memref_slice %arg6[%dma_start3A_56, %dma_start3A_57] : memref<10000x128xf32, #tpu.memory_space<hbm>> -> memref<10000x128xf32, #tpu.memory_space<hbm>>
        tpu.enqueue_indirect_dma source(%dma_start3A_58 : memref<10000x128xf32, #tpu.memory_space<hbm>>) target(%arg15 : memref<32x128xf32, #tpu.memory_space<vmem>>) offsets(%dma_start3A_55 : memref<32xi32, #tpu.memory_space<vmem>>) semaphore(%run_scoped3A_53 : memref<!tpu.dma_semaphore, #tpu.memory_space<semaphore_mem>>)
        %dma_wait3A = arith.constant 0 : i32
        %dma_wait3A_59 = tpu.memref_slice %arg13[%run_scoped3A, %dma_wait3A] : memref<1x32xi32, #tpu.memory_space<vmem>> -> memref<1x32xi32, #tpu.memory_space<vmem>>
        %dma_wait3A_60 = tpu.memref_squeeze %dma_wait3A_59 : memref<1x32xi32, #tpu.memory_space<vmem>> -> memref<32xi32, #tpu.memory_space<vmem>>
        %dma_wait3A_61 = arith.constant 0 : i32
        %dma_wait3A_62 = arith.constant 0 : i32
        %dma_wait3A_63 = tpu.memref_slice %arg6[%dma_wait3A_61, %dma_wait3A_62] : memref<10000x128xf32, #tpu.memory_space<hbm>> -> memref<10000x128xf32, #tpu.memory_space<hbm>>
        tpu.wait_indirect_dma semaphore(%run_scoped3A_53 : memref<!tpu.dma_semaphore, #tpu.memory_space<semaphore_mem>>) src(%dma_wait3A_63 : memref<10000x128xf32, #tpu.memory_space<hbm>>) dst(%arg15 : memref<32x128xf32, #tpu.memory_space<vmem>>)
        tpu.yield
      }) : () -> ()
      %run_scoped3A_52 = arith.constant 0 : i32
      "tpu.region"() ({
        %run_scoped3A_53 = tpu.sem_alloc : memref<!tpu.dma_semaphore, #tpu.memory_space<semaphore_mem>>
        %dma_start3A = arith.constant 0 : i32
        %dma_start3A_54 = tpu.memref_slice %arg14[%run_scoped3A_52, %dma_start3A] : memref<1x32xi32, #tpu.memory_space<vmem>> -> memref<1x32xi32, #tpu.memory_space<vmem>>
        %dma_start3A_55 = tpu.memref_squeeze %dma_start3A_54 : memref<1x32xi32, #tpu.memory_space<vmem>> -> memref<32xi32, #tpu.memory_space<vmem>>
        %dma_start3A_56 = arith.constant 0 : i32
        %dma_start3A_57 = arith.constant 0 : i32
        %dma_start3A_58 = tpu.memref_slice %arg25[%dma_start3A_56, %dma_start3A_57] : memref<10240x128xf32, #tpu.memory_space<vmem_shared>> -> memref<10240x128xf32, #tpu.memory_space<vmem_shared>>
        tpu.enqueue_indirect_dma source(%arg15 : memref<32x128xf32, #tpu.memory_space<vmem>>) target(%dma_start3A_58 : memref<10240x128xf32, #tpu.memory_space<vmem_shared>>) offsets(%dma_start3A_55 : memref<32xi32, #tpu.memory_space<vmem>>) semaphore(%run_scoped3A_53 : memref<!tpu.dma_semaphore, #tpu.memory_space<semaphore_mem>>) {add = true}
        %dma_wait3A = arith.constant 0 : i32
        %dma_wait3A_59 = tpu.memref_slice %arg14[%run_scoped3A_52, %dma_wait3A] : memref<1x32xi32, #tpu.memory_space<vmem>> -> memref<1x32xi32, #tpu.memory_space<vmem>>
        %dma_wait3A_60 = tpu.memref_squeeze %dma_wait3A_59 : memref<1x32xi32, #tpu.memory_space<vmem>> -> memref<32xi32, #tpu.memory_space<vmem>>
        %dma_wait3A_61 = arith.constant 0 : i32
        %dma_wait3A_62 = arith.constant 0 : i32
        %dma_wait3A_63 = tpu.memref_slice %arg25[%dma_wait3A_61, %dma_wait3A_62] : memref<10240x128xf32, #tpu.memory_space<vmem_shared>> -> memref<10240x128xf32, #tpu.memory_space<vmem_shared>>
        tpu.wait_indirect_dma semaphore(%run_scoped3A_53 : memref<!tpu.dma_semaphore, #tpu.memory_space<semaphore_mem>>) src(%arg15 : memref<32x128xf32, #tpu.memory_space<vmem>>) dst(%dma_wait3A_63 : memref<10240x128xf32, #tpu.memory_space<vmem_shared>>)
        tpu.yield
      }) : () -> ()
    } else {
    }
    %eq3A_30 = arith.constant 1 : i32
    %eq3A_31 = arith.cmpi eq, %arg0, %eq3A_30 : i32
    %convert_element_type3A_32 = arith.extui %eq3A_31 : i1 to i32
    %cond3A_33 = arith.constant 0 : i32
    %cond3A_34 = arith.cmpi ne, %convert_element_type3A_32, %cond3A_33 : i32
    scf.if %cond3A_34 {
      %scan3A_46 = arith.constant 0 : i32
      %scan3A_47 = arith.constant 0 : i32
      %scan3A_48 = arith.constant 13 : i32
      %scan3A_49 = arith.addi %scan3A_47, %scan3A_48 : i32
      %scan3A_50 = arith.constant 1 : i32
      scf.for %scan3A_56 = %scan3A_47 to %scan3A_49 step %scan3A_50  : i32 {
        %mul3A_57 = arith.constant 13 : i32
        %mul3A_58 = arith.muli %arg1, %mul3A_57 : i32
        %add3A_59 = arith.addi %mul3A_58, %scan3A_56 : i32
        "tpu.region"() ({
          %run_scoped3A_157 = tpu.sem_alloc : memref<!tpu.dma_semaphore, #tpu.memory_space<semaphore_mem>>
          %dma_start3A_158 = arith.constant 0 : i32
          %dma_start3A_159 = arith.constant 0 : i32
          %dma_start3A_160 = tpu.memref_slice %arg3[%add3A_59, %dma_start3A_158, %dma_start3A_159] : memref<208x48x32xi32, #tpu.memory_space<hbm>> -> memref<1x48x32xi32, #tpu.memory_space<hbm>>
          %dma_start3A_161 = tpu.memref_squeeze %dma_start3A_160 : memref<1x48x32xi32, #tpu.memory_space<hbm>> -> memref<48x32xi32, #tpu.memory_space<hbm>>
          %dma_start3A_162 = arith.constant 0 : i32
          %dma_start3A_163 = arith.constant 0 : i32
          %dma_start3A_164 = tpu.memref_slice %arg3[%add3A_59, %dma_start3A_162, %dma_start3A_163] : memref<208x48x32xi32, #tpu.memory_space<hbm>> -> memref<1x48x32xi32, #tpu.memory_space<hbm>>
          %dma_start3A_165 = tpu.memref_squeeze %dma_start3A_164 : memref<1x48x32xi32, #tpu.memory_space<hbm>> -> memref<48x32xi32, #tpu.memory_space<hbm>>
          tpu.enqueue_dma source(%dma_start3A_165 : memref<48x32xi32, #tpu.memory_space<hbm>>) target(%arg12 : memref<48x32xi32, #tpu.memory_space<vmem>>) target_semaphore(%run_scoped3A_157 : memref<!tpu.dma_semaphore, #tpu.memory_space<semaphore_mem>>)
          %dma_wait3A_166 = arith.constant 0 : i32
          %dma_wait3A_167 = arith.constant 0 : i32
          %dma_wait3A_168 = tpu.memref_slice %arg3[%add3A_59, %dma_wait3A_166, %dma_wait3A_167] : memref<208x48x32xi32, #tpu.memory_space<hbm>> -> memref<1x48x32xi32, #tpu.memory_space<hbm>>
          %dma_wait3A_169 = tpu.memref_squeeze %dma_wait3A_168 : memref<1x48x32xi32, #tpu.memory_space<hbm>> -> memref<48x32xi32, #tpu.memory_space<hbm>>
          %dma_wait3A_170 = arith.constant 0 : i32
          %dma_wait3A_171 = arith.constant 0 : i32
          %dma_wait3A_172 = tpu.memref_slice %arg3[%add3A_59, %dma_wait3A_170, %dma_wait3A_171] : memref<208x48x32xi32, #tpu.memory_space<hbm>> -> memref<1x48x32xi32, #tpu.memory_space<hbm>>
          %dma_wait3A_173 = tpu.memref_squeeze %dma_wait3A_172 : memref<1x48x32xi32, #tpu.memory_space<hbm>> -> memref<48x32xi32, #tpu.memory_space<hbm>>
          tpu.wait_dma2 semaphore(%run_scoped3A_157 : memref<!tpu.dma_semaphore, #tpu.memory_space<semaphore_mem>>) src(%dma_wait3A_173 : memref<48x32xi32, #tpu.memory_space<hbm>>) dst(%arg12 : memref<48x32xi32, #tpu.memory_space<vmem>>)
          tpu.yield
        }) : () -> ()
        %mul3A_60 = arith.constant 20000 : i32
        %mul3A_61 = arith.muli %arg1, %mul3A_60 : i32
        %mul3A_62 = arith.constant 48 : i32
        %mul3A_63 = arith.muli %scan3A_56, %mul3A_62 : i32
        %mul3A_64 = arith.constant 32 : i32
        %mul3A_65 = arith.muli %mul3A_63, %mul3A_64 : i32
        %add3A_66 = arith.addi %mul3A_61, %mul3A_65 : i32
        %add3A_67 = arith.constant 0 : i32
        %add3A_68 = arith.addi %add3A_66, %add3A_67 : i32
        %dma_start3A = arith.constant 0 : i32
        %dma_start3A_69 = tpu.memref_slice %arg7[%add3A_68, %dma_start3A] : memref<320000x128xf32, #tpu.memory_space<hbm>> -> memref<32x128xf32, #tpu.memory_space<hbm>>
        %dma_start3A_70 = arith.constant 0 : i32
        %dma_start3A_71 = tpu.memref_slice %arg7[%add3A_68, %dma_start3A_70] : memref<320000x128xf32, #tpu.memory_space<hbm>> -> memref<32x128xf32, #tpu.memory_space<hbm>>
        tpu.enqueue_dma source(%dma_start3A_71 : memref<32x128xf32, #tpu.memory_space<hbm>>) target(%arg15 : memref<32x128xf32, #tpu.memory_space<vmem>>) target_semaphore(%arg27 : memref<!tpu.dma_semaphore, #tpu.memory_space<semaphore_mem>>)
        %add3A_72 = arith.constant 32 : i32
        %add3A_73 = arith.addi %add3A_66, %add3A_72 : i32
        %dma_start3A_74 = arith.constant 0 : i32
        %dma_start3A_75 = tpu.memref_slice %arg7[%add3A_73, %dma_start3A_74] : memref<320000x128xf32, #tpu.memory_space<hbm>> -> memref<32x128xf32, #tpu.memory_space<hbm>>
        %dma_start3A_76 = arith.constant 0 : i32
        %dma_start3A_77 = tpu.memref_slice %arg7[%add3A_73, %dma_start3A_76] : memref<320000x128xf32, #tpu.memory_space<hbm>> -> memref<32x128xf32, #tpu.memory_space<hbm>>
        tpu.enqueue_dma source(%dma_start3A_77 : memref<32x128xf32, #tpu.memory_space<hbm>>) target(%arg16 : memref<32x128xf32, #tpu.memory_space<vmem>>) target_semaphore(%arg28 : memref<!tpu.dma_semaphore, #tpu.memory_space<semaphore_mem>>)
        %add3A_78 = arith.constant 64 : i32
        %add3A_79 = arith.addi %add3A_66, %add3A_78 : i32
        %dma_start3A_80 = arith.constant 0 : i32
        %dma_start3A_81 = tpu.memref_slice %arg7[%add3A_79, %dma_start3A_80] : memref<320000x128xf32, #tpu.memory_space<hbm>> -> memref<32x128xf32, #tpu.memory_space<hbm>>
        %dma_start3A_82 = arith.constant 0 : i32
        %dma_start3A_83 = tpu.memref_slice %arg7[%add3A_79, %dma_start3A_82] : memref<320000x128xf32, #tpu.memory_space<hbm>> -> memref<32x128xf32, #tpu.memory_space<hbm>>
        tpu.enqueue_dma source(%dma_start3A_83 : memref<32x128xf32, #tpu.memory_space<hbm>>) target(%arg17 : memref<32x128xf32, #tpu.memory_space<vmem>>) target_semaphore(%arg29 : memref<!tpu.dma_semaphore, #tpu.memory_space<semaphore_mem>>)
        %add3A_84 = arith.constant 96 : i32
        %add3A_85 = arith.addi %add3A_66, %add3A_84 : i32
        %dma_start3A_86 = arith.constant 0 : i32
        %dma_start3A_87 = tpu.memref_slice %arg7[%add3A_85, %dma_start3A_86] : memref<320000x128xf32, #tpu.memory_space<hbm>> -> memref<32x128xf32, #tpu.memory_space<hbm>>
        %dma_start3A_88 = arith.constant 0 : i32
        %dma_start3A_89 = tpu.memref_slice %arg7[%add3A_85, %dma_start3A_88] : memref<320000x128xf32, #tpu.memory_space<hbm>> -> memref<32x128xf32, #tpu.memory_space<hbm>>
        tpu.enqueue_dma source(%dma_start3A_89 : memref<32x128xf32, #tpu.memory_space<hbm>>) target(%arg18 : memref<32x128xf32, #tpu.memory_space<vmem>>) target_semaphore(%arg30 : memref<!tpu.dma_semaphore, #tpu.memory_space<semaphore_mem>>)
        %scan3A_90 = arith.constant 0 : i32
        %scan3A_91 = arith.constant 0 : i32
        %scan3A_92 = arith.constant 6 : i32
        %scan3A_93 = arith.addi %scan3A_91, %scan3A_92 : i32
        %scan3A_94 = arith.constant 1 : i32
        scf.for %scan3A_157 = %scan3A_91 to %scan3A_93 step %scan3A_94  : i32 {
          %mul3A_158 = arith.constant 8 : i32
          %mul3A_159 = arith.muli %scan3A_157, %mul3A_158 : i32
          %add3A_160 = arith.constant 0 : i32
          %add3A_161 = arith.addi %mul3A_159, %add3A_160 : i32
          %mul3A_162 = arith.constant 32 : i32
          %mul3A_163 = arith.muli %add3A_161, %mul3A_162 : i32
          %add3A_164 = arith.addi %add3A_66, %mul3A_163 : i32
          %dma_wait3A_165 = arith.constant 0 : i32
          %dma_wait3A_166 = tpu.memref_slice %arg7[%add3A_164, %dma_wait3A_165] : memref<320000x128xf32, #tpu.memory_space<hbm>> -> memref<32x128xf32, #tpu.memory_space<hbm>>
          %dma_wait3A_167 = arith.constant 0 : i32
          %dma_wait3A_168 = tpu.memref_slice %arg7[%add3A_164, %dma_wait3A_167] : memref<320000x128xf32, #tpu.memory_space<hbm>> -> memref<32x128xf32, #tpu.memory_space<hbm>>
          tpu.wait_dma2 semaphore(%arg27 : memref<!tpu.dma_semaphore, #tpu.memory_space<semaphore_mem>>) src(%dma_wait3A_168 : memref<32x128xf32, #tpu.memory_space<hbm>>) dst(%arg15 : memref<32x128xf32, #tpu.memory_space<vmem>>)
          %dma_start3A_169 = arith.constant 0 : i32
          %dma_start3A_170 = tpu.memref_slice %arg12[%add3A_161, %dma_start3A_169] : memref<48x32xi32, #tpu.memory_space<vmem>> -> memref<1x32xi32, #tpu.memory_space<vmem>>
          %dma_start3A_171 = tpu.memref_squeeze %dma_start3A_170 : memref<1x32xi32, #tpu.memory_space<vmem>> -> memref<32xi32, #tpu.memory_space<vmem>>
          %dma_start3A_172 = arith.constant 0 : i32
          %dma_start3A_173 = arith.constant 0 : i32
          %dma_start3A_174 = tpu.memref_slice %arg25[%dma_start3A_172, %dma_start3A_173] : memref<10240x128xf32, #tpu.memory_space<vmem_shared>> -> memref<10240x128xf32, #tpu.memory_space<vmem_shared>>
          tpu.enqueue_indirect_dma source(%arg15 : memref<32x128xf32, #tpu.memory_space<vmem>>) target(%dma_start3A_174 : memref<10240x128xf32, #tpu.memory_space<vmem_shared>>) offsets(%dma_start3A_171 : memref<32xi32, #tpu.memory_space<vmem>>) semaphore(%arg35 : memref<!tpu.dma_semaphore, #tpu.memory_space<semaphore_mem>>) {add = true}
          %dma_start3A_175 = arith.constant 0 : i32
          %dma_start3A_176 = tpu.memref_slice %arg12[%add3A_161, %dma_start3A_175] : memref<48x32xi32, #tpu.memory_space<vmem>> -> memref<1x32xi32, #tpu.memory_space<vmem>>
          %dma_start3A_177 = tpu.memref_squeeze %dma_start3A_176 : memref<1x32xi32, #tpu.memory_space<vmem>> -> memref<32xi32, #tpu.memory_space<vmem>>
          %dma_start3A_178 = arith.constant 0 : i32
          %dma_start3A_179 = tpu.memref_slice %arg26[%dma_start3A_178] : memref<10240xf32, #tpu.memory_space<vmem_shared>> -> memref<10240xf32, #tpu.memory_space<vmem_shared>>
          tpu.enqueue_indirect_dma source(%arg23 : memref<32xf32, #tpu.memory_space<vmem>>) target(%dma_start3A_179 : memref<10240xf32, #tpu.memory_space<vmem_shared>>) offsets(%dma_start3A_177 : memref<32xi32, #tpu.memory_space<vmem>>) semaphore(%arg43 : memref<!tpu.dma_semaphore, #tpu.memory_space<semaphore_mem>>) {add = true}
          %add3A_180 = arith.constant 4 : i32
          %add3A_181 = arith.addi %add3A_161, %add3A_180 : i32
          %lt3A = arith.constant 48 : i32
          %lt3A_182 = arith.cmpi slt, %add3A_181, %lt3A : i32
          %convert_element_type3A_183 = arith.extui %lt3A_182 : i1 to i32
          %cond3A_184 = arith.constant 0 : i32
          %cond3A_185 = arith.cmpi ne, %convert_element_type3A_183, %cond3A_184 : i32
          scf.if %cond3A_185 {
            %ge3A = arith.constant 4 : i32
            %ge3A_389 = arith.cmpi sge, %add3A_161, %ge3A : i32
            %convert_element_type3A_390 = arith.extui %ge3A_389 : i1 to i32
            %cond3A_391 = arith.constant 0 : i32
            %cond3A_392 = arith.cmpi ne, %convert_element_type3A_390, %cond3A_391 : i32
            scf.if %cond3A_392 {
              %dma_wait3A_402 = arith.constant 0 : i32
              %dma_wait3A_403 = arith.constant 0 : i32
              %dma_wait3A_404 = tpu.memref_slice %arg12[%dma_wait3A_402, %dma_wait3A_403] : memref<48x32xi32, #tpu.memory_space<vmem>> -> memref<1x32xi32, #tpu.memory_space<vmem>>
              %dma_wait3A_405 = tpu.memref_squeeze %dma_wait3A_404 : memref<1x32xi32, #tpu.memory_space<vmem>> -> memref<32xi32, #tpu.memory_space<vmem>>
              %dma_wait3A_406 = arith.constant 0 : i32
              %dma_wait3A_407 = arith.constant 0 : i32
              %dma_wait3A_408 = tpu.memref_slice %arg25[%dma_wait3A_406, %dma_wait3A_407] : memref<10240x128xf32, #tpu.memory_space<vmem_shared>> -> memref<10240x128xf32, #tpu.memory_space<vmem_shared>>
              tpu.wait_indirect_dma semaphore(%arg39 : memref<!tpu.dma_semaphore, #tpu.memory_space<semaphore_mem>>) src(%arg19 : memref<32x128xf32, #tpu.memory_space<vmem>>) dst(%dma_wait3A_408 : memref<10240x128xf32, #tpu.memory_space<vmem_shared>>)
            } else {
            }
            %add3A_393 = arith.constant 4 : i32
            %add3A_394 = arith.addi %add3A_161, %add3A_393 : i32
            %mul3A_395 = arith.constant 32 : i32
            %mul3A_396 = arith.muli %add3A_394, %mul3A_395 : i32
            %add3A_397 = arith.addi %add3A_66, %mul3A_396 : i32
            %dma_start3A_398 = arith.constant 0 : i32
            %dma_start3A_399 = tpu.memref_slice %arg7[%add3A_397, %dma_start3A_398] : memref<320000x128xf32, #tpu.memory_space<hbm>> -> memref<32x128xf32, #tpu.memory_space<hbm>>
            %dma_start3A_400 = arith.constant 0 : i32
            %dma_start3A_401 = tpu.memref_slice %arg7[%add3A_397, %dma_start3A_400] : memref<320000x128xf32, #tpu.memory_space<hbm>> -> memref<32x128xf32, #tpu.memory_space<hbm>>
            tpu.enqueue_dma source(%dma_start3A_401 : memref<32x128xf32, #tpu.memory_space<hbm>>) target(%arg19 : memref<32x128xf32, #tpu.memory_space<vmem>>) target_semaphore(%arg31 : memref<!tpu.dma_semaphore, #tpu.memory_space<semaphore_mem>>)
          } else {
          }
          %mul3A_186 = arith.constant 8 : i32
          %mul3A_187 = arith.muli %scan3A_157, %mul3A_186 : i32
          %add3A_188 = arith.constant 1 : i32
          %add3A_189 = arith.addi %mul3A_187, %add3A_188 : i32
          %mul3A_190 = arith.constant 32 : i32
          %mul3A_191 = arith.muli %add3A_189, %mul3A_190 : i32
          %add3A_192 = arith.addi %add3A_66, %mul3A_191 : i32
          %dma_wait3A_193 = arith.constant 0 : i32
          %dma_wait3A_194 = tpu.memref_slice %arg7[%add3A_192, %dma_wait3A_193] : memref<320000x128xf32, #tpu.memory_space<hbm>> -> memref<32x128xf32, #tpu.memory_space<hbm>>
          %dma_wait3A_195 = arith.constant 0 : i32
          %dma_wait3A_196 = tpu.memref_slice %arg7[%add3A_192, %dma_wait3A_195] : memref<320000x128xf32, #tpu.memory_space<hbm>> -> memref<32x128xf32, #tpu.memory_space<hbm>>
          tpu.wait_dma2 semaphore(%arg28 : memref<!tpu.dma_semaphore, #tpu.memory_space<semaphore_mem>>) src(%dma_wait3A_196 : memref<32x128xf32, #tpu.memory_space<hbm>>) dst(%arg16 : memref<32x128xf32, #tpu.memory_space<vmem>>)
          %dma_start3A_197 = arith.constant 0 : i32
          %dma_start3A_198 = tpu.memref_slice %arg12[%add3A_189, %dma_start3A_197] : memref<48x32xi32, #tpu.memory_space<vmem>> -> memref<1x32xi32, #tpu.memory_space<vmem>>
          %dma_start3A_199 = tpu.memref_squeeze %dma_start3A_198 : memref<1x32xi32, #tpu.memory_space<vmem>> -> memref<32xi32, #tpu.memory_space<vmem>>
          %dma_start3A_200 = arith.constant 0 : i32
          %dma_start3A_201 = arith.constant 0 : i32
          %dma_start3A_202 = tpu.memref_slice %arg25[%dma_start3A_200, %dma_start3A_201] : memref<10240x128xf32, #tpu.memory_space<vmem_shared>> -> memref<10240x128xf32, #tpu.memory_space<vmem_shared>>
          tpu.enqueue_indirect_dma source(%arg16 : memref<32x128xf32, #tpu.memory_space<vmem>>) target(%dma_start3A_202 : memref<10240x128xf32, #tpu.memory_space<vmem_shared>>) offsets(%dma_start3A_199 : memref<32xi32, #tpu.memory_space<vmem>>) semaphore(%arg36 : memref<!tpu.dma_semaphore, #tpu.memory_space<semaphore_mem>>) {add = true}
          %dma_start3A_203 = arith.constant 0 : i32
          %dma_start3A_204 = tpu.memref_slice %arg12[%add3A_189, %dma_start3A_203] : memref<48x32xi32, #tpu.memory_space<vmem>> -> memref<1x32xi32, #tpu.memory_space<vmem>>
          %dma_start3A_205 = tpu.memref_squeeze %dma_start3A_204 : memref<1x32xi32, #tpu.memory_space<vmem>> -> memref<32xi32, #tpu.memory_space<vmem>>
          %dma_start3A_206 = arith.constant 0 : i32
          %dma_start3A_207 = tpu.memref_slice %arg26[%dma_start3A_206] : memref<10240xf32, #tpu.memory_space<vmem_shared>> -> memref<10240xf32, #tpu.memory_space<vmem_shared>>
          tpu.enqueue_indirect_dma source(%arg23 : memref<32xf32, #tpu.memory_space<vmem>>) target(%dma_start3A_207 : memref<10240xf32, #tpu.memory_space<vmem_shared>>) offsets(%dma_start3A_205 : memref<32xi32, #tpu.memory_space<vmem>>) semaphore(%arg43 : memref<!tpu.dma_semaphore, #tpu.memory_space<semaphore_mem>>) {add = true}
          %add3A_208 = arith.constant 4 : i32
          %add3A_209 = arith.addi %add3A_189, %add3A_208 : i32
          %lt3A_210 = arith.constant 48 : i32
          %lt3A_211 = arith.cmpi slt, %add3A_209, %lt3A_210 : i32
          %convert_element_type3A_212 = arith.extui %lt3A_211 : i1 to i32
          %cond3A_213 = arith.constant 0 : i32
          %cond3A_214 = arith.cmpi ne, %convert_element_type3A_212, %cond3A_213 : i32
          scf.if %cond3A_214 {
            %ge3A = arith.constant 4 : i32
            %ge3A_389 = arith.cmpi sge, %add3A_189, %ge3A : i32
            %convert_element_type3A_390 = arith.extui %ge3A_389 : i1 to i32
            %cond3A_391 = arith.constant 0 : i32
            %cond3A_392 = arith.cmpi ne, %convert_element_type3A_390, %cond3A_391 : i32
            scf.if %cond3A_392 {
              %dma_wait3A_402 = arith.constant 0 : i32
              %dma_wait3A_403 = arith.constant 0 : i32
              %dma_wait3A_404 = tpu.memref_slice %arg12[%dma_wait3A_402, %dma_wait3A_403] : memref<48x32xi32, #tpu.memory_space<vmem>> -> memref<1x32xi32, #tpu.memory_space<vmem>>
              %dma_wait3A_405 = tpu.memref_squeeze %dma_wait3A_404 : memref<1x32xi32, #tpu.memory_space<vmem>> -> memref<32xi32, #tpu.memory_space<vmem>>
              %dma_wait3A_406 = arith.constant 0 : i32
              %dma_wait3A_407 = arith.constant 0 : i32
              %dma_wait3A_408 = tpu.memref_slice %arg25[%dma_wait3A_406, %dma_wait3A_407] : memref<10240x128xf32, #tpu.memory_space<vmem_shared>> -> memref<10240x128xf32, #tpu.memory_space<vmem_shared>>
              tpu.wait_indirect_dma semaphore(%arg40 : memref<!tpu.dma_semaphore, #tpu.memory_space<semaphore_mem>>) src(%arg20 : memref<32x128xf32, #tpu.memory_space<vmem>>) dst(%dma_wait3A_408 : memref<10240x128xf32, #tpu.memory_space<vmem_shared>>)
            } else {
            }
            %add3A_393 = arith.constant 4 : i32
            %add3A_394 = arith.addi %add3A_189, %add3A_393 : i32
            %mul3A_395 = arith.constant 32 : i32
            %mul3A_396 = arith.muli %add3A_394, %mul3A_395 : i32
            %add3A_397 = arith.addi %add3A_66, %mul3A_396 : i32
            %dma_start3A_398 = arith.constant 0 : i32
            %dma_start3A_399 = tpu.memref_slice %arg7[%add3A_397, %dma_start3A_398] : memref<320000x128xf32, #tpu.memory_space<hbm>> -> memref<32x128xf32, #tpu.memory_space<hbm>>
            %dma_start3A_400 = arith.constant 0 : i32
            %dma_start3A_401 = tpu.memref_slice %arg7[%add3A_397, %dma_start3A_400] : memref<320000x128xf32, #tpu.memory_space<hbm>> -> memref<32x128xf32, #tpu.memory_space<hbm>>
            tpu.enqueue_dma source(%dma_start3A_401 : memref<32x128xf32, #tpu.memory_space<hbm>>) target(%arg20 : memref<32x128xf32, #tpu.memory_space<vmem>>) target_semaphore(%arg32 : memref<!tpu.dma_semaphore, #tpu.memory_space<semaphore_mem>>)
          } else {
          }
          %mul3A_215 = arith.constant 8 : i32
          %mul3A_216 = arith.muli %scan3A_157, %mul3A_215 : i32
          %add3A_217 = arith.constant 2 : i32
          %add3A_218 = arith.addi %mul3A_216, %add3A_217 : i32
          %mul3A_219 = arith.constant 32 : i32
          %mul3A_220 = arith.muli %add3A_218, %mul3A_219 : i32
          %add3A_221 = arith.addi %add3A_66, %mul3A_220 : i32
          %dma_wait3A_222 = arith.constant 0 : i32
          %dma_wait3A_223 = tpu.memref_slice %arg7[%add3A_221, %dma_wait3A_222] : memref<320000x128xf32, #tpu.memory_space<hbm>> -> memref<32x128xf32, #tpu.memory_space<hbm>>
          %dma_wait3A_224 = arith.constant 0 : i32
          %dma_wait3A_225 = tpu.memref_slice %arg7[%add3A_221, %dma_wait3A_224] : memref<320000x128xf32, #tpu.memory_space<hbm>> -> memref<32x128xf32, #tpu.memory_space<hbm>>
          tpu.wait_dma2 semaphore(%arg29 : memref<!tpu.dma_semaphore, #tpu.memory_space<semaphore_mem>>) src(%dma_wait3A_225 : memref<32x128xf32, #tpu.memory_space<hbm>>) dst(%arg17 : memref<32x128xf32, #tpu.memory_space<vmem>>)
          %dma_start3A_226 = arith.constant 0 : i32
          %dma_start3A_227 = tpu.memref_slice %arg12[%add3A_218, %dma_start3A_226] : memref<48x32xi32, #tpu.memory_space<vmem>> -> memref<1x32xi32, #tpu.memory_space<vmem>>
          %dma_start3A_228 = tpu.memref_squeeze %dma_start3A_227 : memref<1x32xi32, #tpu.memory_space<vmem>> -> memref<32xi32, #tpu.memory_space<vmem>>
          %dma_start3A_229 = arith.constant 0 : i32
          %dma_start3A_230 = arith.constant 0 : i32
          %dma_start3A_231 = tpu.memref_slice %arg25[%dma_start3A_229, %dma_start3A_230] : memref<10240x128xf32, #tpu.memory_space<vmem_shared>> -> memref<10240x128xf32, #tpu.memory_space<vmem_shared>>
          tpu.enqueue_indirect_dma source(%arg17 : memref<32x128xf32, #tpu.memory_space<vmem>>) target(%dma_start3A_231 : memref<10240x128xf32, #tpu.memory_space<vmem_shared>>) offsets(%dma_start3A_228 : memref<32xi32, #tpu.memory_space<vmem>>) semaphore(%arg37 : memref<!tpu.dma_semaphore, #tpu.memory_space<semaphore_mem>>) {add = true}
          %dma_start3A_232 = arith.constant 0 : i32
          %dma_start3A_233 = tpu.memref_slice %arg12[%add3A_218, %dma_start3A_232] : memref<48x32xi32, #tpu.memory_space<vmem>> -> memref<1x32xi32, #tpu.memory_space<vmem>>
          %dma_start3A_234 = tpu.memref_squeeze %dma_start3A_233 : memref<1x32xi32, #tpu.memory_space<vmem>> -> memref<32xi32, #tpu.memory_space<vmem>>
          %dma_start3A_235 = arith.constant 0 : i32
          %dma_start3A_236 = tpu.memref_slice %arg26[%dma_start3A_235] : memref<10240xf32, #tpu.memory_space<vmem_shared>> -> memref<10240xf32, #tpu.memory_space<vmem_shared>>
          tpu.enqueue_indirect_dma source(%arg23 : memref<32xf32, #tpu.memory_space<vmem>>) target(%dma_start3A_236 : memref<10240xf32, #tpu.memory_space<vmem_shared>>) offsets(%dma_start3A_234 : memref<32xi32, #tpu.memory_space<vmem>>) semaphore(%arg43 : memref<!tpu.dma_semaphore, #tpu.memory_space<semaphore_mem>>) {add = true}
          %add3A_237 = arith.constant 4 : i32
          %add3A_238 = arith.addi %add3A_218, %add3A_237 : i32
          %lt3A_239 = arith.constant 48 : i32
          %lt3A_240 = arith.cmpi slt, %add3A_238, %lt3A_239 : i32
          %convert_element_type3A_241 = arith.extui %lt3A_240 : i1 to i32
          %cond3A_242 = arith.constant 0 : i32
          %cond3A_243 = arith.cmpi ne, %convert_element_type3A_241, %cond3A_242 : i32
          scf.if %cond3A_243 {
            %ge3A = arith.constant 4 : i32
            %ge3A_389 = arith.cmpi sge, %add3A_218, %ge3A : i32
            %convert_element_type3A_390 = arith.extui %ge3A_389 : i1 to i32
            %cond3A_391 = arith.constant 0 : i32
            %cond3A_392 = arith.cmpi ne, %convert_element_type3A_390, %cond3A_391 : i32
            scf.if %cond3A_392 {
              %dma_wait3A_402 = arith.constant 0 : i32
              %dma_wait3A_403 = arith.constant 0 : i32
              %dma_wait3A_404 = tpu.memref_slice %arg12[%dma_wait3A_402, %dma_wait3A_403] : memref<48x32xi32, #tpu.memory_space<vmem>> -> memref<1x32xi32, #tpu.memory_space<vmem>>
              %dma_wait3A_405 = tpu.memref_squeeze %dma_wait3A_404 : memref<1x32xi32, #tpu.memory_space<vmem>> -> memref<32xi32, #tpu.memory_space<vmem>>
              %dma_wait3A_406 = arith.constant 0 : i32
              %dma_wait3A_407 = arith.constant 0 : i32
              %dma_wait3A_408 = tpu.memref_slice %arg25[%dma_wait3A_406, %dma_wait3A_407] : memref<10240x128xf32, #tpu.memory_space<vmem_shared>> -> memref<10240x128xf32, #tpu.memory_space<vmem_shared>>
              tpu.wait_indirect_dma semaphore(%arg41 : memref<!tpu.dma_semaphore, #tpu.memory_space<semaphore_mem>>) src(%arg21 : memref<32x128xf32, #tpu.memory_space<vmem>>) dst(%dma_wait3A_408 : memref<10240x128xf32, #tpu.memory_space<vmem_shared>>)
            } else {
            }
            %add3A_393 = arith.constant 4 : i32
            %add3A_394 = arith.addi %add3A_218, %add3A_393 : i32
            %mul3A_395 = arith.constant 32 : i32
            %mul3A_396 = arith.muli %add3A_394, %mul3A_395 : i32
            %add3A_397 = arith.addi %add3A_66, %mul3A_396 : i32
            %dma_start3A_398 = arith.constant 0 : i32
            %dma_start3A_399 = tpu.memref_slice %arg7[%add3A_397, %dma_start3A_398] : memref<320000x128xf32, #tpu.memory_space<hbm>> -> memref<32x128xf32, #tpu.memory_space<hbm>>
            %dma_start3A_400 = arith.constant 0 : i32
            %dma_start3A_401 = tpu.memref_slice %arg7[%add3A_397, %dma_start3A_400] : memref<320000x128xf32, #tpu.memory_space<hbm>> -> memref<32x128xf32, #tpu.memory_space<hbm>>
            tpu.enqueue_dma source(%dma_start3A_401 : memref<32x128xf32, #tpu.memory_space<hbm>>) target(%arg21 : memref<32x128xf32, #tpu.memory_space<vmem>>) target_semaphore(%arg33 : memref<!tpu.dma_semaphore, #tpu.memory_space<semaphore_mem>>)
          } else {
          }
          %mul3A_244 = arith.constant 8 : i32
          %mul3A_245 = arith.muli %scan3A_157, %mul3A_244 : i32
          %add3A_246 = arith.constant 3 : i32
          %add3A_247 = arith.addi %mul3A_245, %add3A_246 : i32
          %mul3A_248 = arith.constant 32 : i32
          %mul3A_249 = arith.muli %add3A_247, %mul3A_248 : i32
          %add3A_250 = arith.addi %add3A_66, %mul3A_249 : i32
          %dma_wait3A_251 = arith.constant 0 : i32
          %dma_wait3A_252 = tpu.memref_slice %arg7[%add3A_250, %dma_wait3A_251] : memref<320000x128xf32, #tpu.memory_space<hbm>> -> memref<32x128xf32, #tpu.memory_space<hbm>>
          %dma_wait3A_253 = arith.constant 0 : i32
          %dma_wait3A_254 = tpu.memref_slice %arg7[%add3A_250, %dma_wait3A_253] : memref<320000x128xf32, #tpu.memory_space<hbm>> -> memref<32x128xf32, #tpu.memory_space<hbm>>
          tpu.wait_dma2 semaphore(%arg30 : memref<!tpu.dma_semaphore, #tpu.memory_space<semaphore_mem>>) src(%dma_wait3A_254 : memref<32x128xf32, #tpu.memory_space<hbm>>) dst(%arg18 : memref<32x128xf32, #tpu.memory_space<vmem>>)
          %dma_start3A_255 = arith.constant 0 : i32
          %dma_start3A_256 = tpu.memref_slice %arg12[%add3A_247, %dma_start3A_255] : memref<48x32xi32, #tpu.memory_space<vmem>> -> memref<1x32xi32, #tpu.memory_space<vmem>>
          %dma_start3A_257 = tpu.memref_squeeze %dma_start3A_256 : memref<1x32xi32, #tpu.memory_space<vmem>> -> memref<32xi32, #tpu.memory_space<vmem>>
          %dma_start3A_258 = arith.constant 0 : i32
          %dma_start3A_259 = arith.constant 0 : i32
          %dma_start3A_260 = tpu.memref_slice %arg25[%dma_start3A_258, %dma_start3A_259] : memref<10240x128xf32, #tpu.memory_space<vmem_shared>> -> memref<10240x128xf32, #tpu.memory_space<vmem_shared>>
          tpu.enqueue_indirect_dma source(%arg18 : memref<32x128xf32, #tpu.memory_space<vmem>>) target(%dma_start3A_260 : memref<10240x128xf32, #tpu.memory_space<vmem_shared>>) offsets(%dma_start3A_257 : memref<32xi32, #tpu.memory_space<vmem>>) semaphore(%arg38 : memref<!tpu.dma_semaphore, #tpu.memory_space<semaphore_mem>>) {add = true}
          %dma_start3A_261 = arith.constant 0 : i32
          %dma_start3A_262 = tpu.memref_slice %arg12[%add3A_247, %dma_start3A_261] : memref<48x32xi32, #tpu.memory_space<vmem>> -> memref<1x32xi32, #tpu.memory_space<vmem>>
          %dma_start3A_263 = tpu.memref_squeeze %dma_start3A_262 : memref<1x32xi32, #tpu.memory_space<vmem>> -> memref<32xi32, #tpu.memory_space<vmem>>
          %dma_start3A_264 = arith.constant 0 : i32
          %dma_start3A_265 = tpu.memref_slice %arg26[%dma_start3A_264] : memref<10240xf32, #tpu.memory_space<vmem_shared>> -> memref<10240xf32, #tpu.memory_space<vmem_shared>>
          tpu.enqueue_indirect_dma source(%arg23 : memref<32xf32, #tpu.memory_space<vmem>>) target(%dma_start3A_265 : memref<10240xf32, #tpu.memory_space<vmem_shared>>) offsets(%dma_start3A_263 : memref<32xi32, #tpu.memory_space<vmem>>) semaphore(%arg43 : memref<!tpu.dma_semaphore, #tpu.memory_space<semaphore_mem>>) {add = true}
          %add3A_266 = arith.constant 4 : i32
          %add3A_267 = arith.addi %add3A_247, %add3A_266 : i32
          %lt3A_268 = arith.constant 48 : i32
          %lt3A_269 = arith.cmpi slt, %add3A_267, %lt3A_268 : i32
          %convert_element_type3A_270 = arith.extui %lt3A_269 : i1 to i32
          %cond3A_271 = arith.constant 0 : i32
          %cond3A_272 = arith.cmpi ne, %convert_element_type3A_270, %cond3A_271 : i32
          scf.if %cond3A_272 {
            %ge3A = arith.constant 4 : i32
            %ge3A_389 = arith.cmpi sge, %add3A_247, %ge3A : i32
            %convert_element_type3A_390 = arith.extui %ge3A_389 : i1 to i32
            %cond3A_391 = arith.constant 0 : i32
            %cond3A_392 = arith.cmpi ne, %convert_element_type3A_390, %cond3A_391 : i32
            scf.if %cond3A_392 {
              %dma_wait3A_402 = arith.constant 0 : i32
              %dma_wait3A_403 = arith.constant 0 : i32
              %dma_wait3A_404 = tpu.memref_slice %arg12[%dma_wait3A_402, %dma_wait3A_403] : memref<48x32xi32, #tpu.memory_space<vmem>> -> memref<1x32xi32, #tpu.memory_space<vmem>>
              %dma_wait3A_405 = tpu.memref_squeeze %dma_wait3A_404 : memref<1x32xi32, #tpu.memory_space<vmem>> -> memref<32xi32, #tpu.memory_space<vmem>>
              %dma_wait3A_406 = arith.constant 0 : i32
              %dma_wait3A_407 = arith.constant 0 : i32
              %dma_wait3A_408 = tpu.memref_slice %arg25[%dma_wait3A_406, %dma_wait3A_407] : memref<10240x128xf32, #tpu.memory_space<vmem_shared>> -> memref<10240x128xf32, #tpu.memory_space<vmem_shared>>
              tpu.wait_indirect_dma semaphore(%arg42 : memref<!tpu.dma_semaphore, #tpu.memory_space<semaphore_mem>>) src(%arg22 : memref<32x128xf32, #tpu.memory_space<vmem>>) dst(%dma_wait3A_408 : memref<10240x128xf32, #tpu.memory_space<vmem_shared>>)
            } else {
            }
            %add3A_393 = arith.constant 4 : i32
            %add3A_394 = arith.addi %add3A_247, %add3A_393 : i32
            %mul3A_395 = arith.constant 32 : i32
            %mul3A_396 = arith.muli %add3A_394, %mul3A_395 : i32
            %add3A_397 = arith.addi %add3A_66, %mul3A_396 : i32
            %dma_start3A_398 = arith.constant 0 : i32
            %dma_start3A_399 = tpu.memref_slice %arg7[%add3A_397, %dma_start3A_398] : memref<320000x128xf32, #tpu.memory_space<hbm>> -> memref<32x128xf32, #tpu.memory_space<hbm>>
            %dma_start3A_400 = arith.constant 0 : i32
            %dma_start3A_401 = tpu.memref_slice %arg7[%add3A_397, %dma_start3A_400] : memref<320000x128xf32, #tpu.memory_space<hbm>> -> memref<32x128xf32, #tpu.memory_space<hbm>>
            tpu.enqueue_dma source(%dma_start3A_401 : memref<32x128xf32, #tpu.memory_space<hbm>>) target(%arg22 : memref<32x128xf32, #tpu.memory_space<vmem>>) target_semaphore(%arg34 : memref<!tpu.dma_semaphore, #tpu.memory_space<semaphore_mem>>)
          } else {
          }
          %mul3A_273 = arith.constant 8 : i32
          %mul3A_274 = arith.muli %scan3A_157, %mul3A_273 : i32
          %add3A_275 = arith.constant 4 : i32
          %add3A_276 = arith.addi %mul3A_274, %add3A_275 : i32
          %mul3A_277 = arith.constant 32 : i32
          %mul3A_278 = arith.muli %add3A_276, %mul3A_277 : i32
          %add3A_279 = arith.addi %add3A_66, %mul3A_278 : i32
          %dma_wait3A_280 = arith.constant 0 : i32
          %dma_wait3A_281 = tpu.memref_slice %arg7[%add3A_279, %dma_wait3A_280] : memref<320000x128xf32, #tpu.memory_space<hbm>> -> memref<32x128xf32, #tpu.memory_space<hbm>>
          %dma_wait3A_282 = arith.constant 0 : i32
          %dma_wait3A_283 = tpu.memref_slice %arg7[%add3A_279, %dma_wait3A_282] : memref<320000x128xf32, #tpu.memory_space<hbm>> -> memref<32x128xf32, #tpu.memory_space<hbm>>
          tpu.wait_dma2 semaphore(%arg31 : memref<!tpu.dma_semaphore, #tpu.memory_space<semaphore_mem>>) src(%dma_wait3A_283 : memref<32x128xf32, #tpu.memory_space<hbm>>) dst(%arg19 : memref<32x128xf32, #tpu.memory_space<vmem>>)
          %dma_start3A_284 = arith.constant 0 : i32
          %dma_start3A_285 = tpu.memref_slice %arg12[%add3A_276, %dma_start3A_284] : memref<48x32xi32, #tpu.memory_space<vmem>> -> memref<1x32xi32, #tpu.memory_space<vmem>>
          %dma_start3A_286 = tpu.memref_squeeze %dma_start3A_285 : memref<1x32xi32, #tpu.memory_space<vmem>> -> memref<32xi32, #tpu.memory_space<vmem>>
          %dma_start3A_287 = arith.constant 0 : i32
          %dma_start3A_288 = arith.constant 0 : i32
          %dma_start3A_289 = tpu.memref_slice %arg25[%dma_start3A_287, %dma_start3A_288] : memref<10240x128xf32, #tpu.memory_space<vmem_shared>> -> memref<10240x128xf32, #tpu.memory_space<vmem_shared>>
          tpu.enqueue_indirect_dma source(%arg19 : memref<32x128xf32, #tpu.memory_space<vmem>>) target(%dma_start3A_289 : memref<10240x128xf32, #tpu.memory_space<vmem_shared>>) offsets(%dma_start3A_286 : memref<32xi32, #tpu.memory_space<vmem>>) semaphore(%arg39 : memref<!tpu.dma_semaphore, #tpu.memory_space<semaphore_mem>>) {add = true}
          %dma_start3A_290 = arith.constant 0 : i32
          %dma_start3A_291 = tpu.memref_slice %arg12[%add3A_276, %dma_start3A_290] : memref<48x32xi32, #tpu.memory_space<vmem>> -> memref<1x32xi32, #tpu.memory_space<vmem>>
          %dma_start3A_292 = tpu.memref_squeeze %dma_start3A_291 : memref<1x32xi32, #tpu.memory_space<vmem>> -> memref<32xi32, #tpu.memory_space<vmem>>
          %dma_start3A_293 = arith.constant 0 : i32
          %dma_start3A_294 = tpu.memref_slice %arg26[%dma_start3A_293] : memref<10240xf32, #tpu.memory_space<vmem_shared>> -> memref<10240xf32, #tpu.memory_space<vmem_shared>>
          tpu.enqueue_indirect_dma source(%arg23 : memref<32xf32, #tpu.memory_space<vmem>>) target(%dma_start3A_294 : memref<10240xf32, #tpu.memory_space<vmem_shared>>) offsets(%dma_start3A_292 : memref<32xi32, #tpu.memory_space<vmem>>) semaphore(%arg43 : memref<!tpu.dma_semaphore, #tpu.memory_space<semaphore_mem>>) {add = true}
          %add3A_295 = arith.constant 4 : i32
          %add3A_296 = arith.addi %add3A_276, %add3A_295 : i32
          %lt3A_297 = arith.constant 48 : i32
          %lt3A_298 = arith.cmpi slt, %add3A_296, %lt3A_297 : i32
          %convert_element_type3A_299 = arith.extui %lt3A_298 : i1 to i32
          %cond3A_300 = arith.constant 0 : i32
          %cond3A_301 = arith.cmpi ne, %convert_element_type3A_299, %cond3A_300 : i32
          scf.if %cond3A_301 {
            %ge3A = arith.constant 4 : i32
            %ge3A_389 = arith.cmpi sge, %add3A_276, %ge3A : i32
            %convert_element_type3A_390 = arith.extui %ge3A_389 : i1 to i32
            %cond3A_391 = arith.constant 0 : i32
            %cond3A_392 = arith.cmpi ne, %convert_element_type3A_390, %cond3A_391 : i32
            scf.if %cond3A_392 {
              %dma_wait3A_402 = arith.constant 0 : i32
              %dma_wait3A_403 = arith.constant 0 : i32
              %dma_wait3A_404 = tpu.memref_slice %arg12[%dma_wait3A_402, %dma_wait3A_403] : memref<48x32xi32, #tpu.memory_space<vmem>> -> memref<1x32xi32, #tpu.memory_space<vmem>>
              %dma_wait3A_405 = tpu.memref_squeeze %dma_wait3A_404 : memref<1x32xi32, #tpu.memory_space<vmem>> -> memref<32xi32, #tpu.memory_space<vmem>>
              %dma_wait3A_406 = arith.constant 0 : i32
              %dma_wait3A_407 = arith.constant 0 : i32
              %dma_wait3A_408 = tpu.memref_slice %arg25[%dma_wait3A_406, %dma_wait3A_407] : memref<10240x128xf32, #tpu.memory_space<vmem_shared>> -> memref<10240x128xf32, #tpu.memory_space<vmem_shared>>
              tpu.wait_indirect_dma semaphore(%arg35 : memref<!tpu.dma_semaphore, #tpu.memory_space<semaphore_mem>>) src(%arg15 : memref<32x128xf32, #tpu.memory_space<vmem>>) dst(%dma_wait3A_408 : memref<10240x128xf32, #tpu.memory_space<vmem_shared>>)
            } else {
            }
            %add3A_393 = arith.constant 4 : i32
            %add3A_394 = arith.addi %add3A_276, %add3A_393 : i32
            %mul3A_395 = arith.constant 32 : i32
            %mul3A_396 = arith.muli %add3A_394, %mul3A_395 : i32
            %add3A_397 = arith.addi %add3A_66, %mul3A_396 : i32
            %dma_start3A_398 = arith.constant 0 : i32
            %dma_start3A_399 = tpu.memref_slice %arg7[%add3A_397, %dma_start3A_398] : memref<320000x128xf32, #tpu.memory_space<hbm>> -> memref<32x128xf32, #tpu.memory_space<hbm>>
            %dma_start3A_400 = arith.constant 0 : i32
            %dma_start3A_401 = tpu.memref_slice %arg7[%add3A_397, %dma_start3A_400] : memref<320000x128xf32, #tpu.memory_space<hbm>> -> memref<32x128xf32, #tpu.memory_space<hbm>>
            tpu.enqueue_dma source(%dma_start3A_401 : memref<32x128xf32, #tpu.memory_space<hbm>>) target(%arg15 : memref<32x128xf32, #tpu.memory_space<vmem>>) target_semaphore(%arg27 : memref<!tpu.dma_semaphore, #tpu.memory_space<semaphore_mem>>)
          } else {
          }
          %mul3A_302 = arith.constant 8 : i32
          %mul3A_303 = arith.muli %scan3A_157, %mul3A_302 : i32
          %add3A_304 = arith.constant 5 : i32
          %add3A_305 = arith.addi %mul3A_303, %add3A_304 : i32
          %mul3A_306 = arith.constant 32 : i32
          %mul3A_307 = arith.muli %add3A_305, %mul3A_306 : i32
          %add3A_308 = arith.addi %add3A_66, %mul3A_307 : i32
          %dma_wait3A_309 = arith.constant 0 : i32
          %dma_wait3A_310 = tpu.memref_slice %arg7[%add3A_308, %dma_wait3A_309] : memref<320000x128xf32, #tpu.memory_space<hbm>> -> memref<32x128xf32, #tpu.memory_space<hbm>>
          %dma_wait3A_311 = arith.constant 0 : i32
          %dma_wait3A_312 = tpu.memref_slice %arg7[%add3A_308, %dma_wait3A_311] : memref<320000x128xf32, #tpu.memory_space<hbm>> -> memref<32x128xf32, #tpu.memory_space<hbm>>
          tpu.wait_dma2 semaphore(%arg32 : memref<!tpu.dma_semaphore, #tpu.memory_space<semaphore_mem>>) src(%dma_wait3A_312 : memref<32x128xf32, #tpu.memory_space<hbm>>) dst(%arg20 : memref<32x128xf32, #tpu.memory_space<vmem>>)
          %dma_start3A_313 = arith.constant 0 : i32
          %dma_start3A_314 = tpu.memref_slice %arg12[%add3A_305, %dma_start3A_313] : memref<48x32xi32, #tpu.memory_space<vmem>> -> memref<1x32xi32, #tpu.memory_space<vmem>>
          %dma_start3A_315 = tpu.memref_squeeze %dma_start3A_314 : memref<1x32xi32, #tpu.memory_space<vmem>> -> memref<32xi32, #tpu.memory_space<vmem>>
          %dma_start3A_316 = arith.constant 0 : i32
          %dma_start3A_317 = arith.constant 0 : i32
          %dma_start3A_318 = tpu.memref_slice %arg25[%dma_start3A_316, %dma_start3A_317] : memref<10240x128xf32, #tpu.memory_space<vmem_shared>> -> memref<10240x128xf32, #tpu.memory_space<vmem_shared>>
          tpu.enqueue_indirect_dma source(%arg20 : memref<32x128xf32, #tpu.memory_space<vmem>>) target(%dma_start3A_318 : memref<10240x128xf32, #tpu.memory_space<vmem_shared>>) offsets(%dma_start3A_315 : memref<32xi32, #tpu.memory_space<vmem>>) semaphore(%arg40 : memref<!tpu.dma_semaphore, #tpu.memory_space<semaphore_mem>>) {add = true}
          %dma_start3A_319 = arith.constant 0 : i32
          %dma_start3A_320 = tpu.memref_slice %arg12[%add3A_305, %dma_start3A_319] : memref<48x32xi32, #tpu.memory_space<vmem>> -> memref<1x32xi32, #tpu.memory_space<vmem>>
          %dma_start3A_321 = tpu.memref_squeeze %dma_start3A_320 : memref<1x32xi32, #tpu.memory_space<vmem>> -> memref<32xi32, #tpu.memory_space<vmem>>
          %dma_start3A_322 = arith.constant 0 : i32
          %dma_start3A_323 = tpu.memref_slice %arg26[%dma_start3A_322] : memref<10240xf32, #tpu.memory_space<vmem_shared>> -> memref<10240xf32, #tpu.memory_space<vmem_shared>>
          tpu.enqueue_indirect_dma source(%arg23 : memref<32xf32, #tpu.memory_space<vmem>>) target(%dma_start3A_323 : memref<10240xf32, #tpu.memory_space<vmem_shared>>) offsets(%dma_start3A_321 : memref<32xi32, #tpu.memory_space<vmem>>) semaphore(%arg43 : memref<!tpu.dma_semaphore, #tpu.memory_space<semaphore_mem>>) {add = true}
          %add3A_324 = arith.constant 4 : i32
          %add3A_325 = arith.addi %add3A_305, %add3A_324 : i32
          %lt3A_326 = arith.constant 48 : i32
          %lt3A_327 = arith.cmpi slt, %add3A_325, %lt3A_326 : i32
          %convert_element_type3A_328 = arith.extui %lt3A_327 : i1 to i32
          %cond3A_329 = arith.constant 0 : i32
          %cond3A_330 = arith.cmpi ne, %convert_element_type3A_328, %cond3A_329 : i32
          scf.if %cond3A_330 {
            %ge3A = arith.constant 4 : i32
            %ge3A_389 = arith.cmpi sge, %add3A_305, %ge3A : i32
            %convert_element_type3A_390 = arith.extui %ge3A_389 : i1 to i32
            %cond3A_391 = arith.constant 0 : i32
            %cond3A_392 = arith.cmpi ne, %convert_element_type3A_390, %cond3A_391 : i32
            scf.if %cond3A_392 {
              %dma_wait3A_402 = arith.constant 0 : i32
              %dma_wait3A_403 = arith.constant 0 : i32
              %dma_wait3A_404 = tpu.memref_slice %arg12[%dma_wait3A_402, %dma_wait3A_403] : memref<48x32xi32, #tpu.memory_space<vmem>> -> memref<1x32xi32, #tpu.memory_space<vmem>>
              %dma_wait3A_405 = tpu.memref_squeeze %dma_wait3A_404 : memref<1x32xi32, #tpu.memory_space<vmem>> -> memref<32xi32, #tpu.memory_space<vmem>>
              %dma_wait3A_406 = arith.constant 0 : i32
              %dma_wait3A_407 = arith.constant 0 : i32
              %dma_wait3A_408 = tpu.memref_slice %arg25[%dma_wait3A_406, %dma_wait3A_407] : memref<10240x128xf32, #tpu.memory_space<vmem_shared>> -> memref<10240x128xf32, #tpu.memory_space<vmem_shared>>
              tpu.wait_indirect_dma semaphore(%arg36 : memref<!tpu.dma_semaphore, #tpu.memory_space<semaphore_mem>>) src(%arg16 : memref<32x128xf32, #tpu.memory_space<vmem>>) dst(%dma_wait3A_408 : memref<10240x128xf32, #tpu.memory_space<vmem_shared>>)
            } else {
            }
            %add3A_393 = arith.constant 4 : i32
            %add3A_394 = arith.addi %add3A_305, %add3A_393 : i32
            %mul3A_395 = arith.constant 32 : i32
            %mul3A_396 = arith.muli %add3A_394, %mul3A_395 : i32
            %add3A_397 = arith.addi %add3A_66, %mul3A_396 : i32
            %dma_start3A_398 = arith.constant 0 : i32
            %dma_start3A_399 = tpu.memref_slice %arg7[%add3A_397, %dma_start3A_398] : memref<320000x128xf32, #tpu.memory_space<hbm>> -> memref<32x128xf32, #tpu.memory_space<hbm>>
            %dma_start3A_400 = arith.constant 0 : i32
            %dma_start3A_401 = tpu.memref_slice %arg7[%add3A_397, %dma_start3A_400] : memref<320000x128xf32, #tpu.memory_space<hbm>> -> memref<32x128xf32, #tpu.memory_space<hbm>>
            tpu.enqueue_dma source(%dma_start3A_401 : memref<32x128xf32, #tpu.memory_space<hbm>>) target(%arg16 : memref<32x128xf32, #tpu.memory_space<vmem>>) target_semaphore(%arg28 : memref<!tpu.dma_semaphore, #tpu.memory_space<semaphore_mem>>)
          } else {
          }
          %mul3A_331 = arith.constant 8 : i32
          %mul3A_332 = arith.muli %scan3A_157, %mul3A_331 : i32
          %add3A_333 = arith.constant 6 : i32
          %add3A_334 = arith.addi %mul3A_332, %add3A_333 : i32
          %mul3A_335 = arith.constant 32 : i32
          %mul3A_336 = arith.muli %add3A_334, %mul3A_335 : i32
          %add3A_337 = arith.addi %add3A_66, %mul3A_336 : i32
          %dma_wait3A_338 = arith.constant 0 : i32
          %dma_wait3A_339 = tpu.memref_slice %arg7[%add3A_337, %dma_wait3A_338] : memref<320000x128xf32, #tpu.memory_space<hbm>> -> memref<32x128xf32, #tpu.memory_space<hbm>>
          %dma_wait3A_340 = arith.constant 0 : i32
          %dma_wait3A_341 = tpu.memref_slice %arg7[%add3A_337, %dma_wait3A_340] : memref<320000x128xf32, #tpu.memory_space<hbm>> -> memref<32x128xf32, #tpu.memory_space<hbm>>
          tpu.wait_dma2 semaphore(%arg33 : memref<!tpu.dma_semaphore, #tpu.memory_space<semaphore_mem>>) src(%dma_wait3A_341 : memref<32x128xf32, #tpu.memory_space<hbm>>) dst(%arg21 : memref<32x128xf32, #tpu.memory_space<vmem>>)
          %dma_start3A_342 = arith.constant 0 : i32
          %dma_start3A_343 = tpu.memref_slice %arg12[%add3A_334, %dma_start3A_342] : memref<48x32xi32, #tpu.memory_space<vmem>> -> memref<1x32xi32, #tpu.memory_space<vmem>>
          %dma_start3A_344 = tpu.memref_squeeze %dma_start3A_343 : memref<1x32xi32, #tpu.memory_space<vmem>> -> memref<32xi32, #tpu.memory_space<vmem>>
          %dma_start3A_345 = arith.constant 0 : i32
          %dma_start3A_346 = arith.constant 0 : i32
          %dma_start3A_347 = tpu.memref_slice %arg25[%dma_start3A_345, %dma_start3A_346] : memref<10240x128xf32, #tpu.memory_space<vmem_shared>> -> memref<10240x128xf32, #tpu.memory_space<vmem_shared>>
          tpu.enqueue_indirect_dma source(%arg21 : memref<32x128xf32, #tpu.memory_space<vmem>>) target(%dma_start3A_347 : memref<10240x128xf32, #tpu.memory_space<vmem_shared>>) offsets(%dma_start3A_344 : memref<32xi32, #tpu.memory_space<vmem>>) semaphore(%arg41 : memref<!tpu.dma_semaphore, #tpu.memory_space<semaphore_mem>>) {add = true}
          %dma_start3A_348 = arith.constant 0 : i32
          %dma_start3A_349 = tpu.memref_slice %arg12[%add3A_334, %dma_start3A_348] : memref<48x32xi32, #tpu.memory_space<vmem>> -> memref<1x32xi32, #tpu.memory_space<vmem>>
          %dma_start3A_350 = tpu.memref_squeeze %dma_start3A_349 : memref<1x32xi32, #tpu.memory_space<vmem>> -> memref<32xi32, #tpu.memory_space<vmem>>
          %dma_start3A_351 = arith.constant 0 : i32
          %dma_start3A_352 = tpu.memref_slice %arg26[%dma_start3A_351] : memref<10240xf32, #tpu.memory_space<vmem_shared>> -> memref<10240xf32, #tpu.memory_space<vmem_shared>>
          tpu.enqueue_indirect_dma source(%arg23 : memref<32xf32, #tpu.memory_space<vmem>>) target(%dma_start3A_352 : memref<10240xf32, #tpu.memory_space<vmem_shared>>) offsets(%dma_start3A_350 : memref<32xi32, #tpu.memory_space<vmem>>) semaphore(%arg43 : memref<!tpu.dma_semaphore, #tpu.memory_space<semaphore_mem>>) {add = true}
          %add3A_353 = arith.constant 4 : i32
          %add3A_354 = arith.addi %add3A_334, %add3A_353 : i32
          %lt3A_355 = arith.constant 48 : i32
          %lt3A_356 = arith.cmpi slt, %add3A_354, %lt3A_355 : i32
          %convert_element_type3A_357 = arith.extui %lt3A_356 : i1 to i32
          %cond3A_358 = arith.constant 0 : i32
          %cond3A_359 = arith.cmpi ne, %convert_element_type3A_357, %cond3A_358 : i32
          scf.if %cond3A_359 {
            %ge3A = arith.constant 4 : i32
            %ge3A_389 = arith.cmpi sge, %add3A_334, %ge3A : i32
            %convert_element_type3A_390 = arith.extui %ge3A_389 : i1 to i32
            %cond3A_391 = arith.constant 0 : i32
            %cond3A_392 = arith.cmpi ne, %convert_element_type3A_390, %cond3A_391 : i32
            scf.if %cond3A_392 {
              %dma_wait3A_402 = arith.constant 0 : i32
              %dma_wait3A_403 = arith.constant 0 : i32
              %dma_wait3A_404 = tpu.memref_slice %arg12[%dma_wait3A_402, %dma_wait3A_403] : memref<48x32xi32, #tpu.memory_space<vmem>> -> memref<1x32xi32, #tpu.memory_space<vmem>>
              %dma_wait3A_405 = tpu.memref_squeeze %dma_wait3A_404 : memref<1x32xi32, #tpu.memory_space<vmem>> -> memref<32xi32, #tpu.memory_space<vmem>>
              %dma_wait3A_406 = arith.constant 0 : i32
              %dma_wait3A_407 = arith.constant 0 : i32
              %dma_wait3A_408 = tpu.memref_slice %arg25[%dma_wait3A_406, %dma_wait3A_407] : memref<10240x128xf32, #tpu.memory_space<vmem_shared>> -> memref<10240x128xf32, #tpu.memory_space<vmem_shared>>
              tpu.wait_indirect_dma semaphore(%arg37 : memref<!tpu.dma_semaphore, #tpu.memory_space<semaphore_mem>>) src(%arg17 : memref<32x128xf32, #tpu.memory_space<vmem>>) dst(%dma_wait3A_408 : memref<10240x128xf32, #tpu.memory_space<vmem_shared>>)
            } else {
            }
            %add3A_393 = arith.constant 4 : i32
            %add3A_394 = arith.addi %add3A_334, %add3A_393 : i32
            %mul3A_395 = arith.constant 32 : i32
            %mul3A_396 = arith.muli %add3A_394, %mul3A_395 : i32
            %add3A_397 = arith.addi %add3A_66, %mul3A_396 : i32
            %dma_start3A_398 = arith.constant 0 : i32
            %dma_start3A_399 = tpu.memref_slice %arg7[%add3A_397, %dma_start3A_398] : memref<320000x128xf32, #tpu.memory_space<hbm>> -> memref<32x128xf32, #tpu.memory_space<hbm>>
            %dma_start3A_400 = arith.constant 0 : i32
            %dma_start3A_401 = tpu.memref_slice %arg7[%add3A_397, %dma_start3A_400] : memref<320000x128xf32, #tpu.memory_space<hbm>> -> memref<32x128xf32, #tpu.memory_space<hbm>>
            tpu.enqueue_dma source(%dma_start3A_401 : memref<32x128xf32, #tpu.memory_space<hbm>>) target(%arg17 : memref<32x128xf32, #tpu.memory_space<vmem>>) target_semaphore(%arg29 : memref<!tpu.dma_semaphore, #tpu.memory_space<semaphore_mem>>)
          } else {
          }
          %mul3A_360 = arith.constant 8 : i32
          %mul3A_361 = arith.muli %scan3A_157, %mul3A_360 : i32
          %add3A_362 = arith.constant 7 : i32
          %add3A_363 = arith.addi %mul3A_361, %add3A_362 : i32
          %mul3A_364 = arith.constant 32 : i32
          %mul3A_365 = arith.muli %add3A_363, %mul3A_364 : i32
          %add3A_366 = arith.addi %add3A_66, %mul3A_365 : i32
          %dma_wait3A_367 = arith.constant 0 : i32
          %dma_wait3A_368 = tpu.memref_slice %arg7[%add3A_366, %dma_wait3A_367] : memref<320000x128xf32, #tpu.memory_space<hbm>> -> memref<32x128xf32, #tpu.memory_space<hbm>>
          %dma_wait3A_369 = arith.constant 0 : i32
          %dma_wait3A_370 = tpu.memref_slice %arg7[%add3A_366, %dma_wait3A_369] : memref<320000x128xf32, #tpu.memory_space<hbm>> -> memref<32x128xf32, #tpu.memory_space<hbm>>
          tpu.wait_dma2 semaphore(%arg34 : memref<!tpu.dma_semaphore, #tpu.memory_space<semaphore_mem>>) src(%dma_wait3A_370 : memref<32x128xf32, #tpu.memory_space<hbm>>) dst(%arg22 : memref<32x128xf32, #tpu.memory_space<vmem>>)
          %dma_start3A_371 = arith.constant 0 : i32
          %dma_start3A_372 = tpu.memref_slice %arg12[%add3A_363, %dma_start3A_371] : memref<48x32xi32, #tpu.memory_space<vmem>> -> memref<1x32xi32, #tpu.memory_space<vmem>>
          %dma_start3A_373 = tpu.memref_squeeze %dma_start3A_372 : memref<1x32xi32, #tpu.memory_space<vmem>> -> memref<32xi32, #tpu.memory_space<vmem>>
          %dma_start3A_374 = arith.constant 0 : i32
          %dma_start3A_375 = arith.constant 0 : i32
          %dma_start3A_376 = tpu.memref_slice %arg25[%dma_start3A_374, %dma_start3A_375] : memref<10240x128xf32, #tpu.memory_space<vmem_shared>> -> memref<10240x128xf32, #tpu.memory_space<vmem_shared>>
          tpu.enqueue_indirect_dma source(%arg22 : memref<32x128xf32, #tpu.memory_space<vmem>>) target(%dma_start3A_376 : memref<10240x128xf32, #tpu.memory_space<vmem_shared>>) offsets(%dma_start3A_373 : memref<32xi32, #tpu.memory_space<vmem>>) semaphore(%arg42 : memref<!tpu.dma_semaphore, #tpu.memory_space<semaphore_mem>>) {add = true}
          %dma_start3A_377 = arith.constant 0 : i32
          %dma_start3A_378 = tpu.memref_slice %arg12[%add3A_363, %dma_start3A_377] : memref<48x32xi32, #tpu.memory_space<vmem>> -> memref<1x32xi32, #tpu.memory_space<vmem>>
          %dma_start3A_379 = tpu.memref_squeeze %dma_start3A_378 : memref<1x32xi32, #tpu.memory_space<vmem>> -> memref<32xi32, #tpu.memory_space<vmem>>
          %dma_start3A_380 = arith.constant 0 : i32
          %dma_start3A_381 = tpu.memref_slice %arg26[%dma_start3A_380] : memref<10240xf32, #tpu.memory_space<vmem_shared>> -> memref<10240xf32, #tpu.memory_space<vmem_shared>>
          tpu.enqueue_indirect_dma source(%arg23 : memref<32xf32, #tpu.memory_space<vmem>>) target(%dma_start3A_381 : memref<10240xf32, #tpu.memory_space<vmem_shared>>) offsets(%dma_start3A_379 : memref<32xi32, #tpu.memory_space<vmem>>) semaphore(%arg43 : memref<!tpu.dma_semaphore, #tpu.memory_space<semaphore_mem>>) {add = true}
          %add3A_382 = arith.constant 4 : i32
          %add3A_383 = arith.addi %add3A_363, %add3A_382 : i32
          %lt3A_384 = arith.constant 48 : i32
          %lt3A_385 = arith.cmpi slt, %add3A_383, %lt3A_384 : i32
          %convert_element_type3A_386 = arith.extui %lt3A_385 : i1 to i32
          %cond3A_387 = arith.constant 0 : i32
          %cond3A_388 = arith.cmpi ne, %convert_element_type3A_386, %cond3A_387 : i32
          scf.if %cond3A_388 {
            %ge3A = arith.constant 4 : i32
            %ge3A_389 = arith.cmpi sge, %add3A_363, %ge3A : i32
            %convert_element_type3A_390 = arith.extui %ge3A_389 : i1 to i32
            %cond3A_391 = arith.constant 0 : i32
            %cond3A_392 = arith.cmpi ne, %convert_element_type3A_390, %cond3A_391 : i32
            scf.if %cond3A_392 {
              %dma_wait3A_402 = arith.constant 0 : i32
              %dma_wait3A_403 = arith.constant 0 : i32
              %dma_wait3A_404 = tpu.memref_slice %arg12[%dma_wait3A_402, %dma_wait3A_403] : memref<48x32xi32, #tpu.memory_space<vmem>> -> memref<1x32xi32, #tpu.memory_space<vmem>>
              %dma_wait3A_405 = tpu.memref_squeeze %dma_wait3A_404 : memref<1x32xi32, #tpu.memory_space<vmem>> -> memref<32xi32, #tpu.memory_space<vmem>>
              %dma_wait3A_406 = arith.constant 0 : i32
              %dma_wait3A_407 = arith.constant 0 : i32
              %dma_wait3A_408 = tpu.memref_slice %arg25[%dma_wait3A_406, %dma_wait3A_407] : memref<10240x128xf32, #tpu.memory_space<vmem_shared>> -> memref<10240x128xf32, #tpu.memory_space<vmem_shared>>
              tpu.wait_indirect_dma semaphore(%arg38 : memref<!tpu.dma_semaphore, #tpu.memory_space<semaphore_mem>>) src(%arg18 : memref<32x128xf32, #tpu.memory_space<vmem>>) dst(%dma_wait3A_408 : memref<10240x128xf32, #tpu.memory_space<vmem_shared>>)
            } else {
            }
            %add3A_393 = arith.constant 4 : i32
            %add3A_394 = arith.addi %add3A_363, %add3A_393 : i32
            %mul3A_395 = arith.constant 32 : i32
            %mul3A_396 = arith.muli %add3A_394, %mul3A_395 : i32
            %add3A_397 = arith.addi %add3A_66, %mul3A_396 : i32
            %dma_start3A_398 = arith.constant 0 : i32
            %dma_start3A_399 = tpu.memref_slice %arg7[%add3A_397, %dma_start3A_398] : memref<320000x128xf32, #tpu.memory_space<hbm>> -> memref<32x128xf32, #tpu.memory_space<hbm>>
            %dma_start3A_400 = arith.constant 0 : i32
            %dma_start3A_401 = tpu.memref_slice %arg7[%add3A_397, %dma_start3A_400] : memref<320000x128xf32, #tpu.memory_space<hbm>> -> memref<32x128xf32, #tpu.memory_space<hbm>>
            tpu.enqueue_dma source(%dma_start3A_401 : memref<32x128xf32, #tpu.memory_space<hbm>>) target(%arg18 : memref<32x128xf32, #tpu.memory_space<vmem>>) target_semaphore(%arg30 : memref<!tpu.dma_semaphore, #tpu.memory_space<semaphore_mem>>)
          } else {
          }
        }
        %scan3A_95 = arith.constant 6 : i32
        %dma_wait3A = arith.constant 0 : i32
        %dma_wait3A_96 = arith.constant 0 : i32
        %dma_wait3A_97 = tpu.memref_slice %arg12[%dma_wait3A, %dma_wait3A_96] : memref<48x32xi32, #tpu.memory_space<vmem>> -> memref<1x32xi32, #tpu.memory_space<vmem>>
        %dma_wait3A_98 = tpu.memref_squeeze %dma_wait3A_97 : memref<1x32xi32, #tpu.memory_space<vmem>> -> memref<32xi32, #tpu.memory_space<vmem>>
        %dma_wait3A_99 = arith.constant 0 : i32
        %dma_wait3A_100 = arith.constant 0 : i32
        %dma_wait3A_101 = tpu.memref_slice %arg25[%dma_wait3A_99, %dma_wait3A_100] : memref<10240x128xf32, #tpu.memory_space<vmem_shared>> -> memref<10240x128xf32, #tpu.memory_space<vmem_shared>>
        tpu.wait_indirect_dma semaphore(%arg35 : memref<!tpu.dma_semaphore, #tpu.memory_space<semaphore_mem>>) src(%arg15 : memref<32x128xf32, #tpu.memory_space<vmem>>) dst(%dma_wait3A_101 : memref<10240x128xf32, #tpu.memory_space<vmem_shared>>)
        %dma_wait3A_102 = arith.constant 0 : i32
        %dma_wait3A_103 = arith.constant 0 : i32
        %dma_wait3A_104 = tpu.memref_slice %arg12[%dma_wait3A_102, %dma_wait3A_103] : memref<48x32xi32, #tpu.memory_space<vmem>> -> memref<1x32xi32, #tpu.memory_space<vmem>>
        %dma_wait3A_105 = tpu.memref_squeeze %dma_wait3A_104 : memref<1x32xi32, #tpu.memory_space<vmem>> -> memref<32xi32, #tpu.memory_space<vmem>>
        %dma_wait3A_106 = arith.constant 0 : i32
        %dma_wait3A_107 = arith.constant 0 : i32
        %dma_wait3A_108 = tpu.memref_slice %arg25[%dma_wait3A_106, %dma_wait3A_107] : memref<10240x128xf32, #tpu.memory_space<vmem_shared>> -> memref<10240x128xf32, #tpu.memory_space<vmem_shared>>
        tpu.wait_indirect_dma semaphore(%arg36 : memref<!tpu.dma_semaphore, #tpu.memory_space<semaphore_mem>>) src(%arg16 : memref<32x128xf32, #tpu.memory_space<vmem>>) dst(%dma_wait3A_108 : memref<10240x128xf32, #tpu.memory_space<vmem_shared>>)
        %dma_wait3A_109 = arith.constant 0 : i32
        %dma_wait3A_110 = arith.constant 0 : i32
        %dma_wait3A_111 = tpu.memref_slice %arg12[%dma_wait3A_109, %dma_wait3A_110] : memref<48x32xi32, #tpu.memory_space<vmem>> -> memref<1x32xi32, #tpu.memory_space<vmem>>
        %dma_wait3A_112 = tpu.memref_squeeze %dma_wait3A_111 : memref<1x32xi32, #tpu.memory_space<vmem>> -> memref<32xi32, #tpu.memory_space<vmem>>
        %dma_wait3A_113 = arith.constant 0 : i32
        %dma_wait3A_114 = arith.constant 0 : i32
        %dma_wait3A_115 = tpu.memref_slice %arg25[%dma_wait3A_113, %dma_wait3A_114] : memref<10240x128xf32, #tpu.memory_space<vmem_shared>> -> memref<10240x128xf32, #tpu.memory_space<vmem_shared>>
        tpu.wait_indirect_dma semaphore(%arg37 : memref<!tpu.dma_semaphore, #tpu.memory_space<semaphore_mem>>) src(%arg17 : memref<32x128xf32, #tpu.memory_space<vmem>>) dst(%dma_wait3A_115 : memref<10240x128xf32, #tpu.memory_space<vmem_shared>>)
        %dma_wait3A_116 = arith.constant 0 : i32
        %dma_wait3A_117 = arith.constant 0 : i32
        %dma_wait3A_118 = tpu.memref_slice %arg12[%dma_wait3A_116, %dma_wait3A_117] : memref<48x32xi32, #tpu.memory_space<vmem>> -> memref<1x32xi32, #tpu.memory_space<vmem>>
        %dma_wait3A_119 = tpu.memref_squeeze %dma_wait3A_118 : memref<1x32xi32, #tpu.memory_space<vmem>> -> memref<32xi32, #tpu.memory_space<vmem>>
        %dma_wait3A_120 = arith.constant 0 : i32
        %dma_wait3A_121 = arith.constant 0 : i32
        %dma_wait3A_122 = tpu.memref_slice %arg25[%dma_wait3A_120, %dma_wait3A_121] : memref<10240x128xf32, #tpu.memory_space<vmem_shared>> -> memref<10240x128xf32, #tpu.memory_space<vmem_shared>>
        tpu.wait_indirect_dma semaphore(%arg38 : memref<!tpu.dma_semaphore, #tpu.memory_space<semaphore_mem>>) src(%arg18 : memref<32x128xf32, #tpu.memory_space<vmem>>) dst(%dma_wait3A_122 : memref<10240x128xf32, #tpu.memory_space<vmem_shared>>)
        %dma_wait3A_123 = arith.constant 0 : i32
        %dma_wait3A_124 = arith.constant 0 : i32
        %dma_wait3A_125 = tpu.memref_slice %arg12[%dma_wait3A_123, %dma_wait3A_124] : memref<48x32xi32, #tpu.memory_space<vmem>> -> memref<1x32xi32, #tpu.memory_space<vmem>>
        %dma_wait3A_126 = tpu.memref_squeeze %dma_wait3A_125 : memref<1x32xi32, #tpu.memory_space<vmem>> -> memref<32xi32, #tpu.memory_space<vmem>>
        %dma_wait3A_127 = arith.constant 0 : i32
        %dma_wait3A_128 = arith.constant 0 : i32
        %dma_wait3A_129 = tpu.memref_slice %arg25[%dma_wait3A_127, %dma_wait3A_128] : memref<10240x128xf32, #tpu.memory_space<vmem_shared>> -> memref<10240x128xf32, #tpu.memory_space<vmem_shared>>
        tpu.wait_indirect_dma semaphore(%arg39 : memref<!tpu.dma_semaphore, #tpu.memory_space<semaphore_mem>>) src(%arg19 : memref<32x128xf32, #tpu.memory_space<vmem>>) dst(%dma_wait3A_129 : memref<10240x128xf32, #tpu.memory_space<vmem_shared>>)
        %dma_wait3A_130 = arith.constant 0 : i32
        %dma_wait3A_131 = arith.constant 0 : i32
        %dma_wait3A_132 = tpu.memref_slice %arg12[%dma_wait3A_130, %dma_wait3A_131] : memref<48x32xi32, #tpu.memory_space<vmem>> -> memref<1x32xi32, #tpu.memory_space<vmem>>
        %dma_wait3A_133 = tpu.memref_squeeze %dma_wait3A_132 : memref<1x32xi32, #tpu.memory_space<vmem>> -> memref<32xi32, #tpu.memory_space<vmem>>
        %dma_wait3A_134 = arith.constant 0 : i32
        %dma_wait3A_135 = arith.constant 0 : i32
        %dma_wait3A_136 = tpu.memref_slice %arg25[%dma_wait3A_134, %dma_wait3A_135] : memref<10240x128xf32, #tpu.memory_space<vmem_shared>> -> memref<10240x128xf32, #tpu.memory_space<vmem_shared>>
        tpu.wait_indirect_dma semaphore(%arg40 : memref<!tpu.dma_semaphore, #tpu.memory_space<semaphore_mem>>) src(%arg20 : memref<32x128xf32, #tpu.memory_space<vmem>>) dst(%dma_wait3A_136 : memref<10240x128xf32, #tpu.memory_space<vmem_shared>>)
        %dma_wait3A_137 = arith.constant 0 : i32
        %dma_wait3A_138 = arith.constant 0 : i32
        %dma_wait3A_139 = tpu.memref_slice %arg12[%dma_wait3A_137, %dma_wait3A_138] : memref<48x32xi32, #tpu.memory_space<vmem>> -> memref<1x32xi32, #tpu.memory_space<vmem>>
        %dma_wait3A_140 = tpu.memref_squeeze %dma_wait3A_139 : memref<1x32xi32, #tpu.memory_space<vmem>> -> memref<32xi32, #tpu.memory_space<vmem>>
        %dma_wait3A_141 = arith.constant 0 : i32
        %dma_wait3A_142 = arith.constant 0 : i32
        %dma_wait3A_143 = tpu.memref_slice %arg25[%dma_wait3A_141, %dma_wait3A_142] : memref<10240x128xf32, #tpu.memory_space<vmem_shared>> -> memref<10240x128xf32, #tpu.memory_space<vmem_shared>>
        tpu.wait_indirect_dma semaphore(%arg41 : memref<!tpu.dma_semaphore, #tpu.memory_space<semaphore_mem>>) src(%arg21 : memref<32x128xf32, #tpu.memory_space<vmem>>) dst(%dma_wait3A_143 : memref<10240x128xf32, #tpu.memory_space<vmem_shared>>)
        %dma_wait3A_144 = arith.constant 0 : i32
        %dma_wait3A_145 = arith.constant 0 : i32
        %dma_wait3A_146 = tpu.memref_slice %arg12[%dma_wait3A_144, %dma_wait3A_145] : memref<48x32xi32, #tpu.memory_space<vmem>> -> memref<1x32xi32, #tpu.memory_space<vmem>>
        %dma_wait3A_147 = tpu.memref_squeeze %dma_wait3A_146 : memref<1x32xi32, #tpu.memory_space<vmem>> -> memref<32xi32, #tpu.memory_space<vmem>>
        %dma_wait3A_148 = arith.constant 0 : i32
        %dma_wait3A_149 = arith.constant 0 : i32
        %dma_wait3A_150 = tpu.memref_slice %arg25[%dma_wait3A_148, %dma_wait3A_149] : memref<10240x128xf32, #tpu.memory_space<vmem_shared>> -> memref<10240x128xf32, #tpu.memory_space<vmem_shared>>
        tpu.wait_indirect_dma semaphore(%arg42 : memref<!tpu.dma_semaphore, #tpu.memory_space<semaphore_mem>>) src(%arg22 : memref<32x128xf32, #tpu.memory_space<vmem>>) dst(%dma_wait3A_150 : memref<10240x128xf32, #tpu.memory_space<vmem_shared>>)
        %scan3A_151 = arith.constant 0 : i32
        %scan3A_152 = arith.constant 0 : i32
        %scan3A_153 = arith.constant 48 : i32
        %scan3A_154 = arith.addi %scan3A_152, %scan3A_153 : i32
        %scan3A_155 = arith.constant 1 : i32
        scf.for %scan3A_157 = %scan3A_152 to %scan3A_154 step %scan3A_155  : i32 {
          %dma_wait3A_158 = arith.constant 0 : i32
          %dma_wait3A_159 = arith.constant 0 : i32
          %dma_wait3A_160 = tpu.memref_slice %arg12[%dma_wait3A_158, %dma_wait3A_159] : memref<48x32xi32, #tpu.memory_space<vmem>> -> memref<1x32xi32, #tpu.memory_space<vmem>>
          %dma_wait3A_161 = tpu.memref_squeeze %dma_wait3A_160 : memref<1x32xi32, #tpu.memory_space<vmem>> -> memref<32xi32, #tpu.memory_space<vmem>>
          %dma_wait3A_162 = arith.constant 0 : i32
          %dma_wait3A_163 = tpu.memref_slice %arg26[%dma_wait3A_162] : memref<10240xf32, #tpu.memory_space<vmem_shared>> -> memref<10240xf32, #tpu.memory_space<vmem_shared>>
          tpu.wait_indirect_dma semaphore(%arg43 : memref<!tpu.dma_semaphore, #tpu.memory_space<semaphore_mem>>) src(%arg23 : memref<32xf32, #tpu.memory_space<vmem>>) dst(%dma_wait3A_163 : memref<10240xf32, #tpu.memory_space<vmem_shared>>)
        }
        %scan3A_156 = arith.constant 48 : i32
      }
      %scan3A_51 = arith.constant 13 : i32
      "tpu.region"() ({
        %run_scoped3A_56 = tpu.sem_alloc : memref<!tpu.dma_semaphore, #tpu.memory_space<semaphore_mem>>
        %dma_start3A = arith.constant 0 : i32
        %dma_start3A_57 = arith.constant 0 : i32
        %dma_start3A_58 = tpu.memref_slice %arg5[%arg1, %dma_start3A, %dma_start3A_57] : memref<16x1x32xi32, #tpu.memory_space<hbm>> -> memref<1x1x32xi32, #tpu.memory_space<hbm>>
        %dma_start3A_59 = tpu.memref_squeeze %dma_start3A_58 : memref<1x1x32xi32, #tpu.memory_space<hbm>> -> memref<1x32xi32, #tpu.memory_space<hbm>>
        %dma_start3A_60 = arith.constant 0 : i32
        %dma_start3A_61 = arith.constant 0 : i32
        %dma_start3A_62 = tpu.memref_slice %arg5[%arg1, %dma_start3A_60, %dma_start3A_61] : memref<16x1x32xi32, #tpu.memory_space<hbm>> -> memref<1x1x32xi32, #tpu.memory_space<hbm>>
        %dma_start3A_63 = tpu.memref_squeeze %dma_start3A_62 : memref<1x1x32xi32, #tpu.memory_space<hbm>> -> memref<1x32xi32, #tpu.memory_space<hbm>>
        tpu.enqueue_dma source(%dma_start3A_63 : memref<1x32xi32, #tpu.memory_space<hbm>>) target(%arg14 : memref<1x32xi32, #tpu.memory_space<vmem>>) target_semaphore(%run_scoped3A_56 : memref<!tpu.dma_semaphore, #tpu.memory_space<semaphore_mem>>)
        %dma_wait3A = arith.constant 0 : i32
        %dma_wait3A_64 = arith.constant 0 : i32
        %dma_wait3A_65 = tpu.memref_slice %arg5[%arg1, %dma_wait3A, %dma_wait3A_64] : memref<16x1x32xi32, #tpu.memory_space<hbm>> -> memref<1x1x32xi32, #tpu.memory_space<hbm>>
        %dma_wait3A_66 = tpu.memref_squeeze %dma_wait3A_65 : memref<1x1x32xi32, #tpu.memory_space<hbm>> -> memref<1x32xi32, #tpu.memory_space<hbm>>
        %dma_wait3A_67 = arith.constant 0 : i32
        %dma_wait3A_68 = arith.constant 0 : i32
        %dma_wait3A_69 = tpu.memref_slice %arg5[%arg1, %dma_wait3A_67, %dma_wait3A_68] : memref<16x1x32xi32, #tpu.memory_space<hbm>> -> memref<1x1x32xi32, #tpu.memory_space<hbm>>
        %dma_wait3A_70 = tpu.memref_squeeze %dma_wait3A_69 : memref<1x1x32xi32, #tpu.memory_space<hbm>> -> memref<1x32xi32, #tpu.memory_space<hbm>>
        tpu.wait_dma2 semaphore(%run_scoped3A_56 : memref<!tpu.dma_semaphore, #tpu.memory_space<semaphore_mem>>) src(%dma_wait3A_70 : memref<1x32xi32, #tpu.memory_space<hbm>>) dst(%arg14 : memref<1x32xi32, #tpu.memory_space<vmem>>)
        tpu.yield
      }) : () -> ()
      %mul3A_52 = arith.constant 20000 : i32
      %mul3A_53 = arith.muli %arg1, %mul3A_52 : i32
      %add3A = arith.constant 19968 : i32
      %add3A_54 = arith.addi %mul3A_53, %add3A : i32
      "tpu.region"() ({
        %run_scoped3A_56 = tpu.sem_alloc : memref<!tpu.dma_semaphore, #tpu.memory_space<semaphore_mem>>
        %dma_start3A = arith.constant 0 : i32
        %dma_start3A_57 = tpu.memref_slice %arg7[%add3A_54, %dma_start3A] : memref<320000x128xf32, #tpu.memory_space<hbm>> -> memref<32x128xf32, #tpu.memory_space<hbm>>
        %dma_start3A_58 = arith.constant 0 : i32
        %dma_start3A_59 = tpu.memref_slice %arg7[%add3A_54, %dma_start3A_58] : memref<320000x128xf32, #tpu.memory_space<hbm>> -> memref<32x128xf32, #tpu.memory_space<hbm>>
        tpu.enqueue_dma source(%dma_start3A_59 : memref<32x128xf32, #tpu.memory_space<hbm>>) target(%arg15 : memref<32x128xf32, #tpu.memory_space<vmem>>) target_semaphore(%run_scoped3A_56 : memref<!tpu.dma_semaphore, #tpu.memory_space<semaphore_mem>>)
        %dma_wait3A = arith.constant 0 : i32
        %dma_wait3A_60 = tpu.memref_slice %arg7[%add3A_54, %dma_wait3A] : memref<320000x128xf32, #tpu.memory_space<hbm>> -> memref<32x128xf32, #tpu.memory_space<hbm>>
        %dma_wait3A_61 = arith.constant 0 : i32
        %dma_wait3A_62 = tpu.memref_slice %arg7[%add3A_54, %dma_wait3A_61] : memref<320000x128xf32, #tpu.memory_space<hbm>> -> memref<32x128xf32, #tpu.memory_space<hbm>>
        tpu.wait_dma2 semaphore(%run_scoped3A_56 : memref<!tpu.dma_semaphore, #tpu.memory_space<semaphore_mem>>) src(%dma_wait3A_62 : memref<32x128xf32, #tpu.memory_space<hbm>>) dst(%arg15 : memref<32x128xf32, #tpu.memory_space<vmem>>)
        tpu.yield
      }) : () -> ()
      %run_scoped3A = arith.constant 0 : i32
      "tpu.region"() ({
        %run_scoped3A_56 = tpu.sem_alloc : memref<!tpu.dma_semaphore, #tpu.memory_space<semaphore_mem>>
        %dma_start3A = arith.constant 0 : i32
        %dma_start3A_57 = tpu.memref_slice %arg14[%run_scoped3A, %dma_start3A] : memref<1x32xi32, #tpu.memory_space<vmem>> -> memref<1x32xi32, #tpu.memory_space<vmem>>
        %dma_start3A_58 = tpu.memref_squeeze %dma_start3A_57 : memref<1x32xi32, #tpu.memory_space<vmem>> -> memref<32xi32, #tpu.memory_space<vmem>>
        %dma_start3A_59 = arith.constant 0 : i32
        %dma_start3A_60 = arith.constant 0 : i32
        %dma_start3A_61 = tpu.memref_slice %arg25[%dma_start3A_59, %dma_start3A_60] : memref<10240x128xf32, #tpu.memory_space<vmem_shared>> -> memref<10240x128xf32, #tpu.memory_space<vmem_shared>>
        tpu.enqueue_indirect_dma source(%arg15 : memref<32x128xf32, #tpu.memory_space<vmem>>) target(%dma_start3A_61 : memref<10240x128xf32, #tpu.memory_space<vmem_shared>>) offsets(%dma_start3A_58 : memref<32xi32, #tpu.memory_space<vmem>>) semaphore(%run_scoped3A_56 : memref<!tpu.dma_semaphore, #tpu.memory_space<semaphore_mem>>) {add = true}
        %dma_wait3A = arith.constant 0 : i32
        %dma_wait3A_62 = tpu.memref_slice %arg14[%run_scoped3A, %dma_wait3A] : memref<1x32xi32, #tpu.memory_space<vmem>> -> memref<1x32xi32, #tpu.memory_space<vmem>>
        %dma_wait3A_63 = tpu.memref_squeeze %dma_wait3A_62 : memref<1x32xi32, #tpu.memory_space<vmem>> -> memref<32xi32, #tpu.memory_space<vmem>>
        %dma_wait3A_64 = arith.constant 0 : i32
        %dma_wait3A_65 = arith.constant 0 : i32
        %dma_wait3A_66 = tpu.memref_slice %arg25[%dma_wait3A_64, %dma_wait3A_65] : memref<10240x128xf32, #tpu.memory_space<vmem_shared>> -> memref<10240x128xf32, #tpu.memory_space<vmem_shared>>
        tpu.wait_indirect_dma semaphore(%run_scoped3A_56 : memref<!tpu.dma_semaphore, #tpu.memory_space<semaphore_mem>>) src(%arg15 : memref<32x128xf32, #tpu.memory_space<vmem>>) dst(%dma_wait3A_66 : memref<10240x128xf32, #tpu.memory_space<vmem_shared>>)
        tpu.yield
      }) : () -> ()
      %run_scoped3A_55 = arith.constant 0 : i32
      "tpu.region"() ({
        %run_scoped3A_56 = tpu.sem_alloc : memref<!tpu.dma_semaphore, #tpu.memory_space<semaphore_mem>>
        %dma_start3A = arith.constant 0 : i32
        %dma_start3A_57 = tpu.memref_slice %arg14[%run_scoped3A_55, %dma_start3A] : memref<1x32xi32, #tpu.memory_space<vmem>> -> memref<1x32xi32, #tpu.memory_space<vmem>>
        %dma_start3A_58 = tpu.memref_squeeze %dma_start3A_57 : memref<1x32xi32, #tpu.memory_space<vmem>> -> memref<32xi32, #tpu.memory_space<vmem>>
        %dma_start3A_59 = arith.constant 0 : i32
        %dma_start3A_60 = tpu.memref_slice %arg26[%dma_start3A_59] : memref<10240xf32, #tpu.memory_space<vmem_shared>> -> memref<10240xf32, #tpu.memory_space<vmem_shared>>
        tpu.enqueue_indirect_dma source(%arg23 : memref<32xf32, #tpu.memory_space<vmem>>) target(%dma_start3A_60 : memref<10240xf32, #tpu.memory_space<vmem_shared>>) offsets(%dma_start3A_58 : memref<32xi32, #tpu.memory_space<vmem>>) semaphore(%run_scoped3A_56 : memref<!tpu.dma_semaphore, #tpu.memory_space<semaphore_mem>>) {add = true}
        %dma_wait3A = arith.constant 0 : i32
        %dma_wait3A_61 = tpu.memref_slice %arg14[%run_scoped3A_55, %dma_wait3A] : memref<1x32xi32, #tpu.memory_space<vmem>> -> memref<1x32xi32, #tpu.memory_space<vmem>>
        %dma_wait3A_62 = tpu.memref_squeeze %dma_wait3A_61 : memref<1x32xi32, #tpu.memory_space<vmem>> -> memref<32xi32, #tpu.memory_space<vmem>>
        %dma_wait3A_63 = arith.constant 0 : i32
        %dma_wait3A_64 = tpu.memref_slice %arg26[%dma_wait3A_63] : memref<10240xf32, #tpu.memory_space<vmem_shared>> -> memref<10240xf32, #tpu.memory_space<vmem_shared>>
        tpu.wait_indirect_dma semaphore(%run_scoped3A_56 : memref<!tpu.dma_semaphore, #tpu.memory_space<semaphore_mem>>) src(%arg23 : memref<32xf32, #tpu.memory_space<vmem>>) dst(%dma_wait3A_64 : memref<10240xf32, #tpu.memory_space<vmem_shared>>)
        tpu.yield
      }) : () -> ()
    } else {
    }
    %barrier3A_35 = arith.constant 0 : index
    tpu.barrier barrier_id(%barrier3A_35)
    %eq3A_36 = arith.constant 0 : i32
    %eq3A_37 = arith.cmpi eq, %arg0, %eq3A_36 : i32
    %convert_element_type3A_38 = arith.extui %eq3A_37 : i1 to i32
    %cond3A_39 = arith.constant 0 : i32
    %cond3A_40 = arith.cmpi ne, %convert_element_type3A_38, %cond3A_39 : i32
    scf.if %cond3A_40 {
      %mul3A_46 = arith.constant 640 : i32
      %mul3A_47 = arith.muli %arg1, %mul3A_46 : i32
      %mul3A_48 = arith.constant 640 : i32
      %mul3A_49 = arith.muli %arg1, %mul3A_48 : i32
      "tpu.region"() ({
        %run_scoped3A = tpu.sem_alloc : memref<!tpu.dma_semaphore, #tpu.memory_space<semaphore_mem>>
        %dma_start3A = arith.constant 0 : i32
        %dma_start3A_50 = tpu.memref_slice %arg8[%mul3A_49, %dma_start3A] : memref<10240x128xf32, #tpu.memory_space<hbm>> -> memref<640x128xf32, #tpu.memory_space<hbm>>
        %dma_start3A_51 = arith.constant 0 : i32
        %dma_start3A_52 = tpu.memref_slice %arg25[%mul3A_47, %dma_start3A_51] : memref<10240x128xf32, #tpu.memory_space<vmem_shared>> -> memref<640x128xf32, #tpu.memory_space<vmem_shared>>
        tpu.enqueue_dma source(%dma_start3A_52 : memref<640x128xf32, #tpu.memory_space<vmem_shared>>) target(%dma_start3A_50 : memref<640x128xf32, #tpu.memory_space<hbm>>) target_semaphore(%run_scoped3A : memref<!tpu.dma_semaphore, #tpu.memory_space<semaphore_mem>>)
        %dma_wait3A = arith.constant 0 : i32
        %dma_wait3A_53 = tpu.memref_slice %arg8[%mul3A_49, %dma_wait3A] : memref<10240x128xf32, #tpu.memory_space<hbm>> -> memref<640x128xf32, #tpu.memory_space<hbm>>
        %dma_wait3A_54 = arith.constant 0 : i32
        %dma_wait3A_55 = tpu.memref_slice %arg25[%mul3A_47, %dma_wait3A_54] : memref<10240x128xf32, #tpu.memory_space<vmem_shared>> -> memref<640x128xf32, #tpu.memory_space<vmem_shared>>
        tpu.wait_dma2 semaphore(%run_scoped3A : memref<!tpu.dma_semaphore, #tpu.memory_space<semaphore_mem>>) src(%dma_wait3A_55 : memref<640x128xf32, #tpu.memory_space<vmem_shared>>) dst(%dma_wait3A_53 : memref<640x128xf32, #tpu.memory_space<hbm>>)
        tpu.yield
      }) : () -> ()
    } else {
    }
    %eq3A_41 = arith.constant 1 : i32
    %eq3A_42 = arith.cmpi eq, %arg0, %eq3A_41 : i32
    %convert_element_type3A_43 = arith.extui %eq3A_42 : i1 to i32
    %cond3A_44 = arith.constant 0 : i32
    %cond3A_45 = arith.cmpi ne, %convert_element_type3A_43, %cond3A_44 : i32
    scf.if %cond3A_45 {
      %mul3A_46 = arith.constant 640 : i32
      %mul3A_47 = arith.muli %arg1, %mul3A_46 : i32
      %mul3A_48 = arith.constant 640 : i32
      %mul3A_49 = arith.muli %arg1, %mul3A_48 : i32
      "tpu.region"() ({
        %run_scoped3A = tpu.sem_alloc : memref<!tpu.dma_semaphore, #tpu.memory_space<semaphore_mem>>
        %dma_start3A = arith.constant 0 : i32
        %dma_start3A_54 = tpu.memref_slice %arg9[%mul3A_49, %dma_start3A] : memref<10240x128xf32, #tpu.memory_space<hbm>> -> memref<640x128xf32, #tpu.memory_space<hbm>>
        %dma_start3A_55 = arith.constant 0 : i32
        %dma_start3A_56 = tpu.memref_slice %arg25[%mul3A_47, %dma_start3A_55] : memref<10240x128xf32, #tpu.memory_space<vmem_shared>> -> memref<640x128xf32, #tpu.memory_space<vmem_shared>>
        tpu.enqueue_dma source(%dma_start3A_56 : memref<640x128xf32, #tpu.memory_space<vmem_shared>>) target(%dma_start3A_54 : memref<640x128xf32, #tpu.memory_space<hbm>>) target_semaphore(%run_scoped3A : memref<!tpu.dma_semaphore, #tpu.memory_space<semaphore_mem>>)
        %dma_wait3A = arith.constant 0 : i32
        %dma_wait3A_57 = tpu.memref_slice %arg9[%mul3A_49, %dma_wait3A] : memref<10240x128xf32, #tpu.memory_space<hbm>> -> memref<640x128xf32, #tpu.memory_space<hbm>>
        %dma_wait3A_58 = arith.constant 0 : i32
        %dma_wait3A_59 = tpu.memref_slice %arg25[%mul3A_47, %dma_wait3A_58] : memref<10240x128xf32, #tpu.memory_space<vmem_shared>> -> memref<640x128xf32, #tpu.memory_space<vmem_shared>>
        tpu.wait_dma2 semaphore(%run_scoped3A : memref<!tpu.dma_semaphore, #tpu.memory_space<semaphore_mem>>) src(%dma_wait3A_59 : memref<640x128xf32, #tpu.memory_space<vmem_shared>>) dst(%dma_wait3A_57 : memref<640x128xf32, #tpu.memory_space<hbm>>)
        tpu.yield
      }) : () -> ()
      %mul3A_50 = arith.constant 640 : i32
      %mul3A_51 = arith.muli %arg1, %mul3A_50 : i32
      %mul3A_52 = arith.constant 640 : i32
      %mul3A_53 = arith.muli %arg1, %mul3A_52 : i32
      "tpu.region"() ({
        %run_scoped3A = tpu.sem_alloc : memref<!tpu.dma_semaphore, #tpu.memory_space<semaphore_mem>>
        %dma_start3A = tpu.memref_slice %arg10[%mul3A_53] : memref<10240xf32, #tpu.memory_space<hbm>> -> memref<640xf32, #tpu.memory_space<hbm>>
        %dma_start3A_54 = tpu.memref_slice %arg26[%mul3A_51] : memref<10240xf32, #tpu.memory_space<vmem_shared>> -> memref<640xf32, #tpu.memory_space<vmem_shared>>
        tpu.enqueue_dma source(%dma_start3A_54 : memref<640xf32, #tpu.memory_space<vmem_shared>>) target(%dma_start3A : memref<640xf32, #tpu.memory_space<hbm>>) target_semaphore(%run_scoped3A : memref<!tpu.dma_semaphore, #tpu.memory_space<semaphore_mem>>)
        %dma_wait3A = tpu.memref_slice %arg10[%mul3A_53] : memref<10240xf32, #tpu.memory_space<hbm>> -> memref<640xf32, #tpu.memory_space<hbm>>
        %dma_wait3A_55 = tpu.memref_slice %arg26[%mul3A_51] : memref<10240xf32, #tpu.memory_space<vmem_shared>> -> memref<640xf32, #tpu.memory_space<vmem_shared>>
        tpu.wait_dma2 semaphore(%run_scoped3A : memref<!tpu.dma_semaphore, #tpu.memory_space<semaphore_mem>>) src(%dma_wait3A_55 : memref<640xf32, #tpu.memory_space<vmem_shared>>) dst(%dma_wait3A : memref<640xf32, #tpu.memory_space<hbm>>)
        tpu.yield
      }) : () -> ()
    } else {
    }
    return
  }
}

module attributes {stable_mosaic.version = 14 : i64} {
  func.func @_tc_body(%arg0: i32, %arg1: memref<1000x128xf32, #tpu.memory_space<vmem>>, %arg2: memref<1000x128xf32, #tpu.memory_space<vmem>>, %arg3: memref<1000x128xf32, #tpu.memory_space<vmem>>, %arg4: memref<1000x1xf32, #tpu.memory_space<vmem>>, %arg5: memref<128x128xf32, #tpu.memory_space<vmem>>, %arg6: memref<1x128xf32, #tpu.memory_space<vmem>>, %arg7: memref<128x128xf32, #tpu.memory_space<vmem>>, %arg8: memref<1x128xf32, #tpu.memory_space<vmem>>, %arg9: memref<1000x128xf32, #tpu.memory_space<vmem>>) attributes {dimension_semantics = [#tpu.dimension_semantics<arbitrary>], iteration_bounds = array<i64: 10>, scalar_prefetch = 0 : i64, scratch_operands = 0 : i64, tpu.core_type = #tpu.core_type<tc>, window_params = [{transform_indices = @transform_0, window_bounds = array<i64: 1000, 128>}, {transform_indices = @transform_1, window_bounds = array<i64: 1000, 128>}, {transform_indices = @transform_2, window_bounds = array<i64: 1000, 128>}, {transform_indices = @transform_3, window_bounds = array<i64: 1000, 1>}, {pipeline_mode = #tpu.pipeline_mode<synchronous>, transform_indices = @transform_4, window_bounds = array<i64: 128, 128>}, {pipeline_mode = #tpu.pipeline_mode<synchronous>, transform_indices = @transform_5, window_bounds = array<i64: 1, 128>}, {pipeline_mode = #tpu.pipeline_mode<synchronous>, transform_indices = @transform_6, window_bounds = array<i64: 128, 128>}, {pipeline_mode = #tpu.pipeline_mode<synchronous>, transform_indices = @transform_7, window_bounds = array<i64: 1, 128>}, {transform_indices = @transform_8, window_bounds = array<i64: 1000, 128>}]} {
    %get3A = arith.constant 0 : index
    %get3A_0 = arith.constant 0 : index
    %get3A_1 = vector.load %arg4[%get3A, %get3A_0] : memref<1000x1xf32, #tpu.memory_space<vmem>>, vector<1000x1xf32>
    %add3A = arith.constant 1.000000e+00 : f32
    %add3A_2 = vector.broadcast %add3A : f32 to vector<1000x1xf32>
    %add3A_3 = arith.addf %get3A_1, %add3A_2 : vector<1000x1xf32>
    %div3A = arith.constant 1.000000e+00 : f32
    %div3A_4 = vector.broadcast %div3A : f32 to vector<1000x1xf32>
    %div3A_5 = arith.divf %div3A_4, %add3A_3 : vector<1000x1xf32>
    %max3A = arith.constant 1.000000e+00 : f32
    %max3A_6 = vector.broadcast %max3A : f32 to vector<1000x1xf32>
    %max3A_7 = arith.maximumf %get3A_1, %max3A_6 : vector<1000x1xf32>
    %div3A_8 = arith.constant 1.000000e+00 : f32
    %div3A_9 = vector.broadcast %div3A_8 : f32 to vector<1000x1xf32>
    %div3A_10 = arith.divf %div3A_9, %max3A_7 : vector<1000x1xf32>
    %get3A_11 = arith.constant 0 : index
    %get3A_12 = arith.constant 0 : index
    %get3A_13 = vector.load %arg2[%get3A_11, %get3A_12] : memref<1000x128xf32, #tpu.memory_space<vmem>>, vector<1000x128xf32>
    %get3A_14 = arith.constant 0 : index
    %get3A_15 = arith.constant 0 : index
    %get3A_16 = vector.load %arg1[%get3A_14, %get3A_15] : memref<1000x128xf32, #tpu.memory_space<vmem>>, vector<1000x128xf32>
    %mul3A = vector.broadcast %div3A_5 : vector<1000x1xf32> to vector<1000x128xf32>
    %mul3A_17 = arith.mulf %get3A_16, %mul3A : vector<1000x128xf32>
    %add3A_18 = arith.addf %get3A_13, %mul3A_17 : vector<1000x128xf32>
    %get3A_19 = arith.constant 0 : index
    %get3A_20 = arith.constant 0 : index
    %get3A_21 = vector.load %arg3[%get3A_19, %get3A_20] : memref<1000x128xf32, #tpu.memory_space<vmem>>, vector<1000x128xf32>
    %mul3A_22 = vector.broadcast %div3A_10 : vector<1000x1xf32> to vector<1000x128xf32>
    %mul3A_23 = arith.mulf %get3A_21, %mul3A_22 : vector<1000x128xf32>
    %get3A_24 = arith.constant 0 : index
    %get3A_25 = arith.constant 0 : index
    %get3A_26 = vector.load %arg5[%get3A_24, %get3A_25] : memref<128x128xf32, #tpu.memory_space<vmem>>, vector<128x128xf32>
    %dot_general3A = arith.constant dense<0.000000e+00> : vector<1000x128xf32>
    %dot_general3A_27 = tpu.matmul %add3A_18, %get3A_26, %dot_general3A {dimension_numbers = #tpu.dot_dimension_numbers<[1], [0], [0], [1], [0, 0, 1, 1], [], []>, transpose_lhs_hint = false} : vector<1000x128xf32>, vector<128x128xf32>, vector<1000x128xf32> -> vector<1000x128xf32>
    %get3A_28 = arith.constant 0 : index
    %get3A_29 = arith.constant 0 : index
    %get3A_30 = vector.load %arg7[%get3A_28, %get3A_29] : memref<128x128xf32, #tpu.memory_space<vmem>>, vector<128x128xf32>
    %dot_general3A_31 = arith.constant dense<0.000000e+00> : vector<1000x128xf32>
    %dot_general3A_32 = tpu.matmul %mul3A_23, %get3A_30, %dot_general3A_31 {dimension_numbers = #tpu.dot_dimension_numbers<[1], [0], [0], [1], [0, 0, 1, 1], [], []>, transpose_lhs_hint = false} : vector<1000x128xf32>, vector<128x128xf32>, vector<1000x128xf32> -> vector<1000x128xf32>
    %add3A_33 = arith.addf %dot_general3A_27, %dot_general3A_32 : vector<1000x128xf32>
    %get3A_34 = arith.constant 0 : index
    %get3A_35 = arith.constant 0 : index
    %get3A_36 = vector.load %arg6[%get3A_34, %get3A_35] : memref<1x128xf32, #tpu.memory_space<vmem>>, vector<1x128xf32>
    %add3A_37 = arith.constant 1.000000e+00 : f32
    %add3A_38 = vector.broadcast %add3A_37 : f32 to vector<1000x1xf32>
    %add3A_39 = arith.addf %add3A_38, %div3A_5 : vector<1000x1xf32>
    %mul3A_40 = vector.broadcast %get3A_36 : vector<1x128xf32> to vector<1000x128xf32>
    %mul3A_41 = vector.broadcast %add3A_39 : vector<1000x1xf32> to vector<1000x128xf32>
    %mul3A_42 = arith.mulf %mul3A_40, %mul3A_41 : vector<1000x128xf32>
    %add3A_43 = arith.addf %add3A_33, %mul3A_42 : vector<1000x128xf32>
    %get3A_44 = arith.constant 0 : index
    %get3A_45 = arith.constant 0 : index
    %get3A_46 = vector.load %arg8[%get3A_44, %get3A_45] : memref<1x128xf32, #tpu.memory_space<vmem>>, vector<1x128xf32>
    %mul3A_47 = arith.mulf %get3A_1, %div3A_10 : vector<1000x1xf32>
    %mul3A_48 = vector.broadcast %get3A_46 : vector<1x128xf32> to vector<1000x128xf32>
    %mul3A_49 = vector.broadcast %mul3A_47 : vector<1000x1xf32> to vector<1000x128xf32>
    %mul3A_50 = arith.mulf %mul3A_48, %mul3A_49 : vector<1000x128xf32>
    %add3A_51 = arith.addf %add3A_43, %mul3A_50 : vector<1000x128xf32>
    %swap3A = arith.constant 0 : index
    %swap3A_52 = arith.constant 0 : index
    %swap3A_53 = vector.load %arg9[%swap3A, %swap3A_52] : memref<1000x128xf32, #tpu.memory_space<vmem>>, vector<1000x128xf32>
    tpu.vector_store %arg9[%swap3A, %swap3A_52], %add3A_51 {strides = array<i32>} : memref<1000x128xf32, #tpu.memory_space<vmem>>, vector<1000x128xf32>,
    return
  }
  func.func @transform_0(%arg0: i32) -> (i32, i32) {
    %c0_i32 = arith.constant 0 : i32
    %c0_i32_0 = arith.constant 0 : i32
    return %arg0, %c0_i32 : i32, i32
  }
  func.func @transform_1(%arg0: i32) -> (i32, i32) {
    %c0_i32 = arith.constant 0 : i32
    %c0_i32_0 = arith.constant 0 : i32
    return %arg0, %c0_i32 : i32, i32
  }
  func.func @transform_2(%arg0: i32) -> (i32, i32) {
    %c0_i32 = arith.constant 0 : i32
    %c0_i32_0 = arith.constant 0 : i32
    return %arg0, %c0_i32 : i32, i32
  }
  func.func @transform_3(%arg0: i32) -> (i32, i32) {
    %c0_i32 = arith.constant 0 : i32
    %c0_i32_0 = arith.constant 0 : i32
    return %arg0, %c0_i32 : i32, i32
  }
  func.func @transform_4(%arg0: i32) -> (i32, i32) {
    %c0_i32 = arith.constant 0 : i32
    %c0_i32_0 = arith.constant 0 : i32
    %c0_i32_1 = arith.constant 0 : i32
    return %c0_i32, %c0_i32_0 : i32, i32
  }
  func.func @transform_5(%arg0: i32) -> (i32, i32) {
    %c0_i32 = arith.constant 0 : i32
    %c0_i32_0 = arith.constant 0 : i32
    %c0_i32_1 = arith.constant 0 : i32
    return %c0_i32, %c0_i32_0 : i32, i32
  }
  func.func @transform_6(%arg0: i32) -> (i32, i32) {
    %c0_i32 = arith.constant 0 : i32
    %c0_i32_0 = arith.constant 0 : i32
    %c0_i32_1 = arith.constant 0 : i32
    return %c0_i32, %c0_i32_0 : i32, i32
  }
  func.func @transform_7(%arg0: i32) -> (i32, i32) {
    %c0_i32 = arith.constant 0 : i32
    %c0_i32_0 = arith.constant 0 : i32
    %c0_i32_1 = arith.constant 0 : i32
    return %c0_i32, %c0_i32_0 : i32, i32
  }
  func.func @transform_8(%arg0: i32) -> (i32, i32) {
    %c0_i32 = arith.constant 0 : i32
    %c0_i32_0 = arith.constant 0 : i32
    return %arg0, %c0_i32 : i32, i32
  }
}

</mosaic_0001>

<sc_bundles>
// kernel: kernel.4.cloned.1.call-start
scs
__scs_entry_jumppad:
0x0: {  	(pc) =	sbr.rel $0x88, $3  }
0x1: {  	(tag) =	ssettag $0x0;
	lr =	simm.s32 $0x1  }
0x2: {  	[smem:$0x3F9A] =	sst lr;
	_ =	strace $0xD0000000  }
0x3: {  	_ = 	snop  }
0x4: {  	_ = 	snop  }
0x5: {  	_ = 	snop  }
0x6: {  	_ = 	snop  }
0x7: {  	_ = 	snop  }
__scs_overlays_trampoline_lowered:
0x8: {  	[smem:$0x3FA9] =	sst s0  }
0x9: {  	[smem:$0x3FAA] =	sst s1  }
0xa: {  	[smem:$0x3FAB] =	sst s2  }
0xb: {  	[smem:$0x3FAC] =	sst s3  }
0xc: {  	[smem:$0x3FAD] =	sst s4  }
0xd: {  	[smem:$0x3FAE] =	sst s5  }
0xe: {  	[smem:$0x3FAF] =	sst s6  }
0xf: {  	[smem:$0x3FB0] =	sst s7  }
0x10: {  	[smem:$0x3FB1] =	sst s8  }
0x11: {  	[smem:$0x3FB2] =	sst s9;
	s0 =	simm.s32 @!p0 $0x0  }
0x12: {  	s1 =	sld [smem:$0x3F98];
	s0 =	simm.s32 @p0 $0x1  }
0x13: {  	[smem:$0x3FB3] =	sst s0;
	s0 =	simm.s32 @!p1 $0x0  }
0x14: {  	s2 =	sld [smem:$0x3F97];
	s0 =	simm.s32 @p1 $0x1  }
0x15: {  	[smem:$0x3FB4] =	sst s0;
	s0 =	simm.s32 @!p2 $0x0  }
0x16: {  	s3 =	sld [smem:$0x3FDB];
	s0 =	simm.s32 @p2 $0x1  }
0x17: {  	s4 =	simm.s32 $0x1BF5;
	[smem:$0x3FB6] =	sst s0  }
0x18: {  	s0 =	sld [smem:$0x3F99];
	_ =	swait.ge [sflag:s4], $0x0  }
0x19: {  	s7 =	sld [smem:$0x3F9A]  }
0x1a: {  	s8 =	sadd.s32 $0xFFFFE003, lr  }
0x1b: {  	s9 =	sadd.s32 $0xFFFFFEF7, lr;
	s5 =	simm.s32 $0xFFFFFFFF;
	p2 =	slt.u32 s8, $0xFFFFF086  }
0x1c: {  	p1 =	slt.u32 s9, $0xF7A;
	s5 =	simm.s32 @!p2 $0x0  }
0x1d: {  	s5 =	simm.s32 @p1 $0x1;
	p0 =	seq.s32 s7, s2  }
0x1e: {  	s7 =	smul.u32 @!p0 $0xF7A, s2;
	p2 =	seq.s32 @!p0 s5, $0x0  }
0x1f: {  	s9 =	smul.u32 $0xF7A, s1;
	s8 =	simm.s32 @!p0 $0x1BF5;
	p2 =	por !p2, p0  }
0x20: {  	[sflag:s8] =	ssyncset.s32 @!p0 $0xFFFFF086;
	s6 =	sadd.s32 @!p0 s3, s7;
	s7 =	simm.s32 @!p0 $0x108  }
0x21: {  	s3 =	sadd.s32 s3, s9;
	s6 =	sadd.s32 @!p0 $0x88, s6;
	s7 =	simm.s32 @p2 $0x1082  }
0x22: {  	[simem:s7], [sflag:s8] =	dma.local @!p0 [hbm:s6], $0xF7A  }
0x23: {  	s9 =	sor.u32 $0xD0000000, s2;
	s6 =	simm.s32 $0x108;
	_ =	swait.ge @!p0 [sflag:s8], $0x0  }
0x24: {  	s3 =	sadd.s32 $0x88, s3;
	s6 =	simm.s32 @!p1 $0x1082;
	[sflag:s4] =	ssyncset.s32 $0xFFFFF086  }
0x25: {  	[simem:s6], [sflag:s4] =	dma.local [hbm:s3], $0xF7A  }
0x26: {  	[smem:$0x3F9A] =	sst s1;
	(tag) =	ssettag s2;
	_ =	strace s9  }
0x27: {  	s1 =	sld [smem:$0x3FAA]  }
0x28: {  	s2 =	sld [smem:$0x3FAB]  }
0x29: {  	s4 =	sld [smem:$0x3FAD]  }
0x2a: {  	p0 =	seq.s32 s5, $0x0;
	s5 =	sld [smem:$0x3FAE]  }
0x2b: {  	s6 =	sld [smem:$0x3FAF]  }
0x2c: {  	s7 =	sld [smem:$0x3FB0]  }
0x2d: {  	s3 =	simm.s32 $0x108;
	s8 =	sld [smem:$0x3FB1]  }
0x2e: {  	s3 =	simm.s32 @!p0 $0x1082;
	s9 =	sld [smem:$0x3FB2]  }
0x2f: {  	lr =	sadd.s32 s0, s3;
	s0 =	sld [smem:$0x3FA9]  }
0x30: {  	s3 =	sld [smem:$0x3FAC]  }
0x31: {  	[smem:$0x3FB5] =	sst s10  }
0x32: {  	s10 =	sld [smem:$0x3FB3];
	_ =	sdelay $0x3  }
0x33: {  	p0 =	seq.s32 s10, $0x1;
	s10 =	sld [smem:$0x3FB5];
	_ =	sdelay $0x3  }
0x34: {  	[smem:$0x3FB5] =	sst s10  }
0x35: {  	s10 =	sld [smem:$0x3FB4];
	_ =	sdelay $0x3  }
0x36: {  	p1 =	seq.s32 s10, $0x1;
	s10 =	sld [smem:$0x3FB5];
	_ =	sdelay $0x3  }
0x37: {  	[smem:$0x3FB5] =	sst s10  }
0x38: {  	s10 =	sld [smem:$0x3FB6]  }
0x39: {  	_ = 	snop;
	(pc) =	sbr.ind lr, $3  }
0x3a: {  	_ = 	snop  }
0x3b: {  	_ = 	snop  }
0x3c: {  	p2 =	seq.s32 s10, $0x1;
	s10 =	sld [smem:$0x3FB5]  }
0x3d: {  	_ =	shalt  }
0x3e: {  	_ =	shalt  }
0x3f: {  	_ =	shalt  }
0x40: {  	_ =	shalt  }
0x41: {  	_ =	shalt  }
0x42: {  	_ =	shalt  }
0x43: {  	_ =	shalt  }
0x44: {  	_ =	shalt  }
0x45: {  	_ =	shalt  }
0x46: {  	_ =	shalt  }
0x47: {  	_ =	shalt  }
0x48: {  	_ =	shalt  }
0x49: {  	_ =	shalt  }
0x4a: {  	_ =	shalt  }
0x4b: {  	_ =	shalt  }
0x4c: {  	_ =	shalt  }
0x4d: {  	_ =	shalt  }
0x4e: {  	_ =	shalt  }
0x4f: {  	_ =	shalt  }
0x50: {  	_ =	shalt  }
0x51: {  	_ =	shalt  }
0x52: {  	_ =	shalt  }
0x53: {  	_ =	shalt  }
0x54: {  	_ =	shalt  }
0x55: {  	_ =	shalt  }
0x56: {  	_ =	shalt  }
0x57: {  	_ =	shalt  }
0x58: {  	_ =	shalt  }
0x59: {  	_ =	shalt  }
0x5a: {  	_ =	shalt  }
0x5b: {  	_ =	shalt  }
0x5c: {  	_ =	shalt  }
0x5d: {  	_ =	shalt  }
0x5e: {  	_ =	shalt  }
0x5f: {  	_ =	shalt  }
0x60: {  	_ =	shalt  }
0x61: {  	_ =	shalt  }
0x62: {  	_ =	shalt  }
0x63: {  	_ =	shalt  }
0x64: {  	_ =	shalt  }
0x65: {  	_ =	shalt  }
0x66: {  	_ =	shalt  }
0x67: {  	_ =	shalt  }
0x68: {  	_ =	shalt  }
0x69: {  	_ =	shalt  }
0x6a: {  	_ =	shalt  }
0x6b: {  	_ =	shalt  }
0x6c: {  	_ =	shalt  }
0x6d: {  	_ =	shalt  }
0x6e: {  	_ =	shalt  }
0x6f: {  	_ =	shalt  }
0x70: {  	_ =	shalt  }
0x71: {  	_ =	shalt  }
0x72: {  	_ =	shalt  }
0x73: {  	_ =	shalt  }
0x74: {  	_ =	shalt  }
0x75: {  	_ =	shalt  }
0x76: {  	_ =	shalt  }
0x77: {  	_ =	shalt  }
0x78: {  	_ =	shalt  }
0x79: {  	_ =	shalt  }
0x7a: {  	_ =	shalt  }
0x7b: {  	_ =	shalt  }
0x7c: {  	_ =	shalt  }
0x7d: {  	_ =	shalt  }
0x7e: {  	_ =	shalt  }
0x7f: {  	_ =	shalt  }
0x80: {  	_ =	shalt  }
0x81: {  	_ =	shalt  }
0x82: {  	_ =	shalt  }
0x83: {  	_ =	shalt  }
0x84: {  	_ =	shalt  }
0x85: {  	_ =	shalt  }
0x86: {  	_ =	shalt  }
0x87: {  	_ =	shalt  }
.Lfunc_end0:
.L_simem_size_0:
called_computation_lowered:
.L_overlay_start_0:
0x88: {  	s2 =	sld [smem:$0x3FD9]  }
0x89: {  	s3 =	sld [smem:$0x3FFE];
	_ =	sdelay $0x1  }
0x8a: {  	s1 =	srdreg.scid  }
0x8b: {  	s0 =	sand.u32 $0x1, s1  }
0x8c: {  	s17 =	sshll.u32 s0, $0xA;
	s2 =	sadd.s32 s3, s2  }
0x8d: {  	s2 =	sadd.s32 s2, s17  }
0x8e: {  	[smem:$0x3FC1] =	sst s2  }
0x8f: {  	_ = 	snop  }
0x90: {  	s2 =	sld [smem:$0x3FC9]  }
0x91: {  	s18 =	sld [smem:$0x3FC7]  }
0x92: {  	s4 =	sld [smem:$0x3FD0];
	(tm) =	ssettm $0x1  }
0x93: {  	s5 =	sld [smem:$0x3FFB];
	_ =	sdelay $0x3  }
0x94: {  	_ =	strace s5  }
0x95: {  	s5 =	sld [smem:$0x3FFC];
	_ =	sdelay $0x3  }
0x96: {  	_ =	strace s5  }
0x97: {  	s5 =	sld [smem:$0x3FFD];
	_ =	sdelay $0x3  }
0x98: {  	_ =	strace s5  }
0x99: {  	_ =	strace $0x8FFFFFFF  }
0x9a: {  	s19 =	sld [smem:$0x3FDB];
	_ =	sdelay $0x1  }
0x9b: {  	s6 =	simm.s32 $_scs_section_size  }
0x9c: {  	s7 =	simm.s32 $_size__tile_overlayer_lowered;
	s8 =	simm.s32 $_tile_overlayer_lowered  }
0x9d: {  	s22 =	simm.s32 $0x1BFF;
	s21 =	sshll.u32 s8, $0x1;
	s5 =	sadd.s32 s6, s19  }
0x9e: {  	s9 =	simm.s32 $0x0;
	s20 =	sshll.u32 s7, $0x1;
	s7 =	sadd.s32 s21, s5  }
0x9f: {  	[timem:s9], [sflag:s22] =	dma.local [hbm:s7], s20  }
0xa0: {  	_ =	swait.ge [sflag:s22], s20  }
0xa1: {  	s6 =	ssub.s32 $0x0, s20;
	[sflag:s22] =	ssyncset.done $0x0  }
0xa2: {  	[sflag:s22] =	ssyncadd.s32 s6;
	_ =	sdelay $0x1  }
0xa3: {  	s23 =	simm.s32 $0x1B8B  }
0xa4: {  	_ =	swait.ge [sflag:s23], $0x1  }
0xa5: {  	[sflag:s23] =	ssyncset.done $0x0  }
0xa6: {  	s25 =	simm.s32 $0x1B8E;
	s24 =	sld [smem:$0x3FFE];
	[sflag:s23] =	ssyncadd.s32 $0xFFFFFFFF  }
0xa7: {  	s26 =	simm.s32 $execute0_lowered;
	[smem:$0x3FD2] =	sst s25  }
0xa8: {  	s7 =	sshll.u32 s26, $0x1;
	_ =	strace $0x80000046;
	[dreg:$0x1] =	wrdreg $0xFFFFFFFF  }
0xa9: {  	s28 =	simm.s32 $_size_execute0_lowered;
	s5 =	sadd.s32 s5, s7;
	[dreg:$0x0] =	wrdreg $0x0  }
0xaa: {  	s7 =	sshll.u32 s28, $0x1;
	[dreg:$0x2] =	wrdreg s5  }
0xab: {  	[dreg:$0x3] =	wrdreg s7  }
0xac: {  	[dreg:$0x4] =	wrdreg $0xC0  }
0xad: {  	_ =	task [dreg:s9], $0x5FFFF  }
0xae: {  	[dreg:$0x1] =	wrdreg $0xFFFFFFFF  }
0xaf: {  	[dreg:$0x0] =	wrdreg $0x60  }
0xb0: {  	[dreg:$0x2] =	wrdreg s4  }
0xb1: {  	[dreg:$0x3] =	wrdreg s24  }
0xb2: {  	[dreg:$0x4] =	wrdreg s2  }
0xb3: {  	[dreg:$0x5] =	wrdreg s18  }
0xb4: {  	[dreg:$0x6] =	wrdreg $0xB4000  }
0xb5: {  	[dreg:$0x7] =	wrdreg $0x1F4000  }
0xb6: {  	[dreg:$0x8] =	wrdreg $0x9  }
0xb7: {  	_ =	task.clear_ibuf [dreg:s9], $0x9FFFF;
	_ =	strace $0x90000046  }
0xb8: {  	s29 =	simm.s32 $0x9;
	_ =	strace $0x80000048  }
0xb9: {  	_ =	swait.ge [sflag:s29], $0x1  }
0xba: {  	[sflag:s29] =	ssyncadd.s32 $0xFFFFFFFF  }
0xbb: {  	_ =	strace $0x90000048  }
0xbc: {  	_ =	sfence  }
0xbd: {  	s30 =	sld [smem:$0x0];
	_ =	sdelay $0x2  }
0xbe: {  	s31 =	sshll.u32 s1, $0xD;
	s1 =	sshrl.u32 s1, $0x2  }
0xbf: {  	s3 =	sand.u32 $0x4000, s31;
	s1 =	sadd.s32 s1, s30  }
0xc0: {  	s0 =	sor.u32 s3, s0;
	s1 =	sshll.u32 s1, $0x11  }
0xc1: {  	s0 =	sor.u32 s1, s0  }
0xc2: {  	s0 =	sadd.s32 $0x8F2B, s0  }
0xc3: {  	[sflag:s0] =	ssyncadd.remote.s32 $0x1  }
0xc4: {  	_ =	sfence.sel $0xFFFF  }
0xc5: {  	[dreg:$0x0] =	wrdreg $0xFFFFFFFF;
	(pc) =	sbr.abs _section_cstart, $3  }
0xc6: {  	[dreg:$0x1] =	wrdreg $0xFFFFFFFF  }
0xc7: {  	_ =	task.clear_ibuf [dreg:s9], $0x2FFFF;
	_ =	strace $0x9FFFFFFF  }
0xc8: {  	(tm) =	ssettm $0x7FFFFFFF  }
0xc9: {  	_ =	shalt  }
tec
execute0_lowered:
.L_overlay_start_1:
0x0: {  	(tag) =	ssettag $0x1  }
0x1: {  	s0 =	rddreg [dreg:$0x1]  }
0x2: {  	s2 =	rddreg [dreg:$0x2]  }
0x3: {  	s12 =	rddreg [dreg:$0x3]  }
0x4: {  	s4 =	rddreg [dreg:$0x4];
	s13 =	stileid.u32  }
0x5: {  	s6 =	rddreg [dreg:$0x5];
	s1 =	smul.u32 $0x2800, s13  }
0x6: {  	s7 =	simm.s32 $0x0;
	s8 =	srdreg.scid;
	s5 =	smul.u32 $0x280, s13  }
0x7: {  	[smem:$0x7FF] =	sst s7;
	s22 =	sadd.s32 $0xB600, s0;
	s11 =	smul.u32 $0x50000, s13  }
0x8: {  	s3 =	sshll.u32 s13, $0x4;
	s25 =	smul.u32 $0xD, s13;
	s18 =	sadd.s32 $0x200, s12  }
0x9: {  	s19 =	sadd.s32 $0x400, s12;
	_ =	strace $0x80000047;
	[dreg:$0xc] =	wrdreg s18  }
0xa: {  	s16 =	smul.u32 $0x271000, s13;
	s21 =	sadd.s32 $0x600, s12;
	[dreg:$0xd] =	wrdreg s19  }
0xb: {  	s8 =	sand.u32 $0x1, s8;
	s17 =	smul.u32 $0x4E20, s13;
	[dreg:$0xe] =	wrdreg s21  }
0xc: {  	s3 =	sadd.s32 s3, s0;
	s10 =	ssub.s32 $0x2, s8;
	[dreg:$0x7] =	wrdreg s22  }
0xd: {  	s1 =	sadd.s32 s1, s0;
	s9 =	sshrl.u32 s5, $0x3;
	[dreg:$0xb] =	wrdreg s17  }
0xe: {  	s14 =	sshrl.u32 s10, $0x1;
	s5 =	sadd.s32 s5, s6;
	[dreg:$0x8] =	wrdreg s25  }
0xf: {  	s15 =	sshrl.u32 s11, $0x2;
	s23 =	sadd.s32 $0xB200, s3;
	[dreg:$0xa] =	wrdreg s5  }
0x10: {  	s20 =	sshrl.u32 s16, $0x3;
	s26 =	sadd.s32 $0xB400, s3;
	[dreg:$0xf] =	wrdreg s23  }
0x11: {  	s0 =	sadd.s32 s9, s0;
	s24 =	sadd.s32 $0x5A600, s1;
	[dreg:$0x13] =	wrdreg s26  }
0x12: {  	s9 =	ssub.s32 s10, s14;
	s29 =	sadd.s32 $0x32600, s1;
	[dreg:$0x11] =	wrdreg s24  }
0x13: {  	s14 =	sadd.s32 s15, s4;
	s5 =	sadd.s32 s12, s20;
	[dreg:$0x14] =	wrdreg s29  }
0x14: {  	s5 =	sadd.s32 $0x4E000, s5;
	[dreg:$0x9] =	wrdreg s14  }
0x15: {  	s0 =	sadd.s32 $0x1400, s0;
	[dreg:$0x10] =	wrdreg s5  }
0x16: {  	s3 =	smax.u32 s9, $0x1;
	[dreg:$0x12] =	wrdreg s0  }
0x17: {  	p0 =	sne.s32 s8, $0x0;
	s8 =	sadd.s32 $0x2000, s14;
	[dreg:$0x15] =	wrdreg s3  }
0x18: {  	s9 =	sadd.s32 $0x3000, s14;
	[dreg:$0x17] =	wrdreg s8  }
0x19: {  	s10 =	sadd.s32 $0x4000, s14;
	[dreg:$0x19] =	wrdreg s9  }
0x1a: {  	s11 =	sadd.s32 $0x5000, s14;
	[dreg:$0x1a] =	wrdreg s10  }
0x1b: {  	s30 =	smul.u32 $0x4E200, s13;
	s13 =	sadd.s32 $0x7000, s14;
	[dreg:$0x1b] =	wrdreg s11  }
0x1c: {  	s15 =	sadd.s32 $0x8000, s14;
	[dreg:$0x1d] =	wrdreg s13  }
0x1d: {  	s16 =	sadd.s32 $0x9000, s14;
	[dreg:$0x1e] =	wrdreg s15  }
0x1e: {  	s17 =	sadd.s32 $0xA000, s14;
	[dreg:$0x1f] =	wrdreg s16  }
0x1f: {  	s18 =	sadd.s32 $0xB000, s14;
	[smem:$0x7F4] =	sst s17  }
0x20: {  	s19 =	sadd.s32 $0xC000, s14;
	[smem:$0x7F5] =	sst s18  }
0x21: {  	s20 =	sadd.s32 $0xD000, s14;
	[smem:$0x7F6] =	sst s19  }
0x22: {  	s28 =	simm.s32 $0x3100;
	s21 =	sadd.s32 $0xE000, s14;
	[smem:$0x7F7] =	sst s20  }
0x23: {  	s31 =	simm.s32 $0x20;
	s23 =	sadd.s32 $0xF000, s14;
	[smem:$0x7F8] =	sst s21  }
0x24: {  	s1 =	simm.s32 $0x7;
	s24 =	sadd.s32 $0x10000, s14;
	[smem:$0x7F9] =	sst s23  }
0x25: {  	s26 =	sadd.s32 $0x11000, s14;
	s29 =	sadd.s32 $0x12000, s14;
	[smem:$0x7FA] =	sst s24  }
0x26: {  	s5 =	sadd.s32 $0x1000, s14;
	s0 =	sadd.s32 s30, s12;
	[smem:$0x7FB] =	sst s26  }
0x27: {  	s12 =	sadd.s32 $0x6000, s14;
	[smem:$0x7FC] =	sst s29;
	s30 =	sadd.s32 $0x13000, s14  }
0x28: {  	s18 =	simm.s32 $0x5100;
	s20 =	simm.s32 $0x6100;
	s21 =	simm.s32 $0x1  }
0x29: {  	s16 =	simm.s32 $0x2;
	s23 =	simm.s32 $0x3;
	s24 =	simm.s32 $0x9100  }
.Ltmp0:
0x2a: {  	s26 =	simm.s32 $0x4;
	s11 =	simm.s32 $0xA100;
	(pc) =	sbr.rel .LBB2_1-.Ltmp0, $4  }
0x2b: {  	s10 =	simm.s32 $0x5;
	s3 =	simm.s32 $0x8;
	[dreg:$0x16] =	wrdreg s5  }
0x2c: {  	s19 =	simm.s32 $0xB;
	s8 =	simm.s32 $0xB100;
	[dreg:$0x18] =	wrdreg s0  }
0x2d: {  	s9 =	simm.s32 $0x11;
	s13 =	simm.s32 $0x0;
	[dreg:$0x1c] =	wrdreg s12  }
0x2e: {  	v0 =	vimm.f32 $1.000000000e+00;
	v1 =	vimm.f32 $0.0e+00;
	[smem:$0x7FD] =	sst s30;
	s5 =	simm.s32 $0x7100;
	s12 =	simm.s32 $0xC  }
.LBB2_8:
0x2f: {  	s0 =	rddreg [dreg:$0x13];
	s13 =	simm.s32 $0x3000;
	s17 =	simm.s32 $0x12  }
0x30: {  	[tilespmem:s13], [sflag:$0x12] =	stream.linear.gather [hbm4b:s0+s7], $0x80, $0x38;
	[tilespmem:$0x1F680] =	vst v63  }
0x31: {  	_ =	swait.ge [sflag:s17], $0x80  }
0x32: {  	[sflag:s17] =	ssyncset.done $0x0  }
0x33: {  	s14 =	simm.s32 $0x3080;
	s15 =	rddreg [dreg:$0xf];
	[sflag:s17] =	ssyncadd.s32 $0xFFFFFF80  }
0x34: {  	[tilespmem:s14], [sflag:$0x12] =	stream.linear.gather [hbm4b:s15+s7], $0x80, $0x38;
	[tilespmem:$0x1F680] =	vst v63  }
0x35: {  	_ =	swait.ge [sflag:s17], $0x80  }
0x36: {  	[sflag:s17] =	ssyncset.done $0x0  }
0x37: {  	[sflag:s17] =	ssyncadd.s32 $0xFFFFFF80  }
0x38: {  	[tilespmem:s28], [sflag:$0x12] =	stream.indirect.gather [hbm4b:s2+s31], $0x80, s13, s31, $0xb8;
	[tilespmem:$0x1F680] =	vst v63  }
0x39: {  	_ =	swait.ge [sflag:s17], $0x1000  }
0x3a: {  	[sflag:s17] =	ssyncset.done $0x0  }
0x3b: {  	[sflag:s17] =	ssyncadd.s32 $0xFFFFF000  }
0x3c: {  	[spmem:s4] =	stream.indirect.scatter.add.f32 [tilespmem:s28], [sflag:$0x12], $0x80, s14, s31, $0xb8;
	[tilespmem:$0x1F680] =	vst v63  }
0x3d: {  	_ =	swait.ge [sflag:s17], $0x1000  }
0x3e: {  	[sflag:s17] =	ssyncset.done $0x0  }
0x3f: {  	[sflag:s17] =	ssyncadd.s32 $0xFFFFF000  }
0x40: {  	s29 =	stileid.u32;
	[bflag:$0x0] =	sbarrier.arrive $0xFFFF  }
0x41: {  	s0 =	sshll.u32 s29, $0x6;
	s14 =	rddreg [dreg:$0x9]  }
0x42: {  	s0 =	sor.u32 $0x1C12, s0;
	s15 =	rddreg [dreg:$0x14];
	s30 =	sshrl.u32 s14, $0x3  }
0x43: {  	[hbm:s15], [sflag:s0] =	dma.local [spmem:s30], $0x2800  }
0x44: {  	_ =	swait.ge [sflag:s17], $0x2800  }
0x45: {  	[sflag:s17] =	ssyncset.done $0x0  }
0x46: {  	s13 =	sld [smem:$0x7F3];
	[sflag:s17] =	ssyncadd.s32 $0xFFFFD800  }
.LBB2_16:
0x47: {  	_ =	sdelay $0x1  }
0x48: {  	s0 =	rddreg [dreg:$0x15];
	s13 =	sadd.s32 $0x1, s13  }
0x49: {  	p1 =	sne.s32 s13, s0  }
.Ltmp1:
0x4a: {  	_ = 	snop;
	(pc) =	sbr.rel @!p1 .LBB2_17-.Ltmp1, $1  }
0x4b: {  	_ =	sdelay $0x3  }
.LBB2_1:
0x4c: {  	[tilespmem:$0xB100] =	vst v0  }
0x4d: {  	[tilespmem:$0xB110] =	vst v0  }
0x4e: {  	[tilespmem:$0xB180] =	vst v1  }
0x4f: {  	[tilespmem:$0xB190] =	vst v1  }
0x50: {  	[tilespmem:$0xB1A0] =	vst v1  }
0x51: {  	[tilespmem:$0xB1B0] =	vst v1  }
0x52: {  	[tilespmem:$0xB1C0] =	vst v1  }
0x53: {  	[tilespmem:$0xB1D0] =	vst v1  }
0x54: {  	[tilespmem:$0xB1E0] =	vst v1  }
0x55: {  	[tilespmem:$0xB1F0] =	vst v1  }
0x56: {  	[tilespmem:$0xB200] =	vst v1  }
0x57: {  	[tilespmem:$0xB210] =	vst v1  }
0x58: {  	[tilespmem:$0xB220] =	vst v1  }
0x59: {  	[tilespmem:$0xB230] =	vst v1  }
0x5a: {  	[tilespmem:$0xB240] =	vst v1  }
0x5b: {  	[tilespmem:$0xB250] =	vst v1  }
0x5c: {  	[tilespmem:$0xB260] =	vst v1  }
0x5d: {  	[tilespmem:$0xB270] =	vst v1  }
0x5e: {  	[tilespmem:$0xB280] =	vst v1  }
0x5f: {  	[tilespmem:$0xB290] =	vst v1  }
0x60: {  	[tilespmem:$0xB2A0] =	vst v1  }
0x61: {  	[tilespmem:$0xB2B0] =	vst v1  }
0x62: {  	[tilespmem:$0xB2C0] =	vst v1  }
0x63: {  	[tilespmem:$0xB2D0] =	vst v1  }
0x64: {  	[tilespmem:$0xB2E0] =	vst v1  }
0x65: {  	[tilespmem:$0xB2F0] =	vst v1  }
0x66: {  	[tilespmem:$0xB300] =	vst v1  }
0x67: {  	[tilespmem:$0xB310] =	vst v1  }
0x68: {  	[tilespmem:$0xB320] =	vst v1  }
0x69: {  	[tilespmem:$0xB330] =	vst v1  }
0x6a: {  	[tilespmem:$0xB340] =	vst v1  }
0x6b: {  	[tilespmem:$0xB350] =	vst v1  }
0x6c: {  	[tilespmem:$0xB360] =	vst v1  }
0x6d: {  	[tilespmem:$0xB370] =	vst v1  }
0x6e: {  	[tilespmem:$0xB380] =	vst v1  }
0x6f: {  	[tilespmem:$0xB390] =	vst v1  }
0x70: {  	[tilespmem:$0xB3A0] =	vst v1  }
0x71: {  	[tilespmem:$0xB3B0] =	vst v1  }
0x72: {  	[tilespmem:$0xB3C0] =	vst v1  }
0x73: {  	[tilespmem:$0xB3D0] =	vst v1  }
0x74: {  	[tilespmem:$0xB3E0] =	vst v1  }
0x75: {  	[smem:$0x7F3] =	sst s13;
	[tilespmem:$0xB3F0] =	vst v1;
	s0 =	simm.s32 $0x0;
	s13 =	simm.s32 $0x200  }
.LBB2_2:
0x76: {  	p1 =	sne.s32 s13, $0x3E00;
	[tilespmem:s0+$0x3170] =	vst v1  }
0x77: {  	[tilespmem:s0+$0x3100] =	vst v1  }
0x78: {  	[tilespmem:s0+$0x3110] =	vst v1  }
.Ltmp2:
0x79: {  	[tilespmem:s0+$0x3120] =	vst v1;
	(pc) =	sbr.rel @p1 .LBB2_2-.Ltmp2, $4  }
0x7a: {  	[tilespmem:s0+$0x3130] =	vst v1  }
0x7b: {  	[tilespmem:s0+$0x3140] =	vst v1  }
0x7c: {  	[tilespmem:s0+$0x3150] =	vst v1  }
0x7d: {  	[tilespmem:s0+$0x3160] =	vst v1;
	s0 =	sshra.s32 s13, $0x2;
	s13 =	sadd.s32 $0x200, s13  }
0x7e: {  	[tilespmem:s0+$0x3170] =	vst v1  }
0x7f: {  	[tilespmem:s0+$0x3100] =	vst v1  }
0x80: {  	[tilespmem:s0+$0x3110] =	vst v1  }
0x81: {  	[tilespmem:s0+$0x3120] =	vst v1  }
0x82: {  	[tilespmem:s0+$0x3130] =	vst v1  }
0x83: {  	[tilespmem:s0+$0x3140] =	vst v1  }
0x84: {  	[tilespmem:s0+$0x3150] =	vst v1  }
0x85: {  	[tilespmem:s0+$0x3160] =	vst v1;
	s13 =	simm.s32 $0x12  }
0x86: {  	[spmem:s14] =	stream.linear.scatter [tilespmem:s28], [sflag:$0x12], $0x1000, $0x38;
	[tilespmem:$0x1F680] =	vst v63  }
0x87: {  	_ =	swait.ge [sflag:s13], $0x1000  }
0x88: {  	[sflag:s13] =	ssyncset.done $0x0  }
0x89: {  	s30 =	rddreg [dreg:$0x16];
	[sflag:s13] =	ssyncadd.s32 $0xFFFFF000  }
0x8a: {  	[spmem:s30] =	stream.linear.scatter [tilespmem:s28], [sflag:$0x12], $0x1000, $0x38;
	[tilespmem:$0x1F680] =	vst v63  }
0x8b: {  	_ =	swait.ge [sflag:s13], $0x1000  }
0x8c: {  	[sflag:s13] =	ssyncset.done $0x0  }
0x8d: {  	s14 =	rddreg [dreg:$0x17];
	[sflag:s13] =	ssyncadd.s32 $0xFFFFF000  }
0x8e: {  	[spmem:s14] =	stream.linear.scatter [tilespmem:s28], [sflag:$0x12], $0x1000, $0x38;
	[tilespmem:$0x1F680] =	vst v63  }
0x8f: {  	_ =	swait.ge [sflag:s13], $0x1000  }
0x90: {  	[sflag:s13] =	ssyncset.done $0x0  }
0x91: {  	s15 =	rddreg [dreg:$0x19];
	[sflag:s13] =	ssyncadd.s32 $0xFFFFF000  }
0x92: {  	[spmem:s15] =	stream.linear.scatter [tilespmem:s28], [sflag:$0x12], $0x1000, $0x38;
	[tilespmem:$0x1F680] =	vst v63  }
0x93: {  	_ =	swait.ge [sflag:s13], $0x1000  }
0x94: {  	[sflag:s13] =	ssyncset.done $0x0  }
0x95: {  	s17 =	rddreg [dreg:$0x1a];
	[sflag:s13] =	ssyncadd.s32 $0xFFFFF000  }
0x96: {  	[spmem:s17] =	stream.linear.scatter [tilespmem:s28], [sflag:$0x12], $0x1000, $0x38;
	[tilespmem:$0x1F680] =	vst v63  }
0x97: {  	_ =	swait.ge [sflag:s13], $0x1000  }
0x98: {  	[sflag:s13] =	ssyncset.done $0x0  }
0x99: {  	s29 =	rddreg [dreg:$0x1b];
	[sflag:s13] =	ssyncadd.s32 $0xFFFFF000  }
0x9a: {  	[spmem:s29] =	stream.linear.scatter [tilespmem:s28], [sflag:$0x12], $0x1000, $0x38;
	[tilespmem:$0x1F680] =	vst v63  }
0x9b: {  	_ =	swait.ge [sflag:s13], $0x1000  }
0x9c: {  	[sflag:s13] =	ssyncset.done $0x0  }
0x9d: {  	s30 =	rddreg [dreg:$0x1c];
	[sflag:s13] =	ssyncadd.s32 $0xFFFFF000  }
0x9e: {  	[spmem:s30] =	stream.linear.scatter [tilespmem:s28], [sflag:$0x12], $0x1000, $0x38;
	[tilespmem:$0x1F680] =	vst v63  }
0x9f: {  	_ =	swait.ge [sflag:s13], $0x1000  }
0xa0: {  	[sflag:s13] =	ssyncset.done $0x0  }
0xa1: {  	s14 =	rddreg [dreg:$0x1d];
	[sflag:s13] =	ssyncadd.s32 $0xFFFFF000  }
0xa2: {  	[spmem:s14] =	stream.linear.scatter [tilespmem:s28], [sflag:$0x12], $0x1000, $0x38;
	[tilespmem:$0x1F680] =	vst v63  }
0xa3: {  	_ =	swait.ge [sflag:s13], $0x1000  }
0xa4: {  	[sflag:s13] =	ssyncset.done $0x0  }
0xa5: {  	s15 =	rddreg [dreg:$0x1e];
	[sflag:s13] =	ssyncadd.s32 $0xFFFFF000  }
0xa6: {  	[spmem:s15] =	stream.linear.scatter [tilespmem:s28], [sflag:$0x12], $0x1000, $0x38;
	[tilespmem:$0x1F680] =	vst v63  }
0xa7: {  	_ =	swait.ge [sflag:s13], $0x1000  }
0xa8: {  	[sflag:s13] =	ssyncset.done $0x0  }
0xa9: {  	s17 =	rddreg [dreg:$0x1f];
	[sflag:s13] =	ssyncadd.s32 $0xFFFFF000  }
0xaa: {  	[spmem:s17] =	stream.linear.scatter [tilespmem:s28], [sflag:$0x12], $0x1000, $0x38;
	[tilespmem:$0x1F680] =	vst v63  }
0xab: {  	_ =	swait.ge [sflag:s13], $0x1000  }
0xac: {  	s29 =	sld [smem:$0x7F4]  }
0xad: {  	[sflag:s13] =	ssyncset.done $0x0  }
0xae: {  	[sflag:s13] =	ssyncadd.s32 $0xFFFFF000  }
0xaf: {  	[spmem:s29] =	stream.linear.scatter [tilespmem:s28], [sflag:$0x12], $0x1000, $0x38;
	[tilespmem:$0x1F680] =	vst v63  }
0xb0: {  	_ =	swait.ge [sflag:s13], $0x1000  }
0xb1: {  	s30 =	sld [smem:$0x7F5]  }
0xb2: {  	[sflag:s13] =	ssyncset.done $0x0  }
0xb3: {  	[sflag:s13] =	ssyncadd.s32 $0xFFFFF000  }
0xb4: {  	[spmem:s30] =	stream.linear.scatter [tilespmem:s28], [sflag:$0x12], $0x1000, $0x38;
	[tilespmem:$0x1F680] =	vst v63  }
0xb5: {  	_ =	swait.ge [sflag:s13], $0x1000  }
0xb6: {  	s14 =	sld [smem:$0x7F6]  }
0xb7: {  	[sflag:s13] =	ssyncset.done $0x0  }
0xb8: {  	[sflag:s13] =	ssyncadd.s32 $0xFFFFF000  }
0xb9: {  	[spmem:s14] =	stream.linear.scatter [tilespmem:s28], [sflag:$0x12], $0x1000, $0x38;
	[tilespmem:$0x1F680] =	vst v63  }
0xba: {  	_ =	swait.ge [sflag:s13], $0x1000  }
0xbb: {  	s15 =	sld [smem:$0x7F7]  }
0xbc: {  	[sflag:s13] =	ssyncset.done $0x0  }
0xbd: {  	[sflag:s13] =	ssyncadd.s32 $0xFFFFF000  }
0xbe: {  	[spmem:s15] =	stream.linear.scatter [tilespmem:s28], [sflag:$0x12], $0x1000, $0x38;
	[tilespmem:$0x1F680] =	vst v63  }
0xbf: {  	_ =	swait.ge [sflag:s13], $0x1000  }
0xc0: {  	s17 =	sld [smem:$0x7F8]  }
0xc1: {  	[sflag:s13] =	ssyncset.done $0x0  }
0xc2: {  	[sflag:s13] =	ssyncadd.s32 $0xFFFFF000  }
0xc3: {  	[spmem:s17] =	stream.linear.scatter [tilespmem:s28], [sflag:$0x12], $0x1000, $0x38;
	[tilespmem:$0x1F680] =	vst v63  }
0xc4: {  	_ =	swait.ge [sflag:s13], $0x1000  }
0xc5: {  	s29 =	sld [smem:$0x7F9]  }
0xc6: {  	[sflag:s13] =	ssyncset.done $0x0  }
0xc7: {  	[sflag:s13] =	ssyncadd.s32 $0xFFFFF000  }
0xc8: {  	[spmem:s29] =	stream.linear.scatter [tilespmem:s28], [sflag:$0x12], $0x1000, $0x38;
	[tilespmem:$0x1F680] =	vst v63  }
0xc9: {  	_ =	swait.ge [sflag:s13], $0x1000  }
0xca: {  	s30 =	sld [smem:$0x7FA]  }
0xcb: {  	[sflag:s13] =	ssyncset.done $0x0  }
0xcc: {  	[sflag:s13] =	ssyncadd.s32 $0xFFFFF000  }
0xcd: {  	[spmem:s30] =	stream.linear.scatter [tilespmem:s28], [sflag:$0x12], $0x1000, $0x38;
	[tilespmem:$0x1F680] =	vst v63  }
0xce: {  	_ =	swait.ge [sflag:s13], $0x1000  }
0xcf: {  	s14 =	sld [smem:$0x7FB]  }
0xd0: {  	[sflag:s13] =	ssyncset.done $0x0  }
0xd1: {  	[sflag:s13] =	ssyncadd.s32 $0xFFFFF000  }
0xd2: {  	[spmem:s14] =	stream.linear.scatter [tilespmem:s28], [sflag:$0x12], $0x1000, $0x38;
	[tilespmem:$0x1F680] =	vst v63  }
0xd3: {  	_ =	swait.ge [sflag:s13], $0x1000  }
0xd4: {  	s15 =	sld [smem:$0x7FC]  }
0xd5: {  	[sflag:s13] =	ssyncset.done $0x0  }
0xd6: {  	[sflag:s13] =	ssyncadd.s32 $0xFFFFF000  }
0xd7: {  	[spmem:s15] =	stream.linear.scatter [tilespmem:s28], [sflag:$0x12], $0x1000, $0x38;
	[tilespmem:$0x1F680] =	vst v63  }
0xd8: {  	_ =	swait.ge [sflag:s13], $0x1000  }
0xd9: {  	s17 =	sld [smem:$0x7FD]  }
0xda: {  	[sflag:s13] =	ssyncset.done $0x0  }
0xdb: {  	[sflag:s13] =	ssyncadd.s32 $0xFFFFF000  }
0xdc: {  	[spmem:s17] =	stream.linear.scatter [tilespmem:s28], [sflag:$0x12], $0x1000, $0x38;
	[tilespmem:$0x1F680] =	vst v63  }
0xdd: {  	_ =	swait.ge [sflag:s13], $0x1000  }
0xde: {  	[sflag:s13] =	ssyncset.done $0x0  }
0xdf: {  	s30 =	simm.s32 $0xB180;
	s29 =	rddreg [dreg:$0xa];
	[sflag:s13] =	ssyncadd.s32 $0xFFFFF000  }
0xe0: {  	[spmem:s29] =	stream.linear.scatter [tilespmem:s30], [sflag:$0x12], $0x280, $0x38;
	[tilespmem:$0x1F680] =	vst v63  }
.Ltmp3:
0xe1: {  	_ =	swait.ge [sflag:s13], $0x280;
	(pc) =	sbr.rel @!p0 .LBB2_4-.Ltmp3, $4  }
0xe2: {  	[sflag:s13] =	ssyncset.done $0x0  }
0xe3: {  	[sflag:s13] =	ssyncadd.s32 $0xFFFFFD80  }
0xe4: {  	[bflag:$0x0] =	sbarrier.arrive $0xFFFF  }
0xe5: {  	s14 =	simm.s32 $0x0;
	s13 =	simm.s32 $0x0;
	s17 =	rddreg [dreg:$0x18]  }
.LBB2_9:
0xe6: {  	s0 =	sadd.s32 s25, s13  }
0xe7: {  	s0 =	smul.u32 $0x300, s0  }
0xe8: {  	[smem:$0x7F2] =	sst s13;
	s30 =	simm.s32 $0x1800  }
0xe9: {  	s15 =	simm.s32 $0x0;
	s0 =	sadd.s32 s22, s0;
	s22 =	simm.s32 $0x12  }
0xea: {  	[tilespmem:s30], [sflag:$0x12] =	stream.linear.gather [hbm4b:s0+s15], $0x1800, $0x38;
	[tilespmem:$0x1F680] =	vst v63  }
0xeb: {  	s14 =	smul.u32 $0x600, s13;
	_ =	swait.ge [sflag:s22], $0x1800  }
0xec: {  	s25 =	rddreg [dreg:$0xb];
	[sflag:s22] =	ssyncset.done $0x0  }
0xed: {  	s0 =	sadd.s32 s25, s14;
	[sflag:s22] =	ssyncadd.s32 $0xFFFFE800  }
0xee: {  	s0 =	sshll.u32 s0, $0x4;
	s13 =	rddreg [dreg:$0x3]  }
0xef: {  	s30 =	rddreg [dreg:$0xc];
	s29 =	sadd.s32 s13, s0  }
0xf0: {  	[tilespmem:s28], [sflag:$0x1] =	stream.linear.gather [hbm4b:s29+s15], $0x1000, $0x38;
	[tilespmem:$0x1F680] =	vst v63  }
0xf1: {  	s22 =	simm.s32 $0x4100;
	s25 =	rddreg [dreg:$0xd];
	s13 =	sadd.s32 s0, s30  }
0xf2: {  	[tilespmem:s22], [sflag:$0x2] =	stream.linear.gather [hbm4b:s13+s15], $0x1000, $0x38;
	[tilespmem:$0x1F680] =	vst v63  }
0xf3: {  	s30 =	rddreg [dreg:$0xe];
	s29 =	sadd.s32 s0, s25  }
0xf4: {  	[tilespmem:s18], [sflag:$0x3] =	stream.linear.gather [hbm4b:s29+s15], $0x1000, $0x38;
	[tilespmem:$0x1F680] =	vst v63  }
0xf5: {  	s14 =	simm.s32 $0x0;
	s0 =	sadd.s32 s0, s30  }
0xf6: {  	[tilespmem:s20], [sflag:$0x4] =	stream.linear.gather [hbm4b:s0+s15], $0x1000, $0x38;
	[tilespmem:$0x1F680] =	vst v63  }
.LBB2_10:
0xf7: {  	_ =	swait.ge [sflag:s21], $0x1000  }
0xf8: {  	s30 =	sshra.s32 s14, $0x2;
	[sflag:s21] =	ssyncset.done $0x0  }
0xf9: {  	s0 =	sadd.s32 $0x1800, s30;
	[sflag:s21] =	ssyncadd.s32 $0xFFFFF000  }
0xfa: {  	[spmem:s4] =	stream.indirect.scatter.add.f32 [tilespmem:s28], [sflag:$0x9], $0x80, s0, s31, $0xb8;
	[tilespmem:$0x1F680] =	vst v63  }
0xfb: {  	p1 =	seq.s32 s14, $0x0  }
0xfc: {  	[spmem:s6] =	stream.indirect.scatter.add.f32 [tilespmem:s8], [sflag:$0x11], $0x1, s0, s31, $0xb8;
	[tilespmem:$0x1F680] =	vst v63  }
0xfd: {  	s0 =	simm.s32 @!p1 $0xD  }
0xfe: {  	_ =	swait.ge @!p1 [sflag:s0], $0x1000  }
0xff: {  	s15 =	sadd.s32 s14, s17;
	[sflag:s0] =	ssyncset.done @!p1 $0x0  }
0x100: {  	s25 =	sadd.s32 $0x800, s15;
	[sflag:s0] =	ssyncadd.s32 @!p1 $0xFFFFF000  }
0x101: {  	[tilespmem:s5], [sflag:$0x5] =	stream.linear.gather [hbm4b:s25+s7], $0x1000, $0x38;
	[tilespmem:$0x1F680] =	vst v63  }
0x102: {  	_ =	swait.ge [sflag:s16], $0x1000  }
0x103: {  	[sflag:s16] =	ssyncset.done $0x0  }
0x104: {  	s13 =	simm.s32 $0x4100;
	s29 =	sadd.s32 $0x1880, s30;
	[sflag:s16] =	ssyncadd.s32 $0xFFFFF000  }
0x105: {  	[spmem:s4] =	stream.indirect.scatter.add.f32 [tilespmem:s13], [sflag:$0xA], $0x80, s29, s31, $0xb8;
	[tilespmem:$0x1F680] =	vst v63  }
0x106: {  	s0 =	simm.s32 @!p1 $0xE  }
0x107: {  	[spmem:s6] =	stream.indirect.scatter.add.f32 [tilespmem:s8], [sflag:$0x11], $0x1, s29, s31, $0xb8;
	[tilespmem:$0x1F680] =	vst v63  }
0x108: {  	_ =	swait.ge @!p1 [sflag:s0], $0x1000  }
0x109: {  	[sflag:s0] =	ssyncset.done @!p1 $0x0  }
0x10a: {  	s22 =	simm.s32 $0x8100;
	s13 =	sadd.s32 $0xA00, s15;
	[sflag:s0] =	ssyncadd.s32 @!p1 $0xFFFFF000  }
0x10b: {  	[tilespmem:s22], [sflag:$0x6] =	stream.linear.gather [hbm4b:s13+s7], $0x1000, $0x38;
	[tilespmem:$0x1F680] =	vst v63  }
0x10c: {  	_ =	swait.ge [sflag:s23], $0x1000  }
0x10d: {  	[sflag:s23] =	ssyncset.done $0x0  }
0x10e: {  	s25 =	sadd.s32 $0x1900, s30;
	[sflag:s23] =	ssyncadd.s32 $0xFFFFF000  }
0x10f: {  	[spmem:s4] =	stream.indirect.scatter.add.f32 [tilespmem:s18], [sflag:$0xB], $0x80, s25, s31, $0xb8;
	[tilespmem:$0x1F680] =	vst v63  }
0x110: {  	s0 =	simm.s32 @!p1 $0xF  }
0x111: {  	[spmem:s6] =	stream.indirect.scatter.add.f32 [tilespmem:s8], [sflag:$0x11], $0x1, s25, s31, $0xb8;
	[tilespmem:$0x1F680] =	vst v63  }
0x112: {  	_ =	swait.ge @!p1 [sflag:s0], $0x1000  }
0x113: {  	[sflag:s0] =	ssyncset.done @!p1 $0x0  }
0x114: {  	s29 =	sadd.s32 $0xC00, s15;
	[sflag:s0] =	ssyncadd.s32 @!p1 $0xFFFFF000  }
0x115: {  	[tilespmem:s24], [sflag:$0x7] =	stream.linear.gather [hbm4b:s29+s7], $0x1000, $0x38;
	[tilespmem:$0x1F680] =	vst v63  }
0x116: {  	_ =	swait.ge [sflag:s26], $0x1000  }
0x117: {  	[sflag:s26] =	ssyncset.done $0x0  }
0x118: {  	s13 =	sadd.s32 $0x1980, s30;
	[sflag:s26] =	ssyncadd.s32 $0xFFFFF000  }
0x119: {  	[spmem:s4] =	stream.indirect.scatter.add.f32 [tilespmem:s20], [sflag:$0xC], $0x80, s13, s31, $0xb8;
	[tilespmem:$0x1F680] =	vst v63  }
0x11a: {  	s0 =	simm.s32 @!p1 $0x10  }
0x11b: {  	[spmem:s6] =	stream.indirect.scatter.add.f32 [tilespmem:s8], [sflag:$0x11], $0x1, s13, s31, $0xb8;
	[tilespmem:$0x1F680] =	vst v63  }
0x11c: {  	_ =	swait.ge @!p1 [sflag:s0], $0x1000  }
0x11d: {  	[sflag:s0] =	ssyncset.done @!p1 $0x0  }
0x11e: {  	s22 =	sadd.s32 $0xE00, s15;
	[sflag:s0] =	ssyncadd.s32 @!p1 $0xFFFFF000  }
0x11f: {  	[tilespmem:s11], [sflag:$0x8] =	stream.linear.gather [hbm4b:s22+s7], $0x1000, $0x38;
	[tilespmem:$0x1F680] =	vst v63  }
0x120: {  	_ =	swait.ge [sflag:s10], $0x1000  }
0x121: {  	[sflag:s10] =	ssyncset.done $0x0  }
0x122: {  	s25 =	sadd.s32 $0x1A00, s30;
	p1 =	seq.s32 s14, $0x5000;
	[sflag:s10] =	ssyncadd.s32 $0xFFFFF000  }
0x123: {  	[spmem:s4] =	stream.indirect.scatter.add.f32 [tilespmem:s5], [sflag:$0xD], $0x80, s25, s31, $0xb8;
	[tilespmem:$0x1F680] =	vst v63  }
0x124: {  	s0 =	simm.s32 @p1 $0x6  }
0x125: {  	[spmem:s6] =	stream.indirect.scatter.add.f32 [tilespmem:s8], [sflag:$0x11], $0x1, s25, s31, $0xb8;
	[tilespmem:$0x1F680] =	vst v63  }
0x126: {  	_ =	swait.ge @p1 [sflag:s0], $0x1000  }
0x127: {  	[sflag:s0] =	ssyncset.done @p1 $0x0  }
0x128: {  	[sflag:s0] =	ssyncadd.s32 @p1 $0xFFFFF000;
	s0 =	sshra.s32 @p1 s14, $0x2  }
0x129: {  	s29 =	simm.s32 @p1 $0x20;
	s13 =	simm.s32 @p1 $0x8100;
	s0 =	sadd.s32 @p1 $0x1A80, s0  }
0x12a: {  	[spmem:s4] =	stream.indirect.scatter.add.f32 @p1 [tilespmem:s13], [sflag:$0xE], $0x80, s0, s29, $0xb8;
	[tilespmem:$0x1F680] =	vst v63  }
0x12b: {  	s13 =	simm.s32 @p1 $0xB100  }
0x12c: {  	[spmem:s6] =	stream.indirect.scatter.add.f32 @p1 [tilespmem:s13], [sflag:$0x11], $0x1, s0, s29, $0xb8;
	[tilespmem:$0x1F680] =	vst v63  }
0x12d: {  	s0 =	simm.s32 @!p1 $0x9  }
0x12e: {  	_ =	swait.ge @!p1 [sflag:s0], $0x1000  }
0x12f: {  	[sflag:s0] =	ssyncset.done @!p1 $0x0  }
0x130: {  	[sflag:s0] =	ssyncadd.s32 @!p1 $0xFFFFF000;
	s0 =	sadd.s32 @!p1 s14, s17  }
0x131: {  	s22 =	simm.s32 @!p1 $0x3100;
	s29 =	simm.s32 @!p1 $0x0;
	s13 =	sadd.s32 @!p1 $0x1000, s0  }
0x132: {  	[tilespmem:s22], [sflag:$0x1] =	stream.linear.gather @!p1 [hbm4b:s13+s29], $0x1000, $0x38;
	[tilespmem:$0x1F680] =	vst v63  }
0x133: {  	s13 =	simm.s32 @!p1 $0x6  }
0x134: {  	_ =	swait.ge @!p1 [sflag:s13], $0x1000  }
0x135: {  	[sflag:s13] =	ssyncset.done @!p1 $0x0  }
0x136: {  	[sflag:s13] =	ssyncadd.s32 @!p1 $0xFFFFF000;
	s13 =	sshra.s32 @!p1 s14, $0x2  }
0x137: {  	s25 =	simm.s32 @!p1 $0x8100;
	s22 =	simm.s32 @!p1 $0x20;
	s13 =	sadd.s32 @!p1 $0x1A80, s13  }
0x138: {  	[spmem:s4] =	stream.indirect.scatter.add.f32 @!p1 [tilespmem:s25], [sflag:$0xE], $0x80, s13, s22, $0xb8;
	[tilespmem:$0x1F680] =	vst v63  }
0x139: {  	s25 =	simm.s32 @!p1 $0xB100  }
0x13a: {  	[spmem:s6] =	stream.indirect.scatter.add.f32 @!p1 [tilespmem:s25], [sflag:$0x11], $0x1, s13, s22, $0xb8;
	[tilespmem:$0x1F680] =	vst v63  }
0x13b: {  	s13 =	simm.s32 @!p1 $0xA  }
0x13c: {  	_ =	swait.ge @!p1 [sflag:s13], $0x1000  }
0x13d: {  	[sflag:s13] =	ssyncset.done @!p1 $0x0  }
0x13e: {  	s0 =	sadd.s32 @!p1 $0x1200, s0;
	[sflag:s13] =	ssyncadd.s32 @!p1 $0xFFFFF000;
	s13 =	simm.s32 @!p1 $0x4100  }
0x13f: {  	[tilespmem:s13], [sflag:$0x2] =	stream.linear.gather @!p1 [hbm4b:s0+s29], $0x1000, $0x38;
	[tilespmem:$0x1F680] =	vst v63  }
0x140: {  	_ =	swait.ge [sflag:s1], $0x1000  }
.Ltmp4:
0x141: {  	[sflag:s1] =	ssyncset.done $0x0;
	(pc) =	sbr.rel @p1 .LBB2_12-.Ltmp4, $4  }
0x142: {  	s29 =	sadd.s32 $0x1B00, s30;
	[sflag:s1] =	ssyncadd.s32 $0xFFFFF000  }
0x143: {  	[spmem:s4] =	stream.indirect.scatter.add.f32 [tilespmem:s24], [sflag:$0xF], $0x80, s29, s31, $0xb8;
	[tilespmem:$0x1F680] =	vst v63  }
0x144: {  	s30 =	sadd.s32 $0x1B80, s30  }
0x145: {  	[spmem:s6] =	stream.indirect.scatter.add.f32 [tilespmem:s8], [sflag:$0x11], $0x1, s29, s31, $0xb8;
	[tilespmem:$0x1F680] =	vst v63  }
0x146: {  	_ =	swait.ge [sflag:s19], $0x1000  }
0x147: {  	[sflag:s19] =	ssyncset.done $0x0  }
0x148: {  	s0 =	sadd.s32 $0x1400, s15;
	[sflag:s19] =	ssyncadd.s32 $0xFFFFF000  }
0x149: {  	[tilespmem:s18], [sflag:$0x3] =	stream.linear.gather [hbm4b:s0+s7], $0x1000, $0x38;
	[tilespmem:$0x1F680] =	vst v63  }
0x14a: {  	_ =	swait.ge [sflag:s3], $0x1000  }
0x14b: {  	[sflag:s3] =	ssyncset.done $0x0  }
0x14c: {  	[sflag:s3] =	ssyncadd.s32 $0xFFFFF000  }
0x14d: {  	[spmem:s4] =	stream.indirect.scatter.add.f32 [tilespmem:s11], [sflag:$0x10], $0x80, s30, s31, $0xb8;
	[tilespmem:$0x1F680] =	vst v63  }
0x14e: {  	_ = 	snop  }
0x14f: {  	[spmem:s6] =	stream.indirect.scatter.add.f32 [tilespmem:s8], [sflag:$0x11], $0x1, s30, s31, $0xb8;
	[tilespmem:$0x1F680] =	vst v63  }
.Ltmp5:
0x150: {  	_ = 	snop;
	(pc) =	sbr.rel .LBB2_10-.Ltmp5, $4  }
0x151: {  	_ =	swait.ge [sflag:s12], $0x1000  }
0x152: {  	[sflag:s12] =	ssyncset.done $0x0  }
0x153: {  	s14 =	sadd.s32 $0x1000, s14;
	s30 =	sadd.s32 $0x1600, s15;
	[sflag:s12] =	ssyncadd.s32 $0xFFFFF000  }
0x154: {  	[tilespmem:s20], [sflag:$0x4] =	stream.linear.gather [hbm4b:s30+s7], $0x1000, $0x38;
	[tilespmem:$0x1F680] =	vst v63  }
.LBB2_12:
0x155: {  	_ =	swait.ge [sflag:s3], $0x1000  }
0x156: {  	[sflag:s3] =	ssyncset.done $0x0  }
0x157: {  	[sflag:s3] =	ssyncadd.s32 $0xFFFFF000  }
0x158: {  	[spmem:s4] =	stream.indirect.scatter.add.f32 [tilespmem:s11], [sflag:$0x10], $0x80, s30, s31, $0xb8;
	[tilespmem:$0x1F680] =	vst v63  }
0x159: {  	s0 =	simm.s32 $0x9  }
0x15a: {  	[spmem:s6] =	stream.indirect.scatter.add.f32 [tilespmem:s8], [sflag:$0x11], $0x1, s30, s31, $0xb8;
	[tilespmem:$0x1F680] =	vst v63  }
0x15b: {  	_ =	swait.ge [sflag:s0], $0x1000  }
0x15c: {  	[sflag:s0] =	ssyncset.done $0x0  }
0x15d: {  	s15 =	simm.s32 $0xA;
	[sflag:s0] =	ssyncadd.s32 $0xFFFFF000  }
0x15e: {  	_ =	swait.ge [sflag:s15], $0x1000  }
0x15f: {  	[sflag:s15] =	ssyncset.done $0x0  }
0x160: {  	[sflag:s15] =	ssyncadd.s32 $0xFFFFF000  }
0x161: {  	_ =	swait.ge [sflag:s19], $0x1000  }
0x162: {  	[sflag:s19] =	ssyncset.done $0x0  }
0x163: {  	[sflag:s19] =	ssyncadd.s32 $0xFFFFF000  }
0x164: {  	_ =	swait.ge [sflag:s12], $0x1000  }
0x165: {  	[sflag:s12] =	ssyncset.done $0x0  }
0x166: {  	s22 =	simm.s32 $0xD;
	[sflag:s12] =	ssyncadd.s32 $0xFFFFF000  }
0x167: {  	_ =	swait.ge [sflag:s22], $0x1000  }
0x168: {  	[sflag:s22] =	ssyncset.done $0x0  }
0x169: {  	s25 =	simm.s32 $0xE;
	[sflag:s22] =	ssyncadd.s32 $0xFFFFF000  }
0x16a: {  	_ =	swait.ge [sflag:s25], $0x1000  }
0x16b: {  	[sflag:s25] =	ssyncset.done $0x0  }
0x16c: {  	s29 =	simm.s32 $0xF;
	[sflag:s25] =	ssyncadd.s32 $0xFFFFF000  }
0x16d: {  	_ =	swait.ge [sflag:s29], $0x1000  }
0x16e: {  	[sflag:s29] =	ssyncset.done $0x0  }
0x16f: {  	s30 =	simm.s32 $0x10;
	[sflag:s29] =	ssyncadd.s32 $0xFFFFF000  }
0x170: {  	_ =	swait.ge [sflag:s30], $0x1000  }
0x171: {  	[sflag:s30] =	ssyncset.done $0x0  }
0x172: {  	[sflag:s30] =	ssyncadd.s32 $0xFFFFF000  }
0x173: {  	_ =	swait.ge [sflag:s9], $0x20  }
0x174: {  	s14 =	simm.s32 $0x2F;
	[sflag:s9] =	ssyncset.done $0x0  }
.LBB2_13:
0x175: {  	p1 =	sne.s32 s14, $0x1;
	s14 =	sadd.s32 $0xFFFFFFFF, s14;
	[sflag:s9] =	ssyncadd.s32 $0xFFFFFFE0  }
.Ltmp6:
0x176: {  	(pc) =	sbr.rel @p1 .LBB2_13-.Ltmp6, $3  }
0x177: {  	_ =	sdelay $0x1  }
0x178: {  	_ =	swait.ge [sflag:s9], $0x20  }
0x179: {  	[sflag:s9] =	ssyncset.done $0x0  }
0x17a: {  	s13 =	sld [smem:$0x7F2];
	_ =	sdelay $0x2  }
0x17b: {  	s13 =	sadd.s32 $0x1, s13  }
0x17c: {  	p1 =	sne.s32 s13, $0xD  }
.Ltmp7:
0x17d: {  	_ = 	snop;
	(pc) =	sbr.rel @p1 .LBB2_9-.Ltmp7, $3  }
0x17e: {  	_ =	sdelay $0x1  }
0x17f: {  	s22 =	rddreg [dreg:$0x7]  }
0x180: {  	[sflag:s9] =	ssyncadd.s32 $0xFFFFFFE0;
	s17 =	sadd.s32 $0x6000, s17;
	s25 =	rddreg [dreg:$0x8]  }
0x181: {  	s0 =	rddreg [dreg:$0xf];
	s13 =	simm.s32 $0x3080;
	s17 =	simm.s32 $0x12  }
0x182: {  	[tilespmem:s13], [sflag:$0x12] =	stream.linear.gather [hbm4b:s0+s7], $0x80, $0x38;
	[tilespmem:$0x1F680] =	vst v63  }
0x183: {  	_ =	swait.ge [sflag:s17], $0x80  }
0x184: {  	[sflag:s17] =	ssyncset.done $0x0  }
0x185: {  	s15 =	rddreg [dreg:$0x10];
	[sflag:s17] =	ssyncadd.s32 $0xFFFFFF80  }
0x186: {  	[tilespmem:s28], [sflag:$0x12] =	stream.linear.gather [hbm4b:s15+s7], $0x1000, $0x38;
	[tilespmem:$0x1F680] =	vst v63  }
0x187: {  	_ =	swait.ge [sflag:s17], $0x1000  }
0x188: {  	[sflag:s17] =	ssyncset.done $0x0  }
0x189: {  	[sflag:s17] =	ssyncadd.s32 $0xFFFFF000  }
0x18a: {  	[spmem:s4] =	stream.indirect.scatter.add.f32 [tilespmem:s28], [sflag:$0x12], $0x80, s13, s31, $0xb8;
	[tilespmem:$0x1F680] =	vst v63  }
0x18b: {  	_ =	swait.ge [sflag:s17], $0x1000  }
0x18c: {  	[sflag:s17] =	ssyncset.done $0x0  }
0x18d: {  	[sflag:s17] =	ssyncadd.s32 $0xFFFFF000  }
0x18e: {  	[spmem:s6] =	stream.indirect.scatter.add.f32 [tilespmem:s8], [sflag:$0x12], $0x1, s13, s31, $0xb8;
	[tilespmem:$0x1F680] =	vst v63  }
0x18f: {  	_ =	swait.ge [sflag:s17], $0x20  }
0x190: {  	[sflag:s17] =	ssyncset.done $0x0  }
0x191: {  	[sflag:s17] =	ssyncadd.s32 $0xFFFFFFE0  }
0x192: {  	s29 =	stileid.u32;
	[bflag:$0x0] =	sbarrier.arrive $0xFFFF  }
0x193: {  	s0 =	sshll.u32 s29, $0x6;
	s14 =	rddreg [dreg:$0x9]  }
0x194: {  	s0 =	sor.u32 $0x1C12, s0;
	s15 =	rddreg [dreg:$0x11];
	s30 =	sshrl.u32 s14, $0x3  }
0x195: {  	[hbm:s15], [sflag:s0] =	dma.local [spmem:s30], $0x2800  }
0x196: {  	_ =	swait.ge [sflag:s17], $0x2800  }
0x197: {  	s29 =	rddreg [dreg:$0xa]  }
0x198: {  	[sflag:s17] =	ssyncset.done $0x0;
	s30 =	rddreg [dreg:$0x12]  }
.Ltmp8:
0x199: {  	[sflag:s17] =	ssyncadd.s32 $0xFFFFD800;
	s13 =	sshrl.u32 s29, $0x3;
	(pc) =	sbr.rel .LBB2_16-.Ltmp8, $4  }
0x19a: {  	[hbm:s30], [sflag:s0] =	dma.local [spmem:s13], $0x50  }
0x19b: {  	_ =	swait.ge [sflag:s17], $0x50  }
0x19c: {  	[sflag:s17] =	ssyncset.done $0x0  }
0x19d: {  	s13 =	sld [smem:$0x7F3];
	[sflag:s17] =	ssyncadd.s32 $0xFFFFFFB0  }
.LBB2_7:
0x19e: {  	_ =	swait.ge [sflag:s3], $0x1000  }
0x19f: {  	[sflag:s3] =	ssyncset.done $0x0  }
0x1a0: {  	s0 =	simm.s32 $0x9;
	[sflag:s3] =	ssyncadd.s32 $0xFFFFF000  }
0x1a1: {  	[spmem:s4] =	stream.indirect.scatter.add.f32 [tilespmem:s11], [sflag:$0x10], $0x80, s17, s31, $0xb8;
	[tilespmem:$0x1F680] =	vst v63  }
0x1a2: {  	_ =	swait.ge [sflag:s0], $0x1000  }
0x1a3: {  	[sflag:s0] =	ssyncset.done $0x0  }
0x1a4: {  	s13 =	simm.s32 $0xA;
	[sflag:s0] =	ssyncadd.s32 $0xFFFFF000  }
0x1a5: {  	_ =	swait.ge [sflag:s13], $0x1000  }
0x1a6: {  	[sflag:s13] =	ssyncset.done $0x0  }
0x1a7: {  	[sflag:s13] =	ssyncadd.s32 $0xFFFFF000  }
0x1a8: {  	_ =	swait.ge [sflag:s19], $0x1000  }
0x1a9: {  	[sflag:s19] =	ssyncset.done $0x0  }
0x1aa: {  	[sflag:s19] =	ssyncadd.s32 $0xFFFFF000  }
0x1ab: {  	_ =	swait.ge [sflag:s12], $0x1000  }
0x1ac: {  	[sflag:s12] =	ssyncset.done $0x0  }
0x1ad: {  	s15 =	simm.s32 $0xD;
	[sflag:s12] =	ssyncadd.s32 $0xFFFFF000  }
0x1ae: {  	_ =	swait.ge [sflag:s15], $0x1000  }
0x1af: {  	[sflag:s15] =	ssyncset.done $0x0  }
0x1b0: {  	s17 =	simm.s32 $0xE;
	[sflag:s15] =	ssyncadd.s32 $0xFFFFF000  }
0x1b1: {  	_ =	swait.ge [sflag:s17], $0x1000  }
0x1b2: {  	[sflag:s17] =	ssyncset.done $0x0  }
0x1b3: {  	s29 =	simm.s32 $0xF;
	s14 =	sadd.s32 $0x1, s14;
	[sflag:s17] =	ssyncadd.s32 $0xFFFFF000  }
0x1b4: {  	p1 =	sne.s32 s14, $0xD;
	_ =	swait.ge [sflag:s29], $0x1000  }
.Ltmp9:
0x1b5: {  	[sflag:s29] =	ssyncset.done $0x0;
	(pc) =	sbr.rel @!p1 .LBB2_8-.Ltmp9, $4  }
0x1b6: {  	s30 =	simm.s32 $0x10;
	[sflag:s29] =	ssyncadd.s32 $0xFFFFF000  }
0x1b7: {  	_ =	swait.ge [sflag:s30], $0x1000  }
0x1b8: {  	[sflag:s30] =	ssyncset.done $0x0  }
0x1b9: {  	[sflag:s30] =	ssyncadd.s32 $0xFFFFF000  }
.LBB2_4:
0x1ba: {  	s13 =	sadd.s32 s25, s14  }
0x1bb: {  	s13 =	smul.u32 $0x300, s13  }
0x1bc: {  	s0 =	rddreg [dreg:$0x0]  }
0x1bd: {  	s17 =	simm.s32 $0x0;
	s29 =	simm.s32 $0x12;
	s15 =	sadd.s32 s0, s13  }
0x1be: {  	[tilespmem:s17], [sflag:$0x12] =	stream.linear.gather [hbm4b:s15+s17], $0x1800, $0x38;
	[tilespmem:$0x1F680] =	vst v63  }
0x1bf: {  	_ =	swait.ge [sflag:s29], $0x1800  }
0x1c0: {  	[sflag:s29] =	ssyncset.done $0x0  }
0x1c1: {  	s30 =	simm.s32 $0x1800;
	s13 =	sadd.s32 s22, s13;
	[sflag:s29] =	ssyncadd.s32 $0xFFFFE800  }
0x1c2: {  	[tilespmem:s30], [sflag:$0x12] =	stream.linear.gather [hbm4b:s13+s17], $0x1800, $0x38;
	[tilespmem:$0x1F680] =	vst v63  }
0x1c3: {  	_ =	swait.ge [sflag:s29], $0x1800  }
0x1c4: {  	[sflag:s29] =	ssyncset.done $0x0  }
0x1c5: {  	[sflag:s29] =	ssyncadd.s32 $0xFFFFE800  }
0x1c6: {  	[tilespmem:s28], [sflag:$0x1] =	stream.indirect.gather [hbm4b:s2+s31], $0x80, s17, s31, $0xb8;
	[tilespmem:$0x1F680] =	vst v63  }
0x1c7: {  	s15 =	simm.s32 $0x80;
	s17 =	simm.s32 $0x4100  }
0x1c8: {  	[tilespmem:s17], [sflag:$0x2] =	stream.indirect.gather [hbm4b:s2+s31], $0x80, s15, s31, $0xb8;
	[tilespmem:$0x1F680] =	vst v63  }
0x1c9: {  	s29 =	simm.s32 $0x100  }
0x1ca: {  	[tilespmem:s18], [sflag:$0x3] =	stream.indirect.gather [hbm4b:s2+s31], $0x80, s29, s31, $0xb8;
	[tilespmem:$0x1F680] =	vst v63  }
0x1cb: {  	s30 =	simm.s32 $0x180;
	s13 =	simm.s32 $0x0  }
0x1cc: {  	[tilespmem:s20], [sflag:$0x4] =	stream.indirect.gather [hbm4b:s2+s31], $0x80, s30, s31, $0xb8;
	[tilespmem:$0x1F680] =	vst v63  }
.LBB2_5:
0x1cd: {  	_ =	swait.ge [sflag:s21], $0x1000  }
0x1ce: {  	s15 =	sshra.s32 s13, $0x2;
	[sflag:s21] =	ssyncset.done $0x0  }
0x1cf: {  	p1 =	seq.s32 s13, $0x0;
	s17 =	sadd.s32 $0x1800, s15;
	[sflag:s21] =	ssyncadd.s32 $0xFFFFF000  }
0x1d0: {  	[spmem:s4] =	stream.indirect.scatter.add.f32 [tilespmem:s28], [sflag:$0x9], $0x80, s17, s31, $0xb8;
	[tilespmem:$0x1F680] =	vst v63  }
0x1d1: {  	s17 =	simm.s32 @!p1 $0xD  }
0x1d2: {  	_ =	swait.ge @!p1 [sflag:s17], $0x1000  }
0x1d3: {  	[sflag:s17] =	ssyncset.done @!p1 $0x0  }
0x1d4: {  	s29 =	sadd.s32 $0x200, s15;
	[sflag:s17] =	ssyncadd.s32 @!p1 $0xFFFFF000  }
0x1d5: {  	[tilespmem:s5], [sflag:$0x5] =	stream.indirect.gather [hbm4b:s2+s31], $0x80, s29, s31, $0xb8;
	[tilespmem:$0x1F680] =	vst v63  }
0x1d6: {  	_ =	swait.ge [sflag:s16], $0x1000  }
0x1d7: {  	s0 =	simm.s32 $0x4100;
	[sflag:s16] =	ssyncset.done $0x0  }
0x1d8: {  	s30 =	sadd.s32 $0x1880, s15;
	s17 =	simm.s32 @!p1 $0xE;
	[sflag:s16] =	ssyncadd.s32 $0xFFFFF000  }
0x1d9: {  	[spmem:s4] =	stream.indirect.scatter.add.f32 [tilespmem:s0], [sflag:$0xA], $0x80, s30, s31, $0xb8;
	[tilespmem:$0x1F680] =	vst v63  }
0x1da: {  	_ =	swait.ge @!p1 [sflag:s17], $0x1000  }
0x1db: {  	[sflag:s17] =	ssyncset.done @!p1 $0x0  }
0x1dc: {  	s29 =	sadd.s32 $0x280, s15;
	s30 =	simm.s32 $0x8100;
	[sflag:s17] =	ssyncadd.s32 @!p1 $0xFFFFF000  }
0x1dd: {  	[tilespmem:s30], [sflag:$0x6] =	stream.indirect.gather [hbm4b:s2+s31], $0x80, s29, s31, $0xb8;
	[tilespmem:$0x1F680] =	vst v63  }
0x1de: {  	_ =	swait.ge [sflag:s23], $0x1000  }
0x1df: {  	[sflag:s23] =	ssyncset.done $0x0  }
0x1e0: {  	s0 =	sadd.s32 $0x1900, s15;
	s17 =	simm.s32 @!p1 $0xF;
	[sflag:s23] =	ssyncadd.s32 $0xFFFFF000  }
0x1e1: {  	[spmem:s4] =	stream.indirect.scatter.add.f32 [tilespmem:s18], [sflag:$0xB], $0x80, s0, s31, $0xb8;
	[tilespmem:$0x1F680] =	vst v63  }
0x1e2: {  	_ =	swait.ge @!p1 [sflag:s17], $0x1000  }
0x1e3: {  	[sflag:s17] =	ssyncset.done @!p1 $0x0  }
0x1e4: {  	s29 =	sadd.s32 $0x300, s15;
	[sflag:s17] =	ssyncadd.s32 @!p1 $0xFFFFF000  }
0x1e5: {  	[tilespmem:s24], [sflag:$0x7] =	stream.indirect.gather [hbm4b:s2+s31], $0x80, s29, s31, $0xb8;
	[tilespmem:$0x1F680] =	vst v63  }
0x1e6: {  	_ =	swait.ge [sflag:s26], $0x1000  }
0x1e7: {  	[sflag:s26] =	ssyncset.done $0x0  }
0x1e8: {  	s30 =	sadd.s32 $0x1980, s15;
	s17 =	simm.s32 @!p1 $0x10;
	[sflag:s26] =	ssyncadd.s32 $0xFFFFF000  }
0x1e9: {  	[spmem:s4] =	stream.indirect.scatter.add.f32 [tilespmem:s20], [sflag:$0xC], $0x80, s30, s31, $0xb8;
	[tilespmem:$0x1F680] =	vst v63  }
0x1ea: {  	_ =	swait.ge @!p1 [sflag:s17], $0x1000  }
0x1eb: {  	[sflag:s17] =	ssyncset.done @!p1 $0x0  }
0x1ec: {  	s0 =	sadd.s32 $0x380, s15;
	[sflag:s17] =	ssyncadd.s32 @!p1 $0xFFFFF000  }
0x1ed: {  	[tilespmem:s11], [sflag:$0x8] =	stream.indirect.gather [hbm4b:s2+s31], $0x80, s0, s31, $0xb8;
	[tilespmem:$0x1F680] =	vst v63  }
0x1ee: {  	_ =	swait.ge [sflag:s10], $0x1000  }
0x1ef: {  	p1 =	seq.s32 s13, $0x5000;
	[sflag:s10] =	ssyncset.done $0x0  }
0x1f0: {  	s29 =	sadd.s32 $0x1A00, s15;
	s17 =	simm.s32 @p1 $0x6;
	[sflag:s10] =	ssyncadd.s32 $0xFFFFF000  }
0x1f1: {  	[spmem:s4] =	stream.indirect.scatter.add.f32 [tilespmem:s5], [sflag:$0xD], $0x80, s29, s31, $0xb8;
	[tilespmem:$0x1F680] =	vst v63  }
0x1f2: {  	_ =	swait.ge @p1 [sflag:s17], $0x1000  }
0x1f3: {  	[sflag:s17] =	ssyncset.done @p1 $0x0  }
0x1f4: {  	[sflag:s17] =	ssyncadd.s32 @p1 $0xFFFFF000;
	s17 =	sshra.s32 @p1 s13, $0x2  }
0x1f5: {  	s30 =	simm.s32 @p1 $0x20;
	s0 =	simm.s32 @p1 $0x8100;
	s17 =	sadd.s32 @p1 $0x1A80, s17  }
0x1f6: {  	[spmem:s4] =	stream.indirect.scatter.add.f32 @p1 [tilespmem:s0], [sflag:$0xE], $0x80, s17, s30, $0xb8;
	[tilespmem:$0x1F680] =	vst v63  }
0x1f7: {  	s0 =	simm.s32 @!p1 $0x9  }
0x1f8: {  	_ =	swait.ge @!p1 [sflag:s0], $0x1000  }
0x1f9: {  	[sflag:s0] =	ssyncset.done @!p1 $0x0  }
0x1fa: {  	[sflag:s0] =	ssyncadd.s32 @!p1 $0xFFFFF000;
	s0 =	sshra.s32 @!p1 s13, $0x2  }
0x1fb: {  	s29 =	simm.s32 @!p1 $0x3100;
	s30 =	simm.s32 @!p1 $0x20;
	s17 =	sadd.s32 @!p1 $0x400, s0  }
0x1fc: {  	[tilespmem:s29], [sflag:$0x1] =	stream.indirect.gather @!p1 [hbm4b:s2+s30], $0x80, s17, s30, $0xb8;
	[tilespmem:$0x1F680] =	vst v63  }
0x1fd: {  	s17 =	simm.s32 @!p1 $0x6  }
0x1fe: {  	_ =	swait.ge @!p1 [sflag:s17], $0x1000  }
0x1ff: {  	[sflag:s17] =	ssyncset.done @!p1 $0x0  }
0x200: {  	s29 =	simm.s32 @!p1 $0x8100;
	[sflag:s17] =	ssyncadd.s32 @!p1 $0xFFFFF000;
	s17 =	sadd.s32 @!p1 $0x1A80, s0  }
0x201: {  	[spmem:s4] =	stream.indirect.scatter.add.f32 @!p1 [tilespmem:s29], [sflag:$0xE], $0x80, s17, s30, $0xb8;
	[tilespmem:$0x1F680] =	vst v63  }
0x202: {  	s17 =	simm.s32 @!p1 $0xA  }
0x203: {  	_ =	swait.ge @!p1 [sflag:s17], $0x1000  }
0x204: {  	[sflag:s17] =	ssyncset.done @!p1 $0x0  }
0x205: {  	s0 =	sadd.s32 @!p1 $0x480, s0;
	[sflag:s17] =	ssyncadd.s32 @!p1 $0xFFFFF000;
	s17 =	simm.s32 @!p1 $0x4100  }
0x206: {  	[tilespmem:s17], [sflag:$0x2] =	stream.indirect.gather @!p1 [hbm4b:s2+s30], $0x80, s0, s30, $0xb8;
	[tilespmem:$0x1F680] =	vst v63  }
.Ltmp10:
0x207: {  	_ = 	snop;
	(pc) =	sbr.rel @p1 .LBB2_7-.Ltmp10, $4  }
0x208: {  	_ =	swait.ge [sflag:s1], $0x1000  }
0x209: {  	[sflag:s1] =	ssyncset.done $0x0  }
0x20a: {  	s30 =	sadd.s32 $0x1B00, s15;
	s17 =	sadd.s32 $0x1B80, s15;
	[sflag:s1] =	ssyncadd.s32 $0xFFFFF000  }
0x20b: {  	[spmem:s4] =	stream.indirect.scatter.add.f32 [tilespmem:s24], [sflag:$0xF], $0x80, s30, s31, $0xb8;
	[tilespmem:$0x1F680] =	vst v63  }
0x20c: {  	_ =	swait.ge [sflag:s19], $0x1000  }
0x20d: {  	[sflag:s19] =	ssyncset.done $0x0  }
0x20e: {  	s0 =	sadd.s32 $0x500, s15;
	[sflag:s19] =	ssyncadd.s32 $0xFFFFF000  }
0x20f: {  	[tilespmem:s18], [sflag:$0x3] =	stream.indirect.gather [hbm4b:s2+s31], $0x80, s0, s31, $0xb8;
	[tilespmem:$0x1F680] =	vst v63  }
0x210: {  	_ =	swait.ge [sflag:s3], $0x1000  }
0x211: {  	[sflag:s3] =	ssyncset.done $0x0  }
0x212: {  	[sflag:s3] =	ssyncadd.s32 $0xFFFFF000  }
0x213: {  	[spmem:s4] =	stream.indirect.scatter.add.f32 [tilespmem:s11], [sflag:$0x10], $0x80, s17, s31, $0xb8;
	[tilespmem:$0x1F680] =	vst v63  }
.Ltmp11:
0x214: {  	_ = 	snop;
	(pc) =	sbr.rel .LBB2_5-.Ltmp11, $4  }
0x215: {  	_ =	swait.ge [sflag:s12], $0x1000  }
0x216: {  	[sflag:s12] =	ssyncset.done $0x0  }
0x217: {  	s30 =	sadd.s32 $0x580, s15;
	s13 =	sadd.s32 $0x1000, s13;
	[sflag:s12] =	ssyncadd.s32 $0xFFFFF000  }
0x218: {  	[tilespmem:s20], [sflag:$0x4] =	stream.indirect.gather [hbm4b:s2+s31], $0x80, s30, s31, $0xb8;
	[tilespmem:$0x1F680] =	vst v63  }
.LBB2_17:
0x219: {  	_ =	sfence.sel $0x180000  }
0x21a: {  	[bflag:$0x0] =	sbarrier.arrive $0xFFFF  }
0x21b: {  	_ =	strace $0x90000047  }
0x21c: {  	s0 =	stileid.u32;
	[bflag:$0x2] =	sbarrier.arrive $0xFFFF  }
0x21d: {  	p0 =	sne.s32 s0, $0x0;
	s0 =	rddreg [dreg:$0x6]  }
0x21e: {  	s0 =	sadd.s32 @!p0 $0x100000, s0  }
0x21f: {  	[sflag:s0] =	ssyncadd.tile.s32 @!p0 $0x1;
	_ =	shalt  }
.Lfunc_end2:
_tile_overlayer_lowered:
.L_overlay_start_2:
0x220: {  	(tag) =	ssettag $0x2  }
0x221: {  	s0 =	rddreg [dreg:$0x0];
	s2 =	stileid.u32  }
0x222: {  	s1 =	rddreg [dreg:$0x1];
	p0 =	sne.s32 s2, $0x0  }
0x223: {  	s3 =	rddreg [dreg:$0x2];
	[bflag:$0x3] =	sbarrier.arrive $0xFFFF;
	s2 =	simm.s32 @!p0 $0x1C12  }
0x224: {  	[timem:s3], [sflag:s2] =	dma.local @!p0 [hbm:s0], s1  }
0x225: {  	s0 =	simm.s32 @!p0 $0x12  }
0x226: {  	_ =	swait.ge @!p0 [sflag:s0], s1  }
0x227: {  	s1 =	ssub.s32 @!p0 $0x0, s1;
	[sflag:s0] =	ssyncset.done @!p0 $0x0  }
0x228: {  	[sflag:s0] =	ssyncadd.s32 @!p0 s1  }
0x229: {  	[bflag:$0x3] =	sbarrier.arrive $0xFFFF  }
0x22a: {  	_ =	shalt  }

</sc_bundles>
